<compile_context>
chip_gen: v7x
topology: tpu7x:2x2x1
jax: 0.10.2.dev20260603
libtpu: 0.0.44.dev20260713+nightly
codegen_flags: <defaults>
</compile_context>

<pallas_src>
import functools

import jax
import jax.numpy as jnp
from jax import lax
from jax.experimental import pallas as pl
from jax.experimental.pallas import tpu as pltpu
from jax.experimental.pallas import tpu_sc as plsc

EMBED = 64
SENT = 50
UNIT = 2 * SENT
NC = 2
NS = 16
NW = NC * NS

NBUF = 5


@functools.lru_cache(maxsize=None)
def _build(n_tokens, n_b, n_r):
    n_sent = n_tokens // SENT
    n_units = n_sent // 2
    u_per_w = n_units // NW
    n_super = u_per_w // NBUF
    assert n_sent * SENT == n_tokens and n_units * 2 == n_sent
    assert u_per_w * NW == n_units and n_super * NBUF == u_per_w
    assert n_b * n_r == n_sent and n_r % 2 == 0
    mesh = plsc.VectorSubcoreMesh(core_axis_name="c", subcore_axis_name="s")

    @functools.partial(
        pl.kernel,
        mesh=mesh,
        out_type=jax.ShapeDtypeStruct((n_b, n_r, SENT, EMBED), jnp.float32),
        scratch_types=[
            pltpu.VMEM((u_per_w, UNIT), jnp.int32),
            pltpu.VMEM((NBUF, UNIT, EMBED), jnp.float32),
        ] + [pltpu.SemaphoreType.DMA] * (2 * NBUF),
        compiler_params=pltpu.CompilerParams(use_tc_tiling_on_sc=False),
    )
    def emb(tok_hbm, table_hbm, out_hbm, idx_v, rows_v, *sems):
        gsem = sems[:NBUF]
        wsem = sems[NBUF:]
        wid = lax.axis_index("s") * NC + lax.axis_index("c")
        base = wid * u_per_w
        pltpu.sync_copy(tok_hbm.at[pl.ds(base, u_per_w)], idx_v)

        def _gather_args(u, b):
            return (table_hbm.at[idx_v.at[u]], rows_v.at[b], gsem[b])

        def _wb_args(u, b, half):
            sent = 2 * (base + u) + half
            return (rows_v.at[b].at[pl.ds(half * SENT, SENT)],
                    out_hbm.at[sent // n_r, sent % n_r], wsem[b])

        def gather_start(u, b):
            pltpu.async_copy(*_gather_args(u, b))

        def gather_wait(u, b):
            pltpu.make_async_copy(*_gather_args(u, b)).wait()

        def wb_start(u, b):
            pltpu.async_copy(*_wb_args(u, b, 0))
            pltpu.async_copy(*_wb_args(u, b, 1))

        def wb_wait(u, b):
            pltpu.make_async_copy(*_wb_args(u, b, 0)).wait()
            pltpu.make_async_copy(*_wb_args(u, b, 1)).wait()

        for b in range(NBUF):
            gather_start(b, b)

        def superstep(g, carry):
            for b in range(NBUF):
                u = g * NBUF + b
                gather_wait(u, b)
                wb_start(u, b)
            for b in range(NBUF):
                u = g * NBUF + b
                wb_wait(u, b)
                gather_start(u + NBUF, b)
            return carry

        lax.fori_loop(0, n_super - 1, superstep, 0)

        g = n_super - 1
        for b in range(NBUF):
            u = g * NBUF + b
            gather_wait(u, b)
            wb_start(u, b)
        for b in range(NBUF):
            wb_wait(g * NBUF + b, b)

    return emb


def kernel(tokens, table):
    n_b, n_r, n_s = tokens.shape
    n_tokens = tokens.size
    units = tokens.reshape(n_tokens // UNIT, UNIT).astype(jnp.int32)
    return _build(n_tokens, n_b, n_r)(units, table)

# --- scband reference (transcript-rebuilt; emitter-appended) ---
"""Pipeline reference for scband-text-embeddings-66889820668420 (READ-ONLY COPY).

The authoritative reference and input builder live on the scoring server;
editing this copy changes nothing except your own understanding.
"""

import jax, jax.numpy as jnp
import numpy as np

VOCAB = 1000000
EMBED = 64

def setup_inputs(seed: int = 0) -> dict:
    key = jax.random.key(seed)
    k_tab, k_tok = jax.random.split(key)
    table = jax.random.normal(k_tab, (VOCAB, EMBED), dtype=jnp.float32)
    # nn.Embedding(padding_idx=0) zeroes the padding row at init
    table = table.at[0].set(0.0)
    tokens = jax.random.randint(k_tok, (1024, 10, 50), 0, VOCAB, dtype=jnp.int64)
    return {"tokens": tokens, "table": table}

def reference(tokens, table):
    # tok_embedding lookup: [B, R, S] -> [B, R, S, E]
    return jnp.take(table, tokens, axis=0)

if __name__ == "__main__":
    import jax
    _d = setup_inputs()
    print(jax.jit(kernel)(*tuple(_d.values())))

</pallas_src>

<mosaic_0001>
#map = affine_map<(d0, d1) -> (0, 0)>
#map1 = affine_map<(d0, d1) -> (0, 0, 0, 0)>
module attributes {stable_mosaic.version = 14 : i64} {
  func.func @emb(%arg0: i32, %arg1: i32, %arg2: memref<5120x100xi32, #tpu.memory_space<hbm>>, %arg3: memref<1000000x64xf32, #tpu.memory_space<hbm>>, %arg4: memref<1024x10x50x64xf32, #tpu.memory_space<hbm>>, %arg5: memref<160x100xi32, #tpu.memory_space<vmem>>, %arg6: memref<5x100x64xf32, #tpu.memory_space<vmem>>, %arg7: memref<!tpu.dma_semaphore, #tpu.memory_space<semaphore_mem>>, %arg8: memref<!tpu.dma_semaphore, #tpu.memory_space<semaphore_mem>>, %arg9: memref<!tpu.dma_semaphore, #tpu.memory_space<semaphore_mem>>, %arg10: memref<!tpu.dma_semaphore, #tpu.memory_space<semaphore_mem>>, %arg11: memref<!tpu.dma_semaphore, #tpu.memory_space<semaphore_mem>>, %arg12: memref<!tpu.dma_semaphore, #tpu.memory_space<semaphore_mem>>, %arg13: memref<!tpu.dma_semaphore, #tpu.memory_space<semaphore_mem>>, %arg14: memref<!tpu.dma_semaphore, #tpu.memory_space<semaphore_mem>>, %arg15: memref<!tpu.dma_semaphore, #tpu.memory_space<semaphore_mem>>, %arg16: memref<!tpu.dma_semaphore, #tpu.memory_space<semaphore_mem>>) attributes {dimension_semantics = [#tpu.dimension_semantics<core_parallel>, #tpu.dimension_semantics<subcore_parallel>], iteration_bounds = array<i64: 2, 16>, scalar_prefetch = 0 : i64, scratch_operands = 12 : i64, tpu.core_type = #tpu.core_type<sc_vector_subcore>, window_params = [{transform_indices = #map}, {transform_indices = #map}, {transform_indices = #map1}]} {
    %mul3A = arith.constant 2 : i32
    %mul3A_0 = arith.muli %arg1, %mul3A : i32
    %add3A = arith.addi %mul3A_0, %arg0 : i32
    %mul3A_1 = arith.constant 160 : i32
    %mul3A_2 = arith.muli %add3A, %mul3A_1 : i32
    "tpu.region"() ({
      %run_scoped3A = tpu.sem_alloc : memref<!tpu.dma_semaphore, #tpu.memory_space<semaphore_mem>>
      %dma_start3A_1496 = arith.constant 0 : i32
      %dma_start3A_1497 = tpu.memref_slice %arg2[%mul3A_2, %dma_start3A_1496] : memref<5120x100xi32, #tpu.memory_space<hbm>> -> memref<160x100xi32, #tpu.memory_space<hbm>>
      %dma_start3A_1498 = arith.constant 0 : i32
      %dma_start3A_1499 = tpu.memref_slice %arg2[%mul3A_2, %dma_start3A_1498] : memref<5120x100xi32, #tpu.memory_space<hbm>> -> memref<160x100xi32, #tpu.memory_space<hbm>>
      tpu.enqueue_dma source(%dma_start3A_1499 : memref<160x100xi32, #tpu.memory_space<hbm>>) target(%arg5 : memref<160x100xi32, #tpu.memory_space<vmem>>) target_semaphore(%run_scoped3A : memref<!tpu.dma_semaphore, #tpu.memory_space<semaphore_mem>>)
      %dma_wait3A_1500 = arith.constant 0 : i32
      %dma_wait3A_1501 = tpu.memref_slice %arg2[%mul3A_2, %dma_wait3A_1500] : memref<5120x100xi32, #tpu.memory_space<hbm>> -> memref<160x100xi32, #tpu.memory_space<hbm>>
      %dma_wait3A_1502 = arith.constant 0 : i32
      %dma_wait3A_1503 = tpu.memref_slice %arg2[%mul3A_2, %dma_wait3A_1502] : memref<5120x100xi32, #tpu.memory_space<hbm>> -> memref<160x100xi32, #tpu.memory_space<hbm>>
      tpu.wait_dma2 semaphore(%run_scoped3A : memref<!tpu.dma_semaphore, #tpu.memory_space<semaphore_mem>>) src(%dma_wait3A_1503 : memref<160x100xi32, #tpu.memory_space<hbm>>) dst(%arg5 : memref<160x100xi32, #tpu.memory_space<vmem>>)
      tpu.yield
    }) : () -> ()
    %dma_start3A = arith.constant 0 : i32
    %dma_start3A_3 = arith.constant 0 : i32
    %dma_start3A_4 = arith.constant 0 : i32
    %dma_start3A_5 = arith.constant 0 : i32
    %dma_start3A_6 = tpu.memref_slice %arg6[%dma_start3A_3, %dma_start3A_4, %dma_start3A_5] : memref<5x100x64xf32, #tpu.memory_space<vmem>> -> memref<1x100x64xf32, #tpu.memory_space<vmem>>
    %dma_start3A_7 = tpu.memref_squeeze %dma_start3A_6 : memref<1x100x64xf32, #tpu.memory_space<vmem>> -> memref<100x64xf32, #tpu.memory_space<vmem>>
    %dma_start3A_8 = arith.constant 0 : i32
    %dma_start3A_9 = tpu.memref_slice %arg5[%dma_start3A, %dma_start3A_8] : memref<160x100xi32, #tpu.memory_space<vmem>> -> memref<1x100xi32, #tpu.memory_space<vmem>>
    %dma_start3A_10 = tpu.memref_squeeze %dma_start3A_9 : memref<1x100xi32, #tpu.memory_space<vmem>> -> memref<100xi32, #tpu.memory_space<vmem>>
    %dma_start3A_11 = arith.constant 0 : i32
    %dma_start3A_12 = arith.constant 0 : i32
    %dma_start3A_13 = tpu.memref_slice %arg3[%dma_start3A_11, %dma_start3A_12] : memref<1000000x64xf32, #tpu.memory_space<hbm>> -> memref<1000000x64xf32, #tpu.memory_space<hbm>>
    tpu.enqueue_indirect_dma source(%dma_start3A_13 : memref<1000000x64xf32, #tpu.memory_space<hbm>>) target(%dma_start3A_7 : memref<100x64xf32, #tpu.memory_space<vmem>>) offsets(%dma_start3A_10 : memref<100xi32, #tpu.memory_space<vmem>>) semaphore(%arg7 : memref<!tpu.dma_semaphore, #tpu.memory_space<semaphore_mem>>)
    %dma_start3A_14 = arith.constant 1 : i32
    %dma_start3A_15 = arith.constant 1 : i32
    %dma_start3A_16 = arith.constant 0 : i32
    %dma_start3A_17 = arith.constant 0 : i32
    %dma_start3A_18 = tpu.memref_slice %arg6[%dma_start3A_15, %dma_start3A_16, %dma_start3A_17] : memref<5x100x64xf32, #tpu.memory_space<vmem>> -> memref<1x100x64xf32, #tpu.memory_space<vmem>>
    %dma_start3A_19 = tpu.memref_squeeze %dma_start3A_18 : memref<1x100x64xf32, #tpu.memory_space<vmem>> -> memref<100x64xf32, #tpu.memory_space<vmem>>
    %dma_start3A_20 = arith.constant 0 : i32
    %dma_start3A_21 = tpu.memref_slice %arg5[%dma_start3A_14, %dma_start3A_20] : memref<160x100xi32, #tpu.memory_space<vmem>> -> memref<1x100xi32, #tpu.memory_space<vmem>>
    %dma_start3A_22 = tpu.memref_squeeze %dma_start3A_21 : memref<1x100xi32, #tpu.memory_space<vmem>> -> memref<100xi32, #tpu.memory_space<vmem>>
    %dma_start3A_23 = arith.constant 0 : i32
    %dma_start3A_24 = arith.constant 0 : i32
    %dma_start3A_25 = tpu.memref_slice %arg3[%dma_start3A_23, %dma_start3A_24] : memref<1000000x64xf32, #tpu.memory_space<hbm>> -> memref<1000000x64xf32, #tpu.memory_space<hbm>>
    tpu.enqueue_indirect_dma source(%dma_start3A_25 : memref<1000000x64xf32, #tpu.memory_space<hbm>>) target(%dma_start3A_19 : memref<100x64xf32, #tpu.memory_space<vmem>>) offsets(%dma_start3A_22 : memref<100xi32, #tpu.memory_space<vmem>>) semaphore(%arg8 : memref<!tpu.dma_semaphore, #tpu.memory_space<semaphore_mem>>)
    %dma_start3A_26 = arith.constant 2 : i32
    %dma_start3A_27 = arith.constant 2 : i32
    %dma_start3A_28 = arith.constant 0 : i32
    %dma_start3A_29 = arith.constant 0 : i32
    %dma_start3A_30 = tpu.memref_slice %arg6[%dma_start3A_27, %dma_start3A_28, %dma_start3A_29] : memref<5x100x64xf32, #tpu.memory_space<vmem>> -> memref<1x100x64xf32, #tpu.memory_space<vmem>>
    %dma_start3A_31 = tpu.memref_squeeze %dma_start3A_30 : memref<1x100x64xf32, #tpu.memory_space<vmem>> -> memref<100x64xf32, #tpu.memory_space<vmem>>
    %dma_start3A_32 = arith.constant 0 : i32
    %dma_start3A_33 = tpu.memref_slice %arg5[%dma_start3A_26, %dma_start3A_32] : memref<160x100xi32, #tpu.memory_space<vmem>> -> memref<1x100xi32, #tpu.memory_space<vmem>>
    %dma_start3A_34 = tpu.memref_squeeze %dma_start3A_33 : memref<1x100xi32, #tpu.memory_space<vmem>> -> memref<100xi32, #tpu.memory_space<vmem>>
    %dma_start3A_35 = arith.constant 0 : i32
    %dma_start3A_36 = arith.constant 0 : i32
    %dma_start3A_37 = tpu.memref_slice %arg3[%dma_start3A_35, %dma_start3A_36] : memref<1000000x64xf32, #tpu.memory_space<hbm>> -> memref<1000000x64xf32, #tpu.memory_space<hbm>>
    tpu.enqueue_indirect_dma source(%dma_start3A_37 : memref<1000000x64xf32, #tpu.memory_space<hbm>>) target(%dma_start3A_31 : memref<100x64xf32, #tpu.memory_space<vmem>>) offsets(%dma_start3A_34 : memref<100xi32, #tpu.memory_space<vmem>>) semaphore(%arg9 : memref<!tpu.dma_semaphore, #tpu.memory_space<semaphore_mem>>)
    %dma_start3A_38 = arith.constant 3 : i32
    %dma_start3A_39 = arith.constant 3 : i32
    %dma_start3A_40 = arith.constant 0 : i32
    %dma_start3A_41 = arith.constant 0 : i32
    %dma_start3A_42 = tpu.memref_slice %arg6[%dma_start3A_39, %dma_start3A_40, %dma_start3A_41] : memref<5x100x64xf32, #tpu.memory_space<vmem>> -> memref<1x100x64xf32, #tpu.memory_space<vmem>>
    %dma_start3A_43 = tpu.memref_squeeze %dma_start3A_42 : memref<1x100x64xf32, #tpu.memory_space<vmem>> -> memref<100x64xf32, #tpu.memory_space<vmem>>
    %dma_start3A_44 = arith.constant 0 : i32
    %dma_start3A_45 = tpu.memref_slice %arg5[%dma_start3A_38, %dma_start3A_44] : memref<160x100xi32, #tpu.memory_space<vmem>> -> memref<1x100xi32, #tpu.memory_space<vmem>>
    %dma_start3A_46 = tpu.memref_squeeze %dma_start3A_45 : memref<1x100xi32, #tpu.memory_space<vmem>> -> memref<100xi32, #tpu.memory_space<vmem>>
    %dma_start3A_47 = arith.constant 0 : i32
    %dma_start3A_48 = arith.constant 0 : i32
    %dma_start3A_49 = tpu.memref_slice %arg3[%dma_start3A_47, %dma_start3A_48] : memref<1000000x64xf32, #tpu.memory_space<hbm>> -> memref<1000000x64xf32, #tpu.memory_space<hbm>>
    tpu.enqueue_indirect_dma source(%dma_start3A_49 : memref<1000000x64xf32, #tpu.memory_space<hbm>>) target(%dma_start3A_43 : memref<100x64xf32, #tpu.memory_space<vmem>>) offsets(%dma_start3A_46 : memref<100xi32, #tpu.memory_space<vmem>>) semaphore(%arg10 : memref<!tpu.dma_semaphore, #tpu.memory_space<semaphore_mem>>)
    %dma_start3A_50 = arith.constant 4 : i32
    %dma_start3A_51 = arith.constant 4 : i32
    %dma_start3A_52 = arith.constant 0 : i32
    %dma_start3A_53 = arith.constant 0 : i32
    %dma_start3A_54 = tpu.memref_slice %arg6[%dma_start3A_51, %dma_start3A_52, %dma_start3A_53] : memref<5x100x64xf32, #tpu.memory_space<vmem>> -> memref<1x100x64xf32, #tpu.memory_space<vmem>>
    %dma_start3A_55 = tpu.memref_squeeze %dma_start3A_54 : memref<1x100x64xf32, #tpu.memory_space<vmem>> -> memref<100x64xf32, #tpu.memory_space<vmem>>
    %dma_start3A_56 = arith.constant 0 : i32
    %dma_start3A_57 = tpu.memref_slice %arg5[%dma_start3A_50, %dma_start3A_56] : memref<160x100xi32, #tpu.memory_space<vmem>> -> memref<1x100xi32, #tpu.memory_space<vmem>>
    %dma_start3A_58 = tpu.memref_squeeze %dma_start3A_57 : memref<1x100xi32, #tpu.memory_space<vmem>> -> memref<100xi32, #tpu.memory_space<vmem>>
    %dma_start3A_59 = arith.constant 0 : i32
    %dma_start3A_60 = arith.constant 0 : i32
    %dma_start3A_61 = tpu.memref_slice %arg3[%dma_start3A_59, %dma_start3A_60] : memref<1000000x64xf32, #tpu.memory_space<hbm>> -> memref<1000000x64xf32, #tpu.memory_space<hbm>>
    tpu.enqueue_indirect_dma source(%dma_start3A_61 : memref<1000000x64xf32, #tpu.memory_space<hbm>>) target(%dma_start3A_55 : memref<100x64xf32, #tpu.memory_space<vmem>>) offsets(%dma_start3A_58 : memref<100xi32, #tpu.memory_space<vmem>>) semaphore(%arg11 : memref<!tpu.dma_semaphore, #tpu.memory_space<semaphore_mem>>)
    %scan3A = arith.constant 0 : i32
    %scan3A_62 = arith.constant 0 : i32
    %scan3A_63 = arith.constant 31 : i32
    %scan3A_64 = arith.addi %scan3A_62, %scan3A_63 : i32
    %scan3A_65 = arith.constant 1 : i32
    scf.for %scan3A_1496 = %scan3A_62 to %scan3A_64 step %scan3A_65  : i32 {
      %mul3A_1497 = arith.constant 5 : i32
      %mul3A_1498 = arith.muli %scan3A_1496, %mul3A_1497 : i32
      %add3A_1499 = arith.constant 0 : i32
      %add3A_1500 = arith.addi %mul3A_1498, %add3A_1499 : i32
      %dma_wait3A_1501 = arith.constant 0 : i32
      %dma_wait3A_1502 = arith.constant 0 : i32
      %dma_wait3A_1503 = arith.constant 0 : i32
      %dma_wait3A_1504 = tpu.memref_slice %arg6[%dma_wait3A_1501, %dma_wait3A_1502, %dma_wait3A_1503] : memref<5x100x64xf32, #tpu.memory_space<vmem>> -> memref<1x100x64xf32, #tpu.memory_space<vmem>>
      %dma_wait3A_1505 = tpu.memref_squeeze %dma_wait3A_1504 : memref<1x100x64xf32, #tpu.memory_space<vmem>> -> memref<100x64xf32, #tpu.memory_space<vmem>>
      %dma_wait3A_1506 = arith.constant 0 : i32
      %dma_wait3A_1507 = tpu.memref_slice %arg5[%add3A_1500, %dma_wait3A_1506] : memref<160x100xi32, #tpu.memory_space<vmem>> -> memref<1x100xi32, #tpu.memory_space<vmem>>
      %dma_wait3A_1508 = tpu.memref_squeeze %dma_wait3A_1507 : memref<1x100xi32, #tpu.memory_space<vmem>> -> memref<100xi32, #tpu.memory_space<vmem>>
      %dma_wait3A_1509 = arith.constant 0 : i32
      %dma_wait3A_1510 = arith.constant 0 : i32
      %dma_wait3A_1511 = tpu.memref_slice %arg3[%dma_wait3A_1509, %dma_wait3A_1510] : memref<1000000x64xf32, #tpu.memory_space<hbm>> -> memref<1000000x64xf32, #tpu.memory_space<hbm>>
      tpu.wait_indirect_dma semaphore(%arg7 : memref<!tpu.dma_semaphore, #tpu.memory_space<semaphore_mem>>) src(%dma_wait3A_1511 : memref<1000000x64xf32, #tpu.memory_space<hbm>>) dst(%dma_wait3A_1505 : memref<100x64xf32, #tpu.memory_space<vmem>>)
      %add3A_1512 = arith.addi %mul3A_2, %add3A_1500 : i32
      %mul3A_1513 = arith.constant 2 : i32
      %mul3A_1514 = arith.muli %mul3A_1513, %add3A_1512 : i32
      %add3A_1515 = arith.constant 0 : i32
      %add3A_1516 = arith.addi %mul3A_1514, %add3A_1515 : i32
      %jit3A_1517 = arith.constant 10 : i32
      %div3A_1518 = arith.divsi %add3A_1516, %jit3A_1517 : i32
      %sign3A_1519 = arith.constant 0 : i32
      %sign3A_1520 = arith.cmpi sgt, %add3A_1516, %sign3A_1519 : i32
      %sign3A_1521 = arith.extui %sign3A_1520 : i1 to i32
      %sign3A_1522 = arith.constant 0 : i32
      %sign3A_1523 = arith.cmpi slt, %add3A_1516, %sign3A_1522 : i32
      %sign3A_1524 = arith.extui %sign3A_1523 : i1 to i32
      %sign3A_1525 = arith.subi %sign3A_1521, %sign3A_1524 : i32
      %sign3A_1526 = arith.constant 0 : i32
      %sign3A_1527 = arith.cmpi sgt, %jit3A_1517, %sign3A_1526 : i32
      %sign3A_1528 = arith.extui %sign3A_1527 : i1 to i32
      %sign3A_1529 = arith.constant 0 : i32
      %sign3A_1530 = arith.cmpi slt, %jit3A_1517, %sign3A_1529 : i32
      %sign3A_1531 = arith.extui %sign3A_1530 : i1 to i32
      %sign3A_1532 = arith.subi %sign3A_1528, %sign3A_1531 : i32
      %ne3A_1533 = arith.cmpi ne, %sign3A_1525, %sign3A_1532 : i32
      %rem3A_1534 = arith.remsi %add3A_1516, %jit3A_1517 : i32
      %ne3A_1535 = arith.constant 0 : i32
      %ne3A_1536 = arith.cmpi ne, %rem3A_1534, %ne3A_1535 : i32
      %and3A_1537 = arith.andi %ne3A_1533, %ne3A_1536 : i1
      %sub3A_1538 = arith.constant 1 : i32
      %sub3A_1539 = arith.subi %div3A_1518, %sub3A_1538 : i32
      %select_n3A_1540 = arith.select %and3A_1537, %sub3A_1539, %div3A_1518 : i32
      %jit3A_1541 = arith.constant 10 : i32
      %eq3A_1542 = arith.constant 0 : i32
      %eq3A_1543 = arith.cmpi eq, %jit3A_1541, %eq3A_1542 : i32
      %jit3A_1544 = arith.constant 1 : i32
      %select_n3A_1545 = arith.select %eq3A_1543, %jit3A_1544, %jit3A_1541 : i32
      %rem3A_1546 = arith.remsi %add3A_1516, %select_n3A_1545 : i32
      %ne3A_1547 = arith.constant 0 : i32
      %ne3A_1548 = arith.cmpi ne, %rem3A_1546, %ne3A_1547 : i32
      %lt3A_1549 = arith.constant 0 : i32
      %lt3A_1550 = arith.cmpi slt, %rem3A_1546, %lt3A_1549 : i32
      %lt3A_1551 = arith.constant 0 : i32
      %lt3A_1552 = arith.cmpi slt, %select_n3A_1545, %lt3A_1551 : i32
      %ne3A_1553 = arith.xori %lt3A_1550, %lt3A_1552 : i1
      %and3A_1554 = arith.andi %ne3A_1553, %ne3A_1548 : i1
      %add3A_1555 = arith.addi %rem3A_1546, %select_n3A_1545 : i32
      %select_n3A_1556 = arith.select %and3A_1554, %add3A_1555, %rem3A_1546 : i32
      %dma_start3A_1557 = arith.constant 0 : i32
      %dma_start3A_1558 = arith.constant 0 : i32
      %dma_start3A_1559 = arith.constant 0 : i32
      %dma_start3A_1560 = tpu.memref_slice %arg6[%dma_start3A_1557, %dma_start3A_1558, %dma_start3A_1559] : memref<5x100x64xf32, #tpu.memory_space<vmem>> -> memref<1x100x64xf32, #tpu.memory_space<vmem>>
      %dma_start3A_1561 = tpu.memref_squeeze %dma_start3A_1560 : memref<1x100x64xf32, #tpu.memory_space<vmem>> -> memref<100x64xf32, #tpu.memory_space<vmem>>
      %dma_start3A_1562 = arith.constant 0 : i32
      %dma_start3A_1563 = arith.constant 0 : i32
      %dma_start3A_1564 = tpu.memref_slice %dma_start3A_1561[%dma_start3A_1562, %dma_start3A_1563] : memref<100x64xf32, #tpu.memory_space<vmem>> -> memref<50x64xf32, #tpu.memory_space<vmem>>
      %dma_start3A_1565 = arith.constant 0 : i32
      %dma_start3A_1566 = arith.constant 0 : i32
      %dma_start3A_1567 = tpu.memref_slice %arg4[%select_n3A_1540, %select_n3A_1556, %dma_start3A_1565, %dma_start3A_1566] : memref<1024x10x50x64xf32, #tpu.memory_space<hbm>> -> memref<1x1x50x64xf32, #tpu.memory_space<hbm>>
      %dma_start3A_1568 = tpu.memref_squeeze %dma_start3A_1567 : memref<1x1x50x64xf32, #tpu.memory_space<hbm>> -> memref<50x64xf32, #tpu.memory_space<hbm>>
      %dma_start3A_1569 = arith.constant 0 : i32
      %dma_start3A_1570 = arith.constant 0 : i32
      %dma_start3A_1571 = tpu.memref_slice %arg4[%select_n3A_1540, %select_n3A_1556, %dma_start3A_1569, %dma_start3A_1570] : memref<1024x10x50x64xf32, #tpu.memory_space<hbm>> -> memref<1x1x50x64xf32, #tpu.memory_space<hbm>>
      %dma_start3A_1572 = tpu.memref_squeeze %dma_start3A_1571 : memref<1x1x50x64xf32, #tpu.memory_space<hbm>> -> memref<50x64xf32, #tpu.memory_space<hbm>>
      %dma_start3A_1573 = arith.constant 0 : i32
      %dma_start3A_1574 = arith.constant 0 : i32
      %dma_start3A_1575 = tpu.memref_slice %arg6[%dma_start3A_1557, %dma_start3A_1573, %dma_start3A_1574] : memref<5x100x64xf32, #tpu.memory_space<vmem>> -> memref<1x100x64xf32, #tpu.memory_space<vmem>>
      %dma_start3A_1576 = tpu.memref_squeeze %dma_start3A_1575 : memref<1x100x64xf32, #tpu.memory_space<vmem>> -> memref<100x64xf32, #tpu.memory_space<vmem>>
      %dma_start3A_1577 = arith.constant 0 : i32
      %dma_start3A_1578 = arith.constant 0 : i32
      %dma_start3A_1579 = tpu.memref_slice %dma_start3A_1576[%dma_start3A_1577, %dma_start3A_1578] : memref<100x64xf32, #tpu.memory_space<vmem>> -> memref<50x64xf32, #tpu.memory_space<vmem>>
      tpu.enqueue_dma source(%dma_start3A_1579 : memref<50x64xf32, #tpu.memory_space<vmem>>) target(%dma_start3A_1572 : memref<50x64xf32, #tpu.memory_space<hbm>>) target_semaphore(%arg12 : memref<!tpu.dma_semaphore, #tpu.memory_space<semaphore_mem>>)
      %add3A_1580 = arith.addi %mul3A_2, %add3A_1500 : i32
      %mul3A_1581 = arith.constant 2 : i32
      %mul3A_1582 = arith.muli %mul3A_1581, %add3A_1580 : i32
      %add3A_1583 = arith.constant 1 : i32
      %add3A_1584 = arith.addi %mul3A_1582, %add3A_1583 : i32
      %jit3A_1585 = arith.constant 10 : i32
      %div3A_1586 = arith.divsi %add3A_1584, %jit3A_1585 : i32
      %sign3A_1587 = arith.constant 0 : i32
      %sign3A_1588 = arith.cmpi sgt, %add3A_1584, %sign3A_1587 : i32
      %sign3A_1589 = arith.extui %sign3A_1588 : i1 to i32
      %sign3A_1590 = arith.constant 0 : i32
      %sign3A_1591 = arith.cmpi slt, %add3A_1584, %sign3A_1590 : i32
      %sign3A_1592 = arith.extui %sign3A_1591 : i1 to i32
      %sign3A_1593 = arith.subi %sign3A_1589, %sign3A_1592 : i32
      %sign3A_1594 = arith.constant 0 : i32
      %sign3A_1595 = arith.cmpi sgt, %jit3A_1585, %sign3A_1594 : i32
      %sign3A_1596 = arith.extui %sign3A_1595 : i1 to i32
      %sign3A_1597 = arith.constant 0 : i32
      %sign3A_1598 = arith.cmpi slt, %jit3A_1585, %sign3A_1597 : i32
      %sign3A_1599 = arith.extui %sign3A_1598 : i1 to i32
      %sign3A_1600 = arith.subi %sign3A_1596, %sign3A_1599 : i32
      %ne3A_1601 = arith.cmpi ne, %sign3A_1593, %sign3A_1600 : i32
      %rem3A_1602 = arith.remsi %add3A_1584, %jit3A_1585 : i32
      %ne3A_1603 = arith.constant 0 : i32
      %ne3A_1604 = arith.cmpi ne, %rem3A_1602, %ne3A_1603 : i32
      %and3A_1605 = arith.andi %ne3A_1601, %ne3A_1604 : i1
      %sub3A_1606 = arith.constant 1 : i32
      %sub3A_1607 = arith.subi %div3A_1586, %sub3A_1606 : i32
      %select_n3A_1608 = arith.select %and3A_1605, %sub3A_1607, %div3A_1586 : i32
      %jit3A_1609 = arith.constant 10 : i32
      %eq3A_1610 = arith.constant 0 : i32
      %eq3A_1611 = arith.cmpi eq, %jit3A_1609, %eq3A_1610 : i32
      %jit3A_1612 = arith.constant 1 : i32
      %select_n3A_1613 = arith.select %eq3A_1611, %jit3A_1612, %jit3A_1609 : i32
      %rem3A_1614 = arith.remsi %add3A_1584, %select_n3A_1613 : i32
      %ne3A_1615 = arith.constant 0 : i32
      %ne3A_1616 = arith.cmpi ne, %rem3A_1614, %ne3A_1615 : i32
      %lt3A_1617 = arith.constant 0 : i32
      %lt3A_1618 = arith.cmpi slt, %rem3A_1614, %lt3A_1617 : i32
      %lt3A_1619 = arith.constant 0 : i32
      %lt3A_1620 = arith.cmpi slt, %select_n3A_1613, %lt3A_1619 : i32
      %ne3A_1621 = arith.xori %lt3A_1618, %lt3A_1620 : i1
      %and3A_1622 = arith.andi %ne3A_1621, %ne3A_1616 : i1
      %add3A_1623 = arith.addi %rem3A_1614, %select_n3A_1613 : i32
      %select_n3A_1624 = arith.select %and3A_1622, %add3A_1623, %rem3A_1614 : i32
      %dma_start3A_1625 = arith.constant 0 : i32
      %dma_start3A_1626 = arith.constant 0 : i32
      %dma_start3A_1627 = arith.constant 0 : i32
      %dma_start3A_1628 = tpu.memref_slice %arg6[%dma_start3A_1625, %dma_start3A_1626, %dma_start3A_1627] : memref<5x100x64xf32, #tpu.memory_space<vmem>> -> memref<1x100x64xf32, #tpu.memory_space<vmem>>
      %dma_start3A_1629 = tpu.memref_squeeze %dma_start3A_1628 : memref<1x100x64xf32, #tpu.memory_space<vmem>> -> memref<100x64xf32, #tpu.memory_space<vmem>>
      %dma_start3A_1630 = arith.constant 50 : i32
      %dma_start3A_1631 = arith.constant 0 : i32
      %dma_start3A_1632 = tpu.memref_slice %dma_start3A_1629[%dma_start3A_1630, %dma_start3A_1631] : memref<100x64xf32, #tpu.memory_space<vmem>> -> memref<50x64xf32, #tpu.memory_space<vmem>>
      %dma_start3A_1633 = arith.constant 0 : i32
      %dma_start3A_1634 = arith.constant 0 : i32
      %dma_start3A_1635 = tpu.memref_slice %arg4[%select_n3A_1608, %select_n3A_1624, %dma_start3A_1633, %dma_start3A_1634] : memref<1024x10x50x64xf32, #tpu.memory_space<hbm>> -> memref<1x1x50x64xf32, #tpu.memory_space<hbm>>
      %dma_start3A_1636 = tpu.memref_squeeze %dma_start3A_1635 : memref<1x1x50x64xf32, #tpu.memory_space<hbm>> -> memref<50x64xf32, #tpu.memory_space<hbm>>
      %dma_start3A_1637 = arith.constant 0 : i32
      %dma_start3A_1638 = arith.constant 0 : i32
      %dma_start3A_1639 = tpu.memref_slice %arg4[%select_n3A_1608, %select_n3A_1624, %dma_start3A_1637, %dma_start3A_1638] : memref<1024x10x50x64xf32, #tpu.memory_space<hbm>> -> memref<1x1x50x64xf32, #tpu.memory_space<hbm>>
      %dma_start3A_1640 = tpu.memref_squeeze %dma_start3A_1639 : memref<1x1x50x64xf32, #tpu.memory_space<hbm>> -> memref<50x64xf32, #tpu.memory_space<hbm>>
      %dma_start3A_1641 = arith.constant 0 : i32
      %dma_start3A_1642 = arith.constant 0 : i32
      %dma_start3A_1643 = tpu.memref_slice %arg6[%dma_start3A_1625, %dma_start3A_1641, %dma_start3A_1642] : memref<5x100x64xf32, #tpu.memory_space<vmem>> -> memref<1x100x64xf32, #tpu.memory_space<vmem>>
      %dma_start3A_1644 = tpu.memref_squeeze %dma_start3A_1643 : memref<1x100x64xf32, #tpu.memory_space<vmem>> -> memref<100x64xf32, #tpu.memory_space<vmem>>
      %dma_start3A_1645 = arith.constant 50 : i32
      %dma_start3A_1646 = arith.constant 0 : i32
      %dma_start3A_1647 = tpu.memref_slice %dma_start3A_1644[%dma_start3A_1645, %dma_start3A_1646] : memref<100x64xf32, #tpu.memory_space<vmem>> -> memref<50x64xf32, #tpu.memory_space<vmem>>
      tpu.enqueue_dma source(%dma_start3A_1647 : memref<50x64xf32, #tpu.memory_space<vmem>>) target(%dma_start3A_1640 : memref<50x64xf32, #tpu.memory_space<hbm>>) target_semaphore(%arg12 : memref<!tpu.dma_semaphore, #tpu.memory_space<semaphore_mem>>)
      %mul3A_1648 = arith.constant 5 : i32
      %mul3A_1649 = arith.muli %scan3A_1496, %mul3A_1648 : i32
      %add3A_1650 = arith.constant 1 : i32
      %add3A_1651 = arith.addi %mul3A_1649, %add3A_1650 : i32
      %dma_wait3A_1652 = arith.constant 1 : i32
      %dma_wait3A_1653 = arith.constant 0 : i32
      %dma_wait3A_1654 = arith.constant 0 : i32
      %dma_wait3A_1655 = tpu.memref_slice %arg6[%dma_wait3A_1652, %dma_wait3A_1653, %dma_wait3A_1654] : memref<5x100x64xf32, #tpu.memory_space<vmem>> -> memref<1x100x64xf32, #tpu.memory_space<vmem>>
      %dma_wait3A_1656 = tpu.memref_squeeze %dma_wait3A_1655 : memref<1x100x64xf32, #tpu.memory_space<vmem>> -> memref<100x64xf32, #tpu.memory_space<vmem>>
      %dma_wait3A_1657 = arith.constant 0 : i32
      %dma_wait3A_1658 = tpu.memref_slice %arg5[%add3A_1651, %dma_wait3A_1657] : memref<160x100xi32, #tpu.memory_space<vmem>> -> memref<1x100xi32, #tpu.memory_space<vmem>>
      %dma_wait3A_1659 = tpu.memref_squeeze %dma_wait3A_1658 : memref<1x100xi32, #tpu.memory_space<vmem>> -> memref<100xi32, #tpu.memory_space<vmem>>
      %dma_wait3A_1660 = arith.constant 0 : i32
      %dma_wait3A_1661 = arith.constant 0 : i32
      %dma_wait3A_1662 = tpu.memref_slice %arg3[%dma_wait3A_1660, %dma_wait3A_1661] : memref<1000000x64xf32, #tpu.memory_space<hbm>> -> memref<1000000x64xf32, #tpu.memory_space<hbm>>
      tpu.wait_indirect_dma semaphore(%arg8 : memref<!tpu.dma_semaphore, #tpu.memory_space<semaphore_mem>>) src(%dma_wait3A_1662 : memref<1000000x64xf32, #tpu.memory_space<hbm>>) dst(%dma_wait3A_1656 : memref<100x64xf32, #tpu.memory_space<vmem>>)
      %add3A_1663 = arith.addi %mul3A_2, %add3A_1651 : i32
      %mul3A_1664 = arith.constant 2 : i32
      %mul3A_1665 = arith.muli %mul3A_1664, %add3A_1663 : i32
      %add3A_1666 = arith.constant 0 : i32
      %add3A_1667 = arith.addi %mul3A_1665, %add3A_1666 : i32
      %jit3A_1668 = arith.constant 10 : i32
      %div3A_1669 = arith.divsi %add3A_1667, %jit3A_1668 : i32
      %sign3A_1670 = arith.constant 0 : i32
      %sign3A_1671 = arith.cmpi sgt, %add3A_1667, %sign3A_1670 : i32
      %sign3A_1672 = arith.extui %sign3A_1671 : i1 to i32
      %sign3A_1673 = arith.constant 0 : i32
      %sign3A_1674 = arith.cmpi slt, %add3A_1667, %sign3A_1673 : i32
      %sign3A_1675 = arith.extui %sign3A_1674 : i1 to i32
      %sign3A_1676 = arith.subi %sign3A_1672, %sign3A_1675 : i32
      %sign3A_1677 = arith.constant 0 : i32
      %sign3A_1678 = arith.cmpi sgt, %jit3A_1668, %sign3A_1677 : i32
      %sign3A_1679 = arith.extui %sign3A_1678 : i1 to i32
      %sign3A_1680 = arith.constant 0 : i32
      %sign3A_1681 = arith.cmpi slt, %jit3A_1668, %sign3A_1680 : i32
      %sign3A_1682 = arith.extui %sign3A_1681 : i1 to i32
      %sign3A_1683 = arith.subi %sign3A_1679, %sign3A_1682 : i32
      %ne3A_1684 = arith.cmpi ne, %sign3A_1676, %sign3A_1683 : i32
      %rem3A_1685 = arith.remsi %add3A_1667, %jit3A_1668 : i32
      %ne3A_1686 = arith.constant 0 : i32
      %ne3A_1687 = arith.cmpi ne, %rem3A_1685, %ne3A_1686 : i32
      %and3A_1688 = arith.andi %ne3A_1684, %ne3A_1687 : i1
      %sub3A_1689 = arith.constant 1 : i32
      %sub3A_1690 = arith.subi %div3A_1669, %sub3A_1689 : i32
      %select_n3A_1691 = arith.select %and3A_1688, %sub3A_1690, %div3A_1669 : i32
      %jit3A_1692 = arith.constant 10 : i32
      %eq3A_1693 = arith.constant 0 : i32
      %eq3A_1694 = arith.cmpi eq, %jit3A_1692, %eq3A_1693 : i32
      %jit3A_1695 = arith.constant 1 : i32
      %select_n3A_1696 = arith.select %eq3A_1694, %jit3A_1695, %jit3A_1692 : i32
      %rem3A_1697 = arith.remsi %add3A_1667, %select_n3A_1696 : i32
      %ne3A_1698 = arith.constant 0 : i32
      %ne3A_1699 = arith.cmpi ne, %rem3A_1697, %ne3A_1698 : i32
      %lt3A_1700 = arith.constant 0 : i32
      %lt3A_1701 = arith.cmpi slt, %rem3A_1697, %lt3A_1700 : i32
      %lt3A_1702 = arith.constant 0 : i32
      %lt3A_1703 = arith.cmpi slt, %select_n3A_1696, %lt3A_1702 : i32
      %ne3A_1704 = arith.xori %lt3A_1701, %lt3A_1703 : i1
      %and3A_1705 = arith.andi %ne3A_1704, %ne3A_1699 : i1
      %add3A_1706 = arith.addi %rem3A_1697, %select_n3A_1696 : i32
      %select_n3A_1707 = arith.select %and3A_1705, %add3A_1706, %rem3A_1697 : i32
      %dma_start3A_1708 = arith.constant 1 : i32
      %dma_start3A_1709 = arith.constant 0 : i32
      %dma_start3A_1710 = arith.constant 0 : i32
      %dma_start3A_1711 = tpu.memref_slice %arg6[%dma_start3A_1708, %dma_start3A_1709, %dma_start3A_1710] : memref<5x100x64xf32, #tpu.memory_space<vmem>> -> memref<1x100x64xf32, #tpu.memory_space<vmem>>
      %dma_start3A_1712 = tpu.memref_squeeze %dma_start3A_1711 : memref<1x100x64xf32, #tpu.memory_space<vmem>> -> memref<100x64xf32, #tpu.memory_space<vmem>>
      %dma_start3A_1713 = arith.constant 0 : i32
      %dma_start3A_1714 = arith.constant 0 : i32
      %dma_start3A_1715 = tpu.memref_slice %dma_start3A_1712[%dma_start3A_1713, %dma_start3A_1714] : memref<100x64xf32, #tpu.memory_space<vmem>> -> memref<50x64xf32, #tpu.memory_space<vmem>>
      %dma_start3A_1716 = arith.constant 0 : i32
      %dma_start3A_1717 = arith.constant 0 : i32
      %dma_start3A_1718 = tpu.memref_slice %arg4[%select_n3A_1691, %select_n3A_1707, %dma_start3A_1716, %dma_start3A_1717] : memref<1024x10x50x64xf32, #tpu.memory_space<hbm>> -> memref<1x1x50x64xf32, #tpu.memory_space<hbm>>
      %dma_start3A_1719 = tpu.memref_squeeze %dma_start3A_1718 : memref<1x1x50x64xf32, #tpu.memory_space<hbm>> -> memref<50x64xf32, #tpu.memory_space<hbm>>
      %dma_start3A_1720 = arith.constant 0 : i32
      %dma_start3A_1721 = arith.constant 0 : i32
      %dma_start3A_1722 = tpu.memref_slice %arg4[%select_n3A_1691, %select_n3A_1707, %dma_start3A_1720, %dma_start3A_1721] : memref<1024x10x50x64xf32, #tpu.memory_space<hbm>> -> memref<1x1x50x64xf32, #tpu.memory_space<hbm>>
      %dma_start3A_1723 = tpu.memref_squeeze %dma_start3A_1722 : memref<1x1x50x64xf32, #tpu.memory_space<hbm>> -> memref<50x64xf32, #tpu.memory_space<hbm>>
      %dma_start3A_1724 = arith.constant 0 : i32
      %dma_start3A_1725 = arith.constant 0 : i32
      %dma_start3A_1726 = tpu.memref_slice %arg6[%dma_start3A_1708, %dma_start3A_1724, %dma_start3A_1725] : memref<5x100x64xf32, #tpu.memory_space<vmem>> -> memref<1x100x64xf32, #tpu.memory_space<vmem>>
      %dma_start3A_1727 = tpu.memref_squeeze %dma_start3A_1726 : memref<1x100x64xf32, #tpu.memory_space<vmem>> -> memref<100x64xf32, #tpu.memory_space<vmem>>
      %dma_start3A_1728 = arith.constant 0 : i32
      %dma_start3A_1729 = arith.constant 0 : i32
      %dma_start3A_1730 = tpu.memref_slice %dma_start3A_1727[%dma_start3A_1728, %dma_start3A_1729] : memref<100x64xf32, #tpu.memory_space<vmem>> -> memref<50x64xf32, #tpu.memory_space<vmem>>
      tpu.enqueue_dma source(%dma_start3A_1730 : memref<50x64xf32, #tpu.memory_space<vmem>>) target(%dma_start3A_1723 : memref<50x64xf32, #tpu.memory_space<hbm>>) target_semaphore(%arg13 : memref<!tpu.dma_semaphore, #tpu.memory_space<semaphore_mem>>)
      %add3A_1731 = arith.addi %mul3A_2, %add3A_1651 : i32
      %mul3A_1732 = arith.constant 2 : i32
      %mul3A_1733 = arith.muli %mul3A_1732, %add3A_1731 : i32
      %add3A_1734 = arith.constant 1 : i32
      %add3A_1735 = arith.addi %mul3A_1733, %add3A_1734 : i32
      %jit3A_1736 = arith.constant 10 : i32
      %div3A_1737 = arith.divsi %add3A_1735, %jit3A_1736 : i32
      %sign3A_1738 = arith.constant 0 : i32
      %sign3A_1739 = arith.cmpi sgt, %add3A_1735, %sign3A_1738 : i32
      %sign3A_1740 = arith.extui %sign3A_1739 : i1 to i32
      %sign3A_1741 = arith.constant 0 : i32
      %sign3A_1742 = arith.cmpi slt, %add3A_1735, %sign3A_1741 : i32
      %sign3A_1743 = arith.extui %sign3A_1742 : i1 to i32
      %sign3A_1744 = arith.subi %sign3A_1740, %sign3A_1743 : i32
      %sign3A_1745 = arith.constant 0 : i32
      %sign3A_1746 = arith.cmpi sgt, %jit3A_1736, %sign3A_1745 : i32
      %sign3A_1747 = arith.extui %sign3A_1746 : i1 to i32
      %sign3A_1748 = arith.constant 0 : i32
      %sign3A_1749 = arith.cmpi slt, %jit3A_1736, %sign3A_1748 : i32
      %sign3A_1750 = arith.extui %sign3A_1749 : i1 to i32
      %sign3A_1751 = arith.subi %sign3A_1747, %sign3A_1750 : i32
      %ne3A_1752 = arith.cmpi ne, %sign3A_1744, %sign3A_1751 : i32
      %rem3A_1753 = arith.remsi %add3A_1735, %jit3A_1736 : i32
      %ne3A_1754 = arith.constant 0 : i32
      %ne3A_1755 = arith.cmpi ne, %rem3A_1753, %ne3A_1754 : i32
      %and3A_1756 = arith.andi %ne3A_1752, %ne3A_1755 : i1
      %sub3A_1757 = arith.constant 1 : i32
      %sub3A_1758 = arith.subi %div3A_1737, %sub3A_1757 : i32
      %select_n3A_1759 = arith.select %and3A_1756, %sub3A_1758, %div3A_1737 : i32
      %jit3A_1760 = arith.constant 10 : i32
      %eq3A_1761 = arith.constant 0 : i32
      %eq3A_1762 = arith.cmpi eq, %jit3A_1760, %eq3A_1761 : i32
      %jit3A_1763 = arith.constant 1 : i32
      %select_n3A_1764 = arith.select %eq3A_1762, %jit3A_1763, %jit3A_1760 : i32
      %rem3A_1765 = arith.remsi %add3A_1735, %select_n3A_1764 : i32
      %ne3A_1766 = arith.constant 0 : i32
      %ne3A_1767 = arith.cmpi ne, %rem3A_1765, %ne3A_1766 : i32
      %lt3A_1768 = arith.constant 0 : i32
      %lt3A_1769 = arith.cmpi slt, %rem3A_1765, %lt3A_1768 : i32
      %lt3A_1770 = arith.constant 0 : i32
      %lt3A_1771 = arith.cmpi slt, %select_n3A_1764, %lt3A_1770 : i32
      %ne3A_1772 = arith.xori %lt3A_1769, %lt3A_1771 : i1
      %and3A_1773 = arith.andi %ne3A_1772, %ne3A_1767 : i1
      %add3A_1774 = arith.addi %rem3A_1765, %select_n3A_1764 : i32
      %select_n3A_1775 = arith.select %and3A_1773, %add3A_1774, %rem3A_1765 : i32
      %dma_start3A_1776 = arith.constant 1 : i32
      %dma_start3A_1777 = arith.constant 0 : i32
      %dma_start3A_1778 = arith.constant 0 : i32
      %dma_start3A_1779 = tpu.memref_slice %arg6[%dma_start3A_1776, %dma_start3A_1777, %dma_start3A_1778] : memref<5x100x64xf32, #tpu.memory_space<vmem>> -> memref<1x100x64xf32, #tpu.memory_space<vmem>>
      %dma_start3A_1780 = tpu.memref_squeeze %dma_start3A_1779 : memref<1x100x64xf32, #tpu.memory_space<vmem>> -> memref<100x64xf32, #tpu.memory_space<vmem>>
      %dma_start3A_1781 = arith.constant 50 : i32
      %dma_start3A_1782 = arith.constant 0 : i32
      %dma_start3A_1783 = tpu.memref_slice %dma_start3A_1780[%dma_start3A_1781, %dma_start3A_1782] : memref<100x64xf32, #tpu.memory_space<vmem>> -> memref<50x64xf32, #tpu.memory_space<vmem>>
      %dma_start3A_1784 = arith.constant 0 : i32
      %dma_start3A_1785 = arith.constant 0 : i32
      %dma_start3A_1786 = tpu.memref_slice %arg4[%select_n3A_1759, %select_n3A_1775, %dma_start3A_1784, %dma_start3A_1785] : memref<1024x10x50x64xf32, #tpu.memory_space<hbm>> -> memref<1x1x50x64xf32, #tpu.memory_space<hbm>>
      %dma_start3A_1787 = tpu.memref_squeeze %dma_start3A_1786 : memref<1x1x50x64xf32, #tpu.memory_space<hbm>> -> memref<50x64xf32, #tpu.memory_space<hbm>>
      %dma_start3A_1788 = arith.constant 0 : i32
      %dma_start3A_1789 = arith.constant 0 : i32
      %dma_start3A_1790 = tpu.memref_slice %arg4[%select_n3A_1759, %select_n3A_1775, %dma_start3A_1788, %dma_start3A_1789] : memref<1024x10x50x64xf32, #tpu.memory_space<hbm>> -> memref<1x1x50x64xf32, #tpu.memory_space<hbm>>
      %dma_start3A_1791 = tpu.memref_squeeze %dma_start3A_1790 : memref<1x1x50x64xf32, #tpu.memory_space<hbm>> -> memref<50x64xf32, #tpu.memory_space<hbm>>
      %dma_start3A_1792 = arith.constant 0 : i32
      %dma_start3A_1793 = arith.constant 0 : i32
      %dma_start3A_1794 = tpu.memref_slice %arg6[%dma_start3A_1776, %dma_start3A_1792, %dma_start3A_1793] : memref<5x100x64xf32, #tpu.memory_space<vmem>> -> memref<1x100x64xf32, #tpu.memory_space<vmem>>
      %dma_start3A_1795 = tpu.memref_squeeze %dma_start3A_1794 : memref<1x100x64xf32, #tpu.memory_space<vmem>> -> memref<100x64xf32, #tpu.memory_space<vmem>>
      %dma_start3A_1796 = arith.constant 50 : i32
      %dma_start3A_1797 = arith.constant 0 : i32
      %dma_start3A_1798 = tpu.memref_slice %dma_start3A_1795[%dma_start3A_1796, %dma_start3A_1797] : memref<100x64xf32, #tpu.memory_space<vmem>> -> memref<50x64xf32, #tpu.memory_space<vmem>>
      tpu.enqueue_dma source(%dma_start3A_1798 : memref<50x64xf32, #tpu.memory_space<vmem>>) target(%dma_start3A_1791 : memref<50x64xf32, #tpu.memory_space<hbm>>) target_semaphore(%arg13 : memref<!tpu.dma_semaphore, #tpu.memory_space<semaphore_mem>>)
      %mul3A_1799 = arith.constant 5 : i32
      %mul3A_1800 = arith.muli %scan3A_1496, %mul3A_1799 : i32
      %add3A_1801 = arith.constant 2 : i32
      %add3A_1802 = arith.addi %mul3A_1800, %add3A_1801 : i32
      %dma_wait3A_1803 = arith.constant 2 : i32
      %dma_wait3A_1804 = arith.constant 0 : i32
      %dma_wait3A_1805 = arith.constant 0 : i32
      %dma_wait3A_1806 = tpu.memref_slice %arg6[%dma_wait3A_1803, %dma_wait3A_1804, %dma_wait3A_1805] : memref<5x100x64xf32, #tpu.memory_space<vmem>> -> memref<1x100x64xf32, #tpu.memory_space<vmem>>
      %dma_wait3A_1807 = tpu.memref_squeeze %dma_wait3A_1806 : memref<1x100x64xf32, #tpu.memory_space<vmem>> -> memref<100x64xf32, #tpu.memory_space<vmem>>
      %dma_wait3A_1808 = arith.constant 0 : i32
      %dma_wait3A_1809 = tpu.memref_slice %arg5[%add3A_1802, %dma_wait3A_1808] : memref<160x100xi32, #tpu.memory_space<vmem>> -> memref<1x100xi32, #tpu.memory_space<vmem>>
      %dma_wait3A_1810 = tpu.memref_squeeze %dma_wait3A_1809 : memref<1x100xi32, #tpu.memory_space<vmem>> -> memref<100xi32, #tpu.memory_space<vmem>>
      %dma_wait3A_1811 = arith.constant 0 : i32
      %dma_wait3A_1812 = arith.constant 0 : i32
      %dma_wait3A_1813 = tpu.memref_slice %arg3[%dma_wait3A_1811, %dma_wait3A_1812] : memref<1000000x64xf32, #tpu.memory_space<hbm>> -> memref<1000000x64xf32, #tpu.memory_space<hbm>>
      tpu.wait_indirect_dma semaphore(%arg9 : memref<!tpu.dma_semaphore, #tpu.memory_space<semaphore_mem>>) src(%dma_wait3A_1813 : memref<1000000x64xf32, #tpu.memory_space<hbm>>) dst(%dma_wait3A_1807 : memref<100x64xf32, #tpu.memory_space<vmem>>)
      %add3A_1814 = arith.addi %mul3A_2, %add3A_1802 : i32
      %mul3A_1815 = arith.constant 2 : i32
      %mul3A_1816 = arith.muli %mul3A_1815, %add3A_1814 : i32
      %add3A_1817 = arith.constant 0 : i32
      %add3A_1818 = arith.addi %mul3A_1816, %add3A_1817 : i32
      %jit3A_1819 = arith.constant 10 : i32
      %div3A_1820 = arith.divsi %add3A_1818, %jit3A_1819 : i32
      %sign3A_1821 = arith.constant 0 : i32
      %sign3A_1822 = arith.cmpi sgt, %add3A_1818, %sign3A_1821 : i32
      %sign3A_1823 = arith.extui %sign3A_1822 : i1 to i32
      %sign3A_1824 = arith.constant 0 : i32
      %sign3A_1825 = arith.cmpi slt, %add3A_1818, %sign3A_1824 : i32
      %sign3A_1826 = arith.extui %sign3A_1825 : i1 to i32
      %sign3A_1827 = arith.subi %sign3A_1823, %sign3A_1826 : i32
      %sign3A_1828 = arith.constant 0 : i32
      %sign3A_1829 = arith.cmpi sgt, %jit3A_1819, %sign3A_1828 : i32
      %sign3A_1830 = arith.extui %sign3A_1829 : i1 to i32
      %sign3A_1831 = arith.constant 0 : i32
      %sign3A_1832 = arith.cmpi slt, %jit3A_1819, %sign3A_1831 : i32
      %sign3A_1833 = arith.extui %sign3A_1832 : i1 to i32
      %sign3A_1834 = arith.subi %sign3A_1830, %sign3A_1833 : i32
      %ne3A_1835 = arith.cmpi ne, %sign3A_1827, %sign3A_1834 : i32
      %rem3A_1836 = arith.remsi %add3A_1818, %jit3A_1819 : i32
      %ne3A_1837 = arith.constant 0 : i32
      %ne3A_1838 = arith.cmpi ne, %rem3A_1836, %ne3A_1837 : i32
      %and3A_1839 = arith.andi %ne3A_1835, %ne3A_1838 : i1
      %sub3A_1840 = arith.constant 1 : i32
      %sub3A_1841 = arith.subi %div3A_1820, %sub3A_1840 : i32
      %select_n3A_1842 = arith.select %and3A_1839, %sub3A_1841, %div3A_1820 : i32
      %jit3A_1843 = arith.constant 10 : i32
      %eq3A_1844 = arith.constant 0 : i32
      %eq3A_1845 = arith.cmpi eq, %jit3A_1843, %eq3A_1844 : i32
      %jit3A_1846 = arith.constant 1 : i32
      %select_n3A_1847 = arith.select %eq3A_1845, %jit3A_1846, %jit3A_1843 : i32
      %rem3A_1848 = arith.remsi %add3A_1818, %select_n3A_1847 : i32
      %ne3A_1849 = arith.constant 0 : i32
      %ne3A_1850 = arith.cmpi ne, %rem3A_1848, %ne3A_1849 : i32
      %lt3A_1851 = arith.constant 0 : i32
      %lt3A_1852 = arith.cmpi slt, %rem3A_1848, %lt3A_1851 : i32
      %lt3A_1853 = arith.constant 0 : i32
      %lt3A_1854 = arith.cmpi slt, %select_n3A_1847, %lt3A_1853 : i32
      %ne3A_1855 = arith.xori %lt3A_1852, %lt3A_1854 : i1
      %and3A_1856 = arith.andi %ne3A_1855, %ne3A_1850 : i1
      %add3A_1857 = arith.addi %rem3A_1848, %select_n3A_1847 : i32
      %select_n3A_1858 = arith.select %and3A_1856, %add3A_1857, %rem3A_1848 : i32
      %dma_start3A_1859 = arith.constant 2 : i32
      %dma_start3A_1860 = arith.constant 0 : i32
      %dma_start3A_1861 = arith.constant 0 : i32
      %dma_start3A_1862 = tpu.memref_slice %arg6[%dma_start3A_1859, %dma_start3A_1860, %dma_start3A_1861] : memref<5x100x64xf32, #tpu.memory_space<vmem>> -> memref<1x100x64xf32, #tpu.memory_space<vmem>>
      %dma_start3A_1863 = tpu.memref_squeeze %dma_start3A_1862 : memref<1x100x64xf32, #tpu.memory_space<vmem>> -> memref<100x64xf32, #tpu.memory_space<vmem>>
      %dma_start3A_1864 = arith.constant 0 : i32
      %dma_start3A_1865 = arith.constant 0 : i32
      %dma_start3A_1866 = tpu.memref_slice %dma_start3A_1863[%dma_start3A_1864, %dma_start3A_1865] : memref<100x64xf32, #tpu.memory_space<vmem>> -> memref<50x64xf32, #tpu.memory_space<vmem>>
      %dma_start3A_1867 = arith.constant 0 : i32
      %dma_start3A_1868 = arith.constant 0 : i32
      %dma_start3A_1869 = tpu.memref_slice %arg4[%select_n3A_1842, %select_n3A_1858, %dma_start3A_1867, %dma_start3A_1868] : memref<1024x10x50x64xf32, #tpu.memory_space<hbm>> -> memref<1x1x50x64xf32, #tpu.memory_space<hbm>>
      %dma_start3A_1870 = tpu.memref_squeeze %dma_start3A_1869 : memref<1x1x50x64xf32, #tpu.memory_space<hbm>> -> memref<50x64xf32, #tpu.memory_space<hbm>>
      %dma_start3A_1871 = arith.constant 0 : i32
      %dma_start3A_1872 = arith.constant 0 : i32
      %dma_start3A_1873 = tpu.memref_slice %arg4[%select_n3A_1842, %select_n3A_1858, %dma_start3A_1871, %dma_start3A_1872] : memref<1024x10x50x64xf32, #tpu.memory_space<hbm>> -> memref<1x1x50x64xf32, #tpu.memory_space<hbm>>
      %dma_start3A_1874 = tpu.memref_squeeze %dma_start3A_1873 : memref<1x1x50x64xf32, #tpu.memory_space<hbm>> -> memref<50x64xf32, #tpu.memory_space<hbm>>
      %dma_start3A_1875 = arith.constant 0 : i32
      %dma_start3A_1876 = arith.constant 0 : i32
      %dma_start3A_1877 = tpu.memref_slice %arg6[%dma_start3A_1859, %dma_start3A_1875, %dma_start3A_1876] : memref<5x100x64xf32, #tpu.memory_space<vmem>> -> memref<1x100x64xf32, #tpu.memory_space<vmem>>
      %dma_start3A_1878 = tpu.memref_squeeze %dma_start3A_1877 : memref<1x100x64xf32, #tpu.memory_space<vmem>> -> memref<100x64xf32, #tpu.memory_space<vmem>>
      %dma_start3A_1879 = arith.constant 0 : i32
      %dma_start3A_1880 = arith.constant 0 : i32
      %dma_start3A_1881 = tpu.memref_slice %dma_start3A_1878[%dma_start3A_1879, %dma_start3A_1880] : memref<100x64xf32, #tpu.memory_space<vmem>> -> memref<50x64xf32, #tpu.memory_space<vmem>>
      tpu.enqueue_dma source(%dma_start3A_1881 : memref<50x64xf32, #tpu.memory_space<vmem>>) target(%dma_start3A_1874 : memref<50x64xf32, #tpu.memory_space<hbm>>) target_semaphore(%arg14 : memref<!tpu.dma_semaphore, #tpu.memory_space<semaphore_mem>>)
      %add3A_1882 = arith.addi %mul3A_2, %add3A_1802 : i32
      %mul3A_1883 = arith.constant 2 : i32
      %mul3A_1884 = arith.muli %mul3A_1883, %add3A_1882 : i32
      %add3A_1885 = arith.constant 1 : i32
      %add3A_1886 = arith.addi %mul3A_1884, %add3A_1885 : i32
      %jit3A_1887 = arith.constant 10 : i32
      %div3A_1888 = arith.divsi %add3A_1886, %jit3A_1887 : i32
      %sign3A_1889 = arith.constant 0 : i32
      %sign3A_1890 = arith.cmpi sgt, %add3A_1886, %sign3A_1889 : i32
      %sign3A_1891 = arith.extui %sign3A_1890 : i1 to i32
      %sign3A_1892 = arith.constant 0 : i32
      %sign3A_1893 = arith.cmpi slt, %add3A_1886, %sign3A_1892 : i32
      %sign3A_1894 = arith.extui %sign3A_1893 : i1 to i32
      %sign3A_1895 = arith.subi %sign3A_1891, %sign3A_1894 : i32
      %sign3A_1896 = arith.constant 0 : i32
      %sign3A_1897 = arith.cmpi sgt, %jit3A_1887, %sign3A_1896 : i32
      %sign3A_1898 = arith.extui %sign3A_1897 : i1 to i32
      %sign3A_1899 = arith.constant 0 : i32
      %sign3A_1900 = arith.cmpi slt, %jit3A_1887, %sign3A_1899 : i32
      %sign3A_1901 = arith.extui %sign3A_1900 : i1 to i32
      %sign3A_1902 = arith.subi %sign3A_1898, %sign3A_1901 : i32
      %ne3A_1903 = arith.cmpi ne, %sign3A_1895, %sign3A_1902 : i32
      %rem3A_1904 = arith.remsi %add3A_1886, %jit3A_1887 : i32
      %ne3A_1905 = arith.constant 0 : i32
      %ne3A_1906 = arith.cmpi ne, %rem3A_1904, %ne3A_1905 : i32
      %and3A_1907 = arith.andi %ne3A_1903, %ne3A_1906 : i1
      %sub3A_1908 = arith.constant 1 : i32
      %sub3A_1909 = arith.subi %div3A_1888, %sub3A_1908 : i32
      %select_n3A_1910 = arith.select %and3A_1907, %sub3A_1909, %div3A_1888 : i32
      %jit3A_1911 = arith.constant 10 : i32
      %eq3A_1912 = arith.constant 0 : i32
      %eq3A_1913 = arith.cmpi eq, %jit3A_1911, %eq3A_1912 : i32
      %jit3A_1914 = arith.constant 1 : i32
      %select_n3A_1915 = arith.select %eq3A_1913, %jit3A_1914, %jit3A_1911 : i32
      %rem3A_1916 = arith.remsi %add3A_1886, %select_n3A_1915 : i32
      %ne3A_1917 = arith.constant 0 : i32
      %ne3A_1918 = arith.cmpi ne, %rem3A_1916, %ne3A_1917 : i32
      %lt3A_1919 = arith.constant 0 : i32
      %lt3A_1920 = arith.cmpi slt, %rem3A_1916, %lt3A_1919 : i32
      %lt3A_1921 = arith.constant 0 : i32
      %lt3A_1922 = arith.cmpi slt, %select_n3A_1915, %lt3A_1921 : i32
      %ne3A_1923 = arith.xori %lt3A_1920, %lt3A_1922 : i1
      %and3A_1924 = arith.andi %ne3A_1923, %ne3A_1918 : i1
      %add3A_1925 = arith.addi %rem3A_1916, %select_n3A_1915 : i32
      %select_n3A_1926 = arith.select %and3A_1924, %add3A_1925, %rem3A_1916 : i32
      %dma_start3A_1927 = arith.constant 2 : i32
      %dma_start3A_1928 = arith.constant 0 : i32
      %dma_start3A_1929 = arith.constant 0 : i32
      %dma_start3A_1930 = tpu.memref_slice %arg6[%dma_start3A_1927, %dma_start3A_1928, %dma_start3A_1929] : memref<5x100x64xf32, #tpu.memory_space<vmem>> -> memref<1x100x64xf32, #tpu.memory_space<vmem>>
      %dma_start3A_1931 = tpu.memref_squeeze %dma_start3A_1930 : memref<1x100x64xf32, #tpu.memory_space<vmem>> -> memref<100x64xf32, #tpu.memory_space<vmem>>
      %dma_start3A_1932 = arith.constant 50 : i32
      %dma_start3A_1933 = arith.constant 0 : i32
      %dma_start3A_1934 = tpu.memref_slice %dma_start3A_1931[%dma_start3A_1932, %dma_start3A_1933] : memref<100x64xf32, #tpu.memory_space<vmem>> -> memref<50x64xf32, #tpu.memory_space<vmem>>
      %dma_start3A_1935 = arith.constant 0 : i32
      %dma_start3A_1936 = arith.constant 0 : i32
      %dma_start3A_1937 = tpu.memref_slice %arg4[%select_n3A_1910, %select_n3A_1926, %dma_start3A_1935, %dma_start3A_1936] : memref<1024x10x50x64xf32, #tpu.memory_space<hbm>> -> memref<1x1x50x64xf32, #tpu.memory_space<hbm>>
      %dma_start3A_1938 = tpu.memref_squeeze %dma_start3A_1937 : memref<1x1x50x64xf32, #tpu.memory_space<hbm>> -> memref<50x64xf32, #tpu.memory_space<hbm>>
      %dma_start3A_1939 = arith.constant 0 : i32
      %dma_start3A_1940 = arith.constant 0 : i32
      %dma_start3A_1941 = tpu.memref_slice %arg4[%select_n3A_1910, %select_n3A_1926, %dma_start3A_1939, %dma_start3A_1940] : memref<1024x10x50x64xf32, #tpu.memory_space<hbm>> -> memref<1x1x50x64xf32, #tpu.memory_space<hbm>>
      %dma_start3A_1942 = tpu.memref_squeeze %dma_start3A_1941 : memref<1x1x50x64xf32, #tpu.memory_space<hbm>> -> memref<50x64xf32, #tpu.memory_space<hbm>>
      %dma_start3A_1943 = arith.constant 0 : i32
      %dma_start3A_1944 = arith.constant 0 : i32
      %dma_start3A_1945 = tpu.memref_slice %arg6[%dma_start3A_1927, %dma_start3A_1943, %dma_start3A_1944] : memref<5x100x64xf32, #tpu.memory_space<vmem>> -> memref<1x100x64xf32, #tpu.memory_space<vmem>>
      %dma_start3A_1946 = tpu.memref_squeeze %dma_start3A_1945 : memref<1x100x64xf32, #tpu.memory_space<vmem>> -> memref<100x64xf32, #tpu.memory_space<vmem>>
      %dma_start3A_1947 = arith.constant 50 : i32
      %dma_start3A_1948 = arith.constant 0 : i32
      %dma_start3A_1949 = tpu.memref_slice %dma_start3A_1946[%dma_start3A_1947, %dma_start3A_1948] : memref<100x64xf32, #tpu.memory_space<vmem>> -> memref<50x64xf32, #tpu.memory_space<vmem>>
      tpu.enqueue_dma source(%dma_start3A_1949 : memref<50x64xf32, #tpu.memory_space<vmem>>) target(%dma_start3A_1942 : memref<50x64xf32, #tpu.memory_space<hbm>>) target_semaphore(%arg14 : memref<!tpu.dma_semaphore, #tpu.memory_space<semaphore_mem>>)
      %mul3A_1950 = arith.constant 5 : i32
      %mul3A_1951 = arith.muli %scan3A_1496, %mul3A_1950 : i32
      %add3A_1952 = arith.constant 3 : i32
      %add3A_1953 = arith.addi %mul3A_1951, %add3A_1952 : i32
      %dma_wait3A_1954 = arith.constant 3 : i32
      %dma_wait3A_1955 = arith.constant 0 : i32
      %dma_wait3A_1956 = arith.constant 0 : i32
      %dma_wait3A_1957 = tpu.memref_slice %arg6[%dma_wait3A_1954, %dma_wait3A_1955, %dma_wait3A_1956] : memref<5x100x64xf32, #tpu.memory_space<vmem>> -> memref<1x100x64xf32, #tpu.memory_space<vmem>>
      %dma_wait3A_1958 = tpu.memref_squeeze %dma_wait3A_1957 : memref<1x100x64xf32, #tpu.memory_space<vmem>> -> memref<100x64xf32, #tpu.memory_space<vmem>>
      %dma_wait3A_1959 = arith.constant 0 : i32
      %dma_wait3A_1960 = tpu.memref_slice %arg5[%add3A_1953, %dma_wait3A_1959] : memref<160x100xi32, #tpu.memory_space<vmem>> -> memref<1x100xi32, #tpu.memory_space<vmem>>
      %dma_wait3A_1961 = tpu.memref_squeeze %dma_wait3A_1960 : memref<1x100xi32, #tpu.memory_space<vmem>> -> memref<100xi32, #tpu.memory_space<vmem>>
      %dma_wait3A_1962 = arith.constant 0 : i32
      %dma_wait3A_1963 = arith.constant 0 : i32
      %dma_wait3A_1964 = tpu.memref_slice %arg3[%dma_wait3A_1962, %dma_wait3A_1963] : memref<1000000x64xf32, #tpu.memory_space<hbm>> -> memref<1000000x64xf32, #tpu.memory_space<hbm>>
      tpu.wait_indirect_dma semaphore(%arg10 : memref<!tpu.dma_semaphore, #tpu.memory_space<semaphore_mem>>) src(%dma_wait3A_1964 : memref<1000000x64xf32, #tpu.memory_space<hbm>>) dst(%dma_wait3A_1958 : memref<100x64xf32, #tpu.memory_space<vmem>>)
      %add3A_1965 = arith.addi %mul3A_2, %add3A_1953 : i32
      %mul3A_1966 = arith.constant 2 : i32
      %mul3A_1967 = arith.muli %mul3A_1966, %add3A_1965 : i32
      %add3A_1968 = arith.constant 0 : i32
      %add3A_1969 = arith.addi %mul3A_1967, %add3A_1968 : i32
      %jit3A_1970 = arith.constant 10 : i32
      %div3A_1971 = arith.divsi %add3A_1969, %jit3A_1970 : i32
      %sign3A_1972 = arith.constant 0 : i32
      %sign3A_1973 = arith.cmpi sgt, %add3A_1969, %sign3A_1972 : i32
      %sign3A_1974 = arith.extui %sign3A_1973 : i1 to i32
      %sign3A_1975 = arith.constant 0 : i32
      %sign3A_1976 = arith.cmpi slt, %add3A_1969, %sign3A_1975 : i32
      %sign3A_1977 = arith.extui %sign3A_1976 : i1 to i32
      %sign3A_1978 = arith.subi %sign3A_1974, %sign3A_1977 : i32
      %sign3A_1979 = arith.constant 0 : i32
      %sign3A_1980 = arith.cmpi sgt, %jit3A_1970, %sign3A_1979 : i32
      %sign3A_1981 = arith.extui %sign3A_1980 : i1 to i32
      %sign3A_1982 = arith.constant 0 : i32
      %sign3A_1983 = arith.cmpi slt, %jit3A_1970, %sign3A_1982 : i32
      %sign3A_1984 = arith.extui %sign3A_1983 : i1 to i32
      %sign3A_1985 = arith.subi %sign3A_1981, %sign3A_1984 : i32
      %ne3A_1986 = arith.cmpi ne, %sign3A_1978, %sign3A_1985 : i32
      %rem3A_1987 = arith.remsi %add3A_1969, %jit3A_1970 : i32
      %ne3A_1988 = arith.constant 0 : i32
      %ne3A_1989 = arith.cmpi ne, %rem3A_1987, %ne3A_1988 : i32
      %and3A_1990 = arith.andi %ne3A_1986, %ne3A_1989 : i1
      %sub3A_1991 = arith.constant 1 : i32
      %sub3A_1992 = arith.subi %div3A_1971, %sub3A_1991 : i32
      %select_n3A_1993 = arith.select %and3A_1990, %sub3A_1992, %div3A_1971 : i32
      %jit3A_1994 = arith.constant 10 : i32
      %eq3A_1995 = arith.constant 0 : i32
      %eq3A_1996 = arith.cmpi eq, %jit3A_1994, %eq3A_1995 : i32
      %jit3A_1997 = arith.constant 1 : i32
      %select_n3A_1998 = arith.select %eq3A_1996, %jit3A_1997, %jit3A_1994 : i32
      %rem3A_1999 = arith.remsi %add3A_1969, %select_n3A_1998 : i32
      %ne3A_2000 = arith.constant 0 : i32
      %ne3A_2001 = arith.cmpi ne, %rem3A_1999, %ne3A_2000 : i32
      %lt3A_2002 = arith.constant 0 : i32
      %lt3A_2003 = arith.cmpi slt, %rem3A_1999, %lt3A_2002 : i32
      %lt3A_2004 = arith.constant 0 : i32
      %lt3A_2005 = arith.cmpi slt, %select_n3A_1998, %lt3A_2004 : i32
      %ne3A_2006 = arith.xori %lt3A_2003, %lt3A_2005 : i1
      %and3A_2007 = arith.andi %ne3A_2006, %ne3A_2001 : i1
      %add3A_2008 = arith.addi %rem3A_1999, %select_n3A_1998 : i32
      %select_n3A_2009 = arith.select %and3A_2007, %add3A_2008, %rem3A_1999 : i32
      %dma_start3A_2010 = arith.constant 3 : i32
      %dma_start3A_2011 = arith.constant 0 : i32
      %dma_start3A_2012 = arith.constant 0 : i32
      %dma_start3A_2013 = tpu.memref_slice %arg6[%dma_start3A_2010, %dma_start3A_2011, %dma_start3A_2012] : memref<5x100x64xf32, #tpu.memory_space<vmem>> -> memref<1x100x64xf32, #tpu.memory_space<vmem>>
      %dma_start3A_2014 = tpu.memref_squeeze %dma_start3A_2013 : memref<1x100x64xf32, #tpu.memory_space<vmem>> -> memref<100x64xf32, #tpu.memory_space<vmem>>
      %dma_start3A_2015 = arith.constant 0 : i32
      %dma_start3A_2016 = arith.constant 0 : i32
      %dma_start3A_2017 = tpu.memref_slice %dma_start3A_2014[%dma_start3A_2015, %dma_start3A_2016] : memref<100x64xf32, #tpu.memory_space<vmem>> -> memref<50x64xf32, #tpu.memory_space<vmem>>
      %dma_start3A_2018 = arith.constant 0 : i32
      %dma_start3A_2019 = arith.constant 0 : i32
      %dma_start3A_2020 = tpu.memref_slice %arg4[%select_n3A_1993, %select_n3A_2009, %dma_start3A_2018, %dma_start3A_2019] : memref<1024x10x50x64xf32, #tpu.memory_space<hbm>> -> memref<1x1x50x64xf32, #tpu.memory_space<hbm>>
      %dma_start3A_2021 = tpu.memref_squeeze %dma_start3A_2020 : memref<1x1x50x64xf32, #tpu.memory_space<hbm>> -> memref<50x64xf32, #tpu.memory_space<hbm>>
      %dma_start3A_2022 = arith.constant 0 : i32
      %dma_start3A_2023 = arith.constant 0 : i32
      %dma_start3A_2024 = tpu.memref_slice %arg4[%select_n3A_1993, %select_n3A_2009, %dma_start3A_2022, %dma_start3A_2023] : memref<1024x10x50x64xf32, #tpu.memory_space<hbm>> -> memref<1x1x50x64xf32, #tpu.memory_space<hbm>>
      %dma_start3A_2025 = tpu.memref_squeeze %dma_start3A_2024 : memref<1x1x50x64xf32, #tpu.memory_space<hbm>> -> memref<50x64xf32, #tpu.memory_space<hbm>>
      %dma_start3A_2026 = arith.constant 0 : i32
      %dma_start3A_2027 = arith.constant 0 : i32
      %dma_start3A_2028 = tpu.memref_slice %arg6[%dma_start3A_2010, %dma_start3A_2026, %dma_start3A_2027] : memref<5x100x64xf32, #tpu.memory_space<vmem>> -> memref<1x100x64xf32, #tpu.memory_space<vmem>>
      %dma_start3A_2029 = tpu.memref_squeeze %dma_start3A_2028 : memref<1x100x64xf32, #tpu.memory_space<vmem>> -> memref<100x64xf32, #tpu.memory_space<vmem>>
      %dma_start3A_2030 = arith.constant 0 : i32
      %dma_start3A_2031 = arith.constant 0 : i32
      %dma_start3A_2032 = tpu.memref_slice %dma_start3A_2029[%dma_start3A_2030, %dma_start3A_2031] : memref<100x64xf32, #tpu.memory_space<vmem>> -> memref<50x64xf32, #tpu.memory_space<vmem>>
      tpu.enqueue_dma source(%dma_start3A_2032 : memref<50x64xf32, #tpu.memory_space<vmem>>) target(%dma_start3A_2025 : memref<50x64xf32, #tpu.memory_space<hbm>>) target_semaphore(%arg15 : memref<!tpu.dma_semaphore, #tpu.memory_space<semaphore_mem>>)
      %add3A_2033 = arith.addi %mul3A_2, %add3A_1953 : i32
      %mul3A_2034 = arith.constant 2 : i32
      %mul3A_2035 = arith.muli %mul3A_2034, %add3A_2033 : i32
      %add3A_2036 = arith.constant 1 : i32
      %add3A_2037 = arith.addi %mul3A_2035, %add3A_2036 : i32
      %jit3A_2038 = arith.constant 10 : i32
      %div3A_2039 = arith.divsi %add3A_2037, %jit3A_2038 : i32
      %sign3A_2040 = arith.constant 0 : i32
      %sign3A_2041 = arith.cmpi sgt, %add3A_2037, %sign3A_2040 : i32
      %sign3A_2042 = arith.extui %sign3A_2041 : i1 to i32
      %sign3A_2043 = arith.constant 0 : i32
      %sign3A_2044 = arith.cmpi slt, %add3A_2037, %sign3A_2043 : i32
      %sign3A_2045 = arith.extui %sign3A_2044 : i1 to i32
      %sign3A_2046 = arith.subi %sign3A_2042, %sign3A_2045 : i32
      %sign3A_2047 = arith.constant 0 : i32
      %sign3A_2048 = arith.cmpi sgt, %jit3A_2038, %sign3A_2047 : i32
      %sign3A_2049 = arith.extui %sign3A_2048 : i1 to i32
      %sign3A_2050 = arith.constant 0 : i32
      %sign3A_2051 = arith.cmpi slt, %jit3A_2038, %sign3A_2050 : i32
      %sign3A_2052 = arith.extui %sign3A_2051 : i1 to i32
      %sign3A_2053 = arith.subi %sign3A_2049, %sign3A_2052 : i32
      %ne3A_2054 = arith.cmpi ne, %sign3A_2046, %sign3A_2053 : i32
      %rem3A_2055 = arith.remsi %add3A_2037, %jit3A_2038 : i32
      %ne3A_2056 = arith.constant 0 : i32
      %ne3A_2057 = arith.cmpi ne, %rem3A_2055, %ne3A_2056 : i32
      %and3A_2058 = arith.andi %ne3A_2054, %ne3A_2057 : i1
      %sub3A_2059 = arith.constant 1 : i32
      %sub3A_2060 = arith.subi %div3A_2039, %sub3A_2059 : i32
      %select_n3A_2061 = arith.select %and3A_2058, %sub3A_2060, %div3A_2039 : i32
      %jit3A_2062 = arith.constant 10 : i32
      %eq3A_2063 = arith.constant 0 : i32
      %eq3A_2064 = arith.cmpi eq, %jit3A_2062, %eq3A_2063 : i32
      %jit3A_2065 = arith.constant 1 : i32
      %select_n3A_2066 = arith.select %eq3A_2064, %jit3A_2065, %jit3A_2062 : i32
      %rem3A_2067 = arith.remsi %add3A_2037, %select_n3A_2066 : i32
      %ne3A_2068 = arith.constant 0 : i32
      %ne3A_2069 = arith.cmpi ne, %rem3A_2067, %ne3A_2068 : i32
      %lt3A_2070 = arith.constant 0 : i32
      %lt3A_2071 = arith.cmpi slt, %rem3A_2067, %lt3A_2070 : i32
      %lt3A_2072 = arith.constant 0 : i32
      %lt3A_2073 = arith.cmpi slt, %select_n3A_2066, %lt3A_2072 : i32
      %ne3A_2074 = arith.xori %lt3A_2071, %lt3A_2073 : i1
      %and3A_2075 = arith.andi %ne3A_2074, %ne3A_2069 : i1
      %add3A_2076 = arith.addi %rem3A_2067, %select_n3A_2066 : i32
      %select_n3A_2077 = arith.select %and3A_2075, %add3A_2076, %rem3A_2067 : i32
      %dma_start3A_2078 = arith.constant 3 : i32
      %dma_start3A_2079 = arith.constant 0 : i32
      %dma_start3A_2080 = arith.constant 0 : i32
      %dma_start3A_2081 = tpu.memref_slice %arg6[%dma_start3A_2078, %dma_start3A_2079, %dma_start3A_2080] : memref<5x100x64xf32, #tpu.memory_space<vmem>> -> memref<1x100x64xf32, #tpu.memory_space<vmem>>
      %dma_start3A_2082 = tpu.memref_squeeze %dma_start3A_2081 : memref<1x100x64xf32, #tpu.memory_space<vmem>> -> memref<100x64xf32, #tpu.memory_space<vmem>>
      %dma_start3A_2083 = arith.constant 50 : i32
      %dma_start3A_2084 = arith.constant 0 : i32
      %dma_start3A_2085 = tpu.memref_slice %dma_start3A_2082[%dma_start3A_2083, %dma_start3A_2084] : memref<100x64xf32, #tpu.memory_space<vmem>> -> memref<50x64xf32, #tpu.memory_space<vmem>>
      %dma_start3A_2086 = arith.constant 0 : i32
      %dma_start3A_2087 = arith.constant 0 : i32
      %dma_start3A_2088 = tpu.memref_slice %arg4[%select_n3A_2061, %select_n3A_2077, %dma_start3A_2086, %dma_start3A_2087] : memref<1024x10x50x64xf32, #tpu.memory_space<hbm>> -> memref<1x1x50x64xf32, #tpu.memory_space<hbm>>
      %dma_start3A_2089 = tpu.memref_squeeze %dma_start3A_2088 : memref<1x1x50x64xf32, #tpu.memory_space<hbm>> -> memref<50x64xf32, #tpu.memory_space<hbm>>
      %dma_start3A_2090 = arith.constant 0 : i32
      %dma_start3A_2091 = arith.constant 0 : i32
      %dma_start3A_2092 = tpu.memref_slice %arg4[%select_n3A_2061, %select_n3A_2077, %dma_start3A_2090, %dma_start3A_2091] : memref<1024x10x50x64xf32, #tpu.memory_space<hbm>> -> memref<1x1x50x64xf32, #tpu.memory_space<hbm>>
      %dma_start3A_2093 = tpu.memref_squeeze %dma_start3A_2092 : memref<1x1x50x64xf32, #tpu.memory_space<hbm>> -> memref<50x64xf32, #tpu.memory_space<hbm>>
      %dma_start3A_2094 = arith.constant 0 : i32
      %dma_start3A_2095 = arith.constant 0 : i32
      %dma_start3A_2096 = tpu.memref_slice %arg6[%dma_start3A_2078, %dma_start3A_2094, %dma_start3A_2095] : memref<5x100x64xf32, #tpu.memory_space<vmem>> -> memref<1x100x64xf32, #tpu.memory_space<vmem>>
      %dma_start3A_2097 = tpu.memref_squeeze %dma_start3A_2096 : memref<1x100x64xf32, #tpu.memory_space<vmem>> -> memref<100x64xf32, #tpu.memory_space<vmem>>
      %dma_start3A_2098 = arith.constant 50 : i32
      %dma_start3A_2099 = arith.constant 0 : i32
      %dma_start3A_2100 = tpu.memref_slice %dma_start3A_2097[%dma_start3A_2098, %dma_start3A_2099] : memref<100x64xf32, #tpu.memory_space<vmem>> -> memref<50x64xf32, #tpu.memory_space<vmem>>
      tpu.enqueue_dma source(%dma_start3A_2100 : memref<50x64xf32, #tpu.memory_space<vmem>>) target(%dma_start3A_2093 : memref<50x64xf32, #tpu.memory_space<hbm>>) target_semaphore(%arg15 : memref<!tpu.dma_semaphore, #tpu.memory_space<semaphore_mem>>)
      %mul3A_2101 = arith.constant 5 : i32
      %mul3A_2102 = arith.muli %scan3A_1496, %mul3A_2101 : i32
      %add3A_2103 = arith.constant 4 : i32
      %add3A_2104 = arith.addi %mul3A_2102, %add3A_2103 : i32
      %dma_wait3A_2105 = arith.constant 4 : i32
      %dma_wait3A_2106 = arith.constant 0 : i32
      %dma_wait3A_2107 = arith.constant 0 : i32
      %dma_wait3A_2108 = tpu.memref_slice %arg6[%dma_wait3A_2105, %dma_wait3A_2106, %dma_wait3A_2107] : memref<5x100x64xf32, #tpu.memory_space<vmem>> -> memref<1x100x64xf32, #tpu.memory_space<vmem>>
      %dma_wait3A_2109 = tpu.memref_squeeze %dma_wait3A_2108 : memref<1x100x64xf32, #tpu.memory_space<vmem>> -> memref<100x64xf32, #tpu.memory_space<vmem>>
      %dma_wait3A_2110 = arith.constant 0 : i32
      %dma_wait3A_2111 = tpu.memref_slice %arg5[%add3A_2104, %dma_wait3A_2110] : memref<160x100xi32, #tpu.memory_space<vmem>> -> memref<1x100xi32, #tpu.memory_space<vmem>>
      %dma_wait3A_2112 = tpu.memref_squeeze %dma_wait3A_2111 : memref<1x100xi32, #tpu.memory_space<vmem>> -> memref<100xi32, #tpu.memory_space<vmem>>
      %dma_wait3A_2113 = arith.constant 0 : i32
      %dma_wait3A_2114 = arith.constant 0 : i32
      %dma_wait3A_2115 = tpu.memref_slice %arg3[%dma_wait3A_2113, %dma_wait3A_2114] : memref<1000000x64xf32, #tpu.memory_space<hbm>> -> memref<1000000x64xf32, #tpu.memory_space<hbm>>
      tpu.wait_indirect_dma semaphore(%arg11 : memref<!tpu.dma_semaphore, #tpu.memory_space<semaphore_mem>>) src(%dma_wait3A_2115 : memref<1000000x64xf32, #tpu.memory_space<hbm>>) dst(%dma_wait3A_2109 : memref<100x64xf32, #tpu.memory_space<vmem>>)
      %add3A_2116 = arith.addi %mul3A_2, %add3A_2104 : i32
      %mul3A_2117 = arith.constant 2 : i32
      %mul3A_2118 = arith.muli %mul3A_2117, %add3A_2116 : i32
      %add3A_2119 = arith.constant 0 : i32
      %add3A_2120 = arith.addi %mul3A_2118, %add3A_2119 : i32
      %jit3A_2121 = arith.constant 10 : i32
      %div3A_2122 = arith.divsi %add3A_2120, %jit3A_2121 : i32
      %sign3A_2123 = arith.constant 0 : i32
      %sign3A_2124 = arith.cmpi sgt, %add3A_2120, %sign3A_2123 : i32
      %sign3A_2125 = arith.extui %sign3A_2124 : i1 to i32
      %sign3A_2126 = arith.constant 0 : i32
      %sign3A_2127 = arith.cmpi slt, %add3A_2120, %sign3A_2126 : i32
      %sign3A_2128 = arith.extui %sign3A_2127 : i1 to i32
      %sign3A_2129 = arith.subi %sign3A_2125, %sign3A_2128 : i32
      %sign3A_2130 = arith.constant 0 : i32
      %sign3A_2131 = arith.cmpi sgt, %jit3A_2121, %sign3A_2130 : i32
      %sign3A_2132 = arith.extui %sign3A_2131 : i1 to i32
      %sign3A_2133 = arith.constant 0 : i32
      %sign3A_2134 = arith.cmpi slt, %jit3A_2121, %sign3A_2133 : i32
      %sign3A_2135 = arith.extui %sign3A_2134 : i1 to i32
      %sign3A_2136 = arith.subi %sign3A_2132, %sign3A_2135 : i32
      %ne3A_2137 = arith.cmpi ne, %sign3A_2129, %sign3A_2136 : i32
      %rem3A_2138 = arith.remsi %add3A_2120, %jit3A_2121 : i32
      %ne3A_2139 = arith.constant 0 : i32
      %ne3A_2140 = arith.cmpi ne, %rem3A_2138, %ne3A_2139 : i32
      %and3A_2141 = arith.andi %ne3A_2137, %ne3A_2140 : i1
      %sub3A_2142 = arith.constant 1 : i32
      %sub3A_2143 = arith.subi %div3A_2122, %sub3A_2142 : i32
      %select_n3A_2144 = arith.select %and3A_2141, %sub3A_2143, %div3A_2122 : i32
      %jit3A_2145 = arith.constant 10 : i32
      %eq3A_2146 = arith.constant 0 : i32
      %eq3A_2147 = arith.cmpi eq, %jit3A_2145, %eq3A_2146 : i32
      %jit3A_2148 = arith.constant 1 : i32
      %select_n3A_2149 = arith.select %eq3A_2147, %jit3A_2148, %jit3A_2145 : i32
      %rem3A_2150 = arith.remsi %add3A_2120, %select_n3A_2149 : i32
      %ne3A_2151 = arith.constant 0 : i32
      %ne3A_2152 = arith.cmpi ne, %rem3A_2150, %ne3A_2151 : i32
      %lt3A_2153 = arith.constant 0 : i32
      %lt3A_2154 = arith.cmpi slt, %rem3A_2150, %lt3A_2153 : i32
      %lt3A_2155 = arith.constant 0 : i32
      %lt3A_2156 = arith.cmpi slt, %select_n3A_2149, %lt3A_2155 : i32
      %ne3A_2157 = arith.xori %lt3A_2154, %lt3A_2156 : i1
      %and3A_2158 = arith.andi %ne3A_2157, %ne3A_2152 : i1
      %add3A_2159 = arith.addi %rem3A_2150, %select_n3A_2149 : i32
      %select_n3A_2160 = arith.select %and3A_2158, %add3A_2159, %rem3A_2150 : i32
      %dma_start3A_2161 = arith.constant 4 : i32
      %dma_start3A_2162 = arith.constant 0 : i32
      %dma_start3A_2163 = arith.constant 0 : i32
      %dma_start3A_2164 = tpu.memref_slice %arg6[%dma_start3A_2161, %dma_start3A_2162, %dma_start3A_2163] : memref<5x100x64xf32, #tpu.memory_space<vmem>> -> memref<1x100x64xf32, #tpu.memory_space<vmem>>
      %dma_start3A_2165 = tpu.memref_squeeze %dma_start3A_2164 : memref<1x100x64xf32, #tpu.memory_space<vmem>> -> memref<100x64xf32, #tpu.memory_space<vmem>>
      %dma_start3A_2166 = arith.constant 0 : i32
      %dma_start3A_2167 = arith.constant 0 : i32
      %dma_start3A_2168 = tpu.memref_slice %dma_start3A_2165[%dma_start3A_2166, %dma_start3A_2167] : memref<100x64xf32, #tpu.memory_space<vmem>> -> memref<50x64xf32, #tpu.memory_space<vmem>>
      %dma_start3A_2169 = arith.constant 0 : i32
      %dma_start3A_2170 = arith.constant 0 : i32
      %dma_start3A_2171 = tpu.memref_slice %arg4[%select_n3A_2144, %select_n3A_2160, %dma_start3A_2169, %dma_start3A_2170] : memref<1024x10x50x64xf32, #tpu.memory_space<hbm>> -> memref<1x1x50x64xf32, #tpu.memory_space<hbm>>
      %dma_start3A_2172 = tpu.memref_squeeze %dma_start3A_2171 : memref<1x1x50x64xf32, #tpu.memory_space<hbm>> -> memref<50x64xf32, #tpu.memory_space<hbm>>
      %dma_start3A_2173 = arith.constant 0 : i32
      %dma_start3A_2174 = arith.constant 0 : i32
      %dma_start3A_2175 = tpu.memref_slice %arg4[%select_n3A_2144, %select_n3A_2160, %dma_start3A_2173, %dma_start3A_2174] : memref<1024x10x50x64xf32, #tpu.memory_space<hbm>> -> memref<1x1x50x64xf32, #tpu.memory_space<hbm>>
      %dma_start3A_2176 = tpu.memref_squeeze %dma_start3A_2175 : memref<1x1x50x64xf32, #tpu.memory_space<hbm>> -> memref<50x64xf32, #tpu.memory_space<hbm>>
      %dma_start3A_2177 = arith.constant 0 : i32
      %dma_start3A_2178 = arith.constant 0 : i32
      %dma_start3A_2179 = tpu.memref_slice %arg6[%dma_start3A_2161, %dma_start3A_2177, %dma_start3A_2178] : memref<5x100x64xf32, #tpu.memory_space<vmem>> -> memref<1x100x64xf32, #tpu.memory_space<vmem>>
      %dma_start3A_2180 = tpu.memref_squeeze %dma_start3A_2179 : memref<1x100x64xf32, #tpu.memory_space<vmem>> -> memref<100x64xf32, #tpu.memory_space<vmem>>
      %dma_start3A_2181 = arith.constant 0 : i32
      %dma_start3A_2182 = arith.constant 0 : i32
      %dma_start3A_2183 = tpu.memref_slice %dma_start3A_2180[%dma_start3A_2181, %dma_start3A_2182] : memref<100x64xf32, #tpu.memory_space<vmem>> -> memref<50x64xf32, #tpu.memory_space<vmem>>
      tpu.enqueue_dma source(%dma_start3A_2183 : memref<50x64xf32, #tpu.memory_space<vmem>>) target(%dma_start3A_2176 : memref<50x64xf32, #tpu.memory_space<hbm>>) target_semaphore(%arg16 : memref<!tpu.dma_semaphore, #tpu.memory_space<semaphore_mem>>)
      %add3A_2184 = arith.addi %mul3A_2, %add3A_2104 : i32
      %mul3A_2185 = arith.constant 2 : i32
      %mul3A_2186 = arith.muli %mul3A_2185, %add3A_2184 : i32
      %add3A_2187 = arith.constant 1 : i32
      %add3A_2188 = arith.addi %mul3A_2186, %add3A_2187 : i32
      %jit3A_2189 = arith.constant 10 : i32
      %div3A_2190 = arith.divsi %add3A_2188, %jit3A_2189 : i32
      %sign3A_2191 = arith.constant 0 : i32
      %sign3A_2192 = arith.cmpi sgt, %add3A_2188, %sign3A_2191 : i32
      %sign3A_2193 = arith.extui %sign3A_2192 : i1 to i32
      %sign3A_2194 = arith.constant 0 : i32
      %sign3A_2195 = arith.cmpi slt, %add3A_2188, %sign3A_2194 : i32
      %sign3A_2196 = arith.extui %sign3A_2195 : i1 to i32
      %sign3A_2197 = arith.subi %sign3A_2193, %sign3A_2196 : i32
      %sign3A_2198 = arith.constant 0 : i32
      %sign3A_2199 = arith.cmpi sgt, %jit3A_2189, %sign3A_2198 : i32
      %sign3A_2200 = arith.extui %sign3A_2199 : i1 to i32
      %sign3A_2201 = arith.constant 0 : i32
      %sign3A_2202 = arith.cmpi slt, %jit3A_2189, %sign3A_2201 : i32
      %sign3A_2203 = arith.extui %sign3A_2202 : i1 to i32
      %sign3A_2204 = arith.subi %sign3A_2200, %sign3A_2203 : i32
      %ne3A_2205 = arith.cmpi ne, %sign3A_2197, %sign3A_2204 : i32
      %rem3A_2206 = arith.remsi %add3A_2188, %jit3A_2189 : i32
      %ne3A_2207 = arith.constant 0 : i32
      %ne3A_2208 = arith.cmpi ne, %rem3A_2206, %ne3A_2207 : i32
      %and3A_2209 = arith.andi %ne3A_2205, %ne3A_2208 : i1
      %sub3A_2210 = arith.constant 1 : i32
      %sub3A_2211 = arith.subi %div3A_2190, %sub3A_2210 : i32
      %select_n3A_2212 = arith.select %and3A_2209, %sub3A_2211, %div3A_2190 : i32
      %jit3A_2213 = arith.constant 10 : i32
      %eq3A_2214 = arith.constant 0 : i32
      %eq3A_2215 = arith.cmpi eq, %jit3A_2213, %eq3A_2214 : i32
      %jit3A_2216 = arith.constant 1 : i32
      %select_n3A_2217 = arith.select %eq3A_2215, %jit3A_2216, %jit3A_2213 : i32
      %rem3A_2218 = arith.remsi %add3A_2188, %select_n3A_2217 : i32
      %ne3A_2219 = arith.constant 0 : i32
      %ne3A_2220 = arith.cmpi ne, %rem3A_2218, %ne3A_2219 : i32
      %lt3A_2221 = arith.constant 0 : i32
      %lt3A_2222 = arith.cmpi slt, %rem3A_2218, %lt3A_2221 : i32
      %lt3A_2223 = arith.constant 0 : i32
      %lt3A_2224 = arith.cmpi slt, %select_n3A_2217, %lt3A_2223 : i32
      %ne3A_2225 = arith.xori %lt3A_2222, %lt3A_2224 : i1
      %and3A_2226 = arith.andi %ne3A_2225, %ne3A_2220 : i1
      %add3A_2227 = arith.addi %rem3A_2218, %select_n3A_2217 : i32
      %select_n3A_2228 = arith.select %and3A_2226, %add3A_2227, %rem3A_2218 : i32
      %dma_start3A_2229 = arith.constant 4 : i32
      %dma_start3A_2230 = arith.constant 0 : i32
      %dma_start3A_2231 = arith.constant 0 : i32
      %dma_start3A_2232 = tpu.memref_slice %arg6[%dma_start3A_2229, %dma_start3A_2230, %dma_start3A_2231] : memref<5x100x64xf32, #tpu.memory_space<vmem>> -> memref<1x100x64xf32, #tpu.memory_space<vmem>>
      %dma_start3A_2233 = tpu.memref_squeeze %dma_start3A_2232 : memref<1x100x64xf32, #tpu.memory_space<vmem>> -> memref<100x64xf32, #tpu.memory_space<vmem>>
      %dma_start3A_2234 = arith.constant 50 : i32
      %dma_start3A_2235 = arith.constant 0 : i32
      %dma_start3A_2236 = tpu.memref_slice %dma_start3A_2233[%dma_start3A_2234, %dma_start3A_2235] : memref<100x64xf32, #tpu.memory_space<vmem>> -> memref<50x64xf32, #tpu.memory_space<vmem>>
      %dma_start3A_2237 = arith.constant 0 : i32
      %dma_start3A_2238 = arith.constant 0 : i32
      %dma_start3A_2239 = tpu.memref_slice %arg4[%select_n3A_2212, %select_n3A_2228, %dma_start3A_2237, %dma_start3A_2238] : memref<1024x10x50x64xf32, #tpu.memory_space<hbm>> -> memref<1x1x50x64xf32, #tpu.memory_space<hbm>>
      %dma_start3A_2240 = tpu.memref_squeeze %dma_start3A_2239 : memref<1x1x50x64xf32, #tpu.memory_space<hbm>> -> memref<50x64xf32, #tpu.memory_space<hbm>>
      %dma_start3A_2241 = arith.constant 0 : i32
      %dma_start3A_2242 = arith.constant 0 : i32
      %dma_start3A_2243 = tpu.memref_slice %arg4[%select_n3A_2212, %select_n3A_2228, %dma_start3A_2241, %dma_start3A_2242] : memref<1024x10x50x64xf32, #tpu.memory_space<hbm>> -> memref<1x1x50x64xf32, #tpu.memory_space<hbm>>
      %dma_start3A_2244 = tpu.memref_squeeze %dma_start3A_2243 : memref<1x1x50x64xf32, #tpu.memory_space<hbm>> -> memref<50x64xf32, #tpu.memory_space<hbm>>
      %dma_start3A_2245 = arith.constant 0 : i32
      %dma_start3A_2246 = arith.constant 0 : i32
      %dma_start3A_2247 = tpu.memref_slice %arg6[%dma_start3A_2229, %dma_start3A_2245, %dma_start3A_2246] : memref<5x100x64xf32, #tpu.memory_space<vmem>> -> memref<1x100x64xf32, #tpu.memory_space<vmem>>
      %dma_start3A_2248 = tpu.memref_squeeze %dma_start3A_2247 : memref<1x100x64xf32, #tpu.memory_space<vmem>> -> memref<100x64xf32, #tpu.memory_space<vmem>>
      %dma_start3A_2249 = arith.constant 50 : i32
      %dma_start3A_2250 = arith.constant 0 : i32
      %dma_start3A_2251 = tpu.memref_slice %dma_start3A_2248[%dma_start3A_2249, %dma_start3A_2250] : memref<100x64xf32, #tpu.memory_space<vmem>> -> memref<50x64xf32, #tpu.memory_space<vmem>>
      tpu.enqueue_dma source(%dma_start3A_2251 : memref<50x64xf32, #tpu.memory_space<vmem>>) target(%dma_start3A_2244 : memref<50x64xf32, #tpu.memory_space<hbm>>) target_semaphore(%arg16 : memref<!tpu.dma_semaphore, #tpu.memory_space<semaphore_mem>>)
      %mul3A_2252 = arith.constant 5 : i32
      %mul3A_2253 = arith.muli %scan3A_1496, %mul3A_2252 : i32
      %add3A_2254 = arith.constant 0 : i32
      %add3A_2255 = arith.addi %mul3A_2253, %add3A_2254 : i32
      %add3A_2256 = arith.addi %mul3A_2, %add3A_2255 : i32
      %mul3A_2257 = arith.constant 2 : i32
      %mul3A_2258 = arith.muli %mul3A_2257, %add3A_2256 : i32
      %add3A_2259 = arith.constant 0 : i32
      %add3A_2260 = arith.addi %mul3A_2258, %add3A_2259 : i32
      %jit3A_2261 = arith.constant 10 : i32
      %div3A_2262 = arith.divsi %add3A_2260, %jit3A_2261 : i32
      %sign3A_2263 = arith.constant 0 : i32
      %sign3A_2264 = arith.cmpi sgt, %add3A_2260, %sign3A_2263 : i32
      %sign3A_2265 = arith.extui %sign3A_2264 : i1 to i32
      %sign3A_2266 = arith.constant 0 : i32
      %sign3A_2267 = arith.cmpi slt, %add3A_2260, %sign3A_2266 : i32
      %sign3A_2268 = arith.extui %sign3A_2267 : i1 to i32
      %sign3A_2269 = arith.subi %sign3A_2265, %sign3A_2268 : i32
      %sign3A_2270 = arith.constant 0 : i32
      %sign3A_2271 = arith.cmpi sgt, %jit3A_2261, %sign3A_2270 : i32
      %sign3A_2272 = arith.extui %sign3A_2271 : i1 to i32
      %sign3A_2273 = arith.constant 0 : i32
      %sign3A_2274 = arith.cmpi slt, %jit3A_2261, %sign3A_2273 : i32
      %sign3A_2275 = arith.extui %sign3A_2274 : i1 to i32
      %sign3A_2276 = arith.subi %sign3A_2272, %sign3A_2275 : i32
      %ne3A_2277 = arith.cmpi ne, %sign3A_2269, %sign3A_2276 : i32
      %rem3A_2278 = arith.remsi %add3A_2260, %jit3A_2261 : i32
      %ne3A_2279 = arith.constant 0 : i32
      %ne3A_2280 = arith.cmpi ne, %rem3A_2278, %ne3A_2279 : i32
      %and3A_2281 = arith.andi %ne3A_2277, %ne3A_2280 : i1
      %sub3A_2282 = arith.constant 1 : i32
      %sub3A_2283 = arith.subi %div3A_2262, %sub3A_2282 : i32
      %select_n3A_2284 = arith.select %and3A_2281, %sub3A_2283, %div3A_2262 : i32
      %jit3A_2285 = arith.constant 10 : i32
      %eq3A_2286 = arith.constant 0 : i32
      %eq3A_2287 = arith.cmpi eq, %jit3A_2285, %eq3A_2286 : i32
      %jit3A_2288 = arith.constant 1 : i32
      %select_n3A_2289 = arith.select %eq3A_2287, %jit3A_2288, %jit3A_2285 : i32
      %rem3A_2290 = arith.remsi %add3A_2260, %select_n3A_2289 : i32
      %ne3A_2291 = arith.constant 0 : i32
      %ne3A_2292 = arith.cmpi ne, %rem3A_2290, %ne3A_2291 : i32
      %lt3A_2293 = arith.constant 0 : i32
      %lt3A_2294 = arith.cmpi slt, %rem3A_2290, %lt3A_2293 : i32
      %lt3A_2295 = arith.constant 0 : i32
      %lt3A_2296 = arith.cmpi slt, %select_n3A_2289, %lt3A_2295 : i32
      %ne3A_2297 = arith.xori %lt3A_2294, %lt3A_2296 : i1
      %and3A_2298 = arith.andi %ne3A_2297, %ne3A_2292 : i1
      %add3A_2299 = arith.addi %rem3A_2290, %select_n3A_2289 : i32
      %select_n3A_2300 = arith.select %and3A_2298, %add3A_2299, %rem3A_2290 : i32
      %dma_wait3A_2301 = arith.constant 0 : i32
      %dma_wait3A_2302 = arith.constant 0 : i32
      %dma_wait3A_2303 = arith.constant 0 : i32
      %dma_wait3A_2304 = tpu.memref_slice %arg6[%dma_wait3A_2301, %dma_wait3A_2302, %dma_wait3A_2303] : memref<5x100x64xf32, #tpu.memory_space<vmem>> -> memref<1x100x64xf32, #tpu.memory_space<vmem>>
      %dma_wait3A_2305 = tpu.memref_squeeze %dma_wait3A_2304 : memref<1x100x64xf32, #tpu.memory_space<vmem>> -> memref<100x64xf32, #tpu.memory_space<vmem>>
      %dma_wait3A_2306 = arith.constant 0 : i32
      %dma_wait3A_2307 = arith.constant 0 : i32
      %dma_wait3A_2308 = tpu.memref_slice %dma_wait3A_2305[%dma_wait3A_2306, %dma_wait3A_2307] : memref<100x64xf32, #tpu.memory_space<vmem>> -> memref<50x64xf32, #tpu.memory_space<vmem>>
      %dma_wait3A_2309 = arith.constant 0 : i32
      %dma_wait3A_2310 = arith.constant 0 : i32
      %dma_wait3A_2311 = tpu.memref_slice %arg4[%select_n3A_2284, %select_n3A_2300, %dma_wait3A_2309, %dma_wait3A_2310] : memref<1024x10x50x64xf32, #tpu.memory_space<hbm>> -> memref<1x1x50x64xf32, #tpu.memory_space<hbm>>
      %dma_wait3A_2312 = tpu.memref_squeeze %dma_wait3A_2311 : memref<1x1x50x64xf32, #tpu.memory_space<hbm>> -> memref<50x64xf32, #tpu.memory_space<hbm>>
      %dma_wait3A_2313 = arith.constant 0 : i32
      %dma_wait3A_2314 = arith.constant 0 : i32
      %dma_wait3A_2315 = tpu.memref_slice %arg4[%select_n3A_2284, %select_n3A_2300, %dma_wait3A_2313, %dma_wait3A_2314] : memref<1024x10x50x64xf32, #tpu.memory_space<hbm>> -> memref<1x1x50x64xf32, #tpu.memory_space<hbm>>
      %dma_wait3A_2316 = tpu.memref_squeeze %dma_wait3A_2315 : memref<1x1x50x64xf32, #tpu.memory_space<hbm>> -> memref<50x64xf32, #tpu.memory_space<hbm>>
      %dma_wait3A_2317 = arith.constant 0 : i32
      %dma_wait3A_2318 = arith.constant 0 : i32
      %dma_wait3A_2319 = tpu.memref_slice %arg6[%dma_wait3A_2301, %dma_wait3A_2317, %dma_wait3A_2318] : memref<5x100x64xf32, #tpu.memory_space<vmem>> -> memref<1x100x64xf32, #tpu.memory_space<vmem>>
      %dma_wait3A_2320 = tpu.memref_squeeze %dma_wait3A_2319 : memref<1x100x64xf32, #tpu.memory_space<vmem>> -> memref<100x64xf32, #tpu.memory_space<vmem>>
      %dma_wait3A_2321 = arith.constant 0 : i32
      %dma_wait3A_2322 = arith.constant 0 : i32
      %dma_wait3A_2323 = tpu.memref_slice %dma_wait3A_2320[%dma_wait3A_2321, %dma_wait3A_2322] : memref<100x64xf32, #tpu.memory_space<vmem>> -> memref<50x64xf32, #tpu.memory_space<vmem>>
      tpu.wait_dma2 semaphore(%arg12 : memref<!tpu.dma_semaphore, #tpu.memory_space<semaphore_mem>>) src(%dma_wait3A_2323 : memref<50x64xf32, #tpu.memory_space<vmem>>) dst(%dma_wait3A_2316 : memref<50x64xf32, #tpu.memory_space<hbm>>)
      %add3A_2324 = arith.addi %mul3A_2, %add3A_2255 : i32
      %mul3A_2325 = arith.constant 2 : i32
      %mul3A_2326 = arith.muli %mul3A_2325, %add3A_2324 : i32
      %add3A_2327 = arith.constant 1 : i32
      %add3A_2328 = arith.addi %mul3A_2326, %add3A_2327 : i32
      %jit3A_2329 = arith.constant 10 : i32
      %div3A_2330 = arith.divsi %add3A_2328, %jit3A_2329 : i32
      %sign3A_2331 = arith.constant 0 : i32
      %sign3A_2332 = arith.cmpi sgt, %add3A_2328, %sign3A_2331 : i32
      %sign3A_2333 = arith.extui %sign3A_2332 : i1 to i32
      %sign3A_2334 = arith.constant 0 : i32
      %sign3A_2335 = arith.cmpi slt, %add3A_2328, %sign3A_2334 : i32
      %sign3A_2336 = arith.extui %sign3A_2335 : i1 to i32
      %sign3A_2337 = arith.subi %sign3A_2333, %sign3A_2336 : i32
      %sign3A_2338 = arith.constant 0 : i32
      %sign3A_2339 = arith.cmpi sgt, %jit3A_2329, %sign3A_2338 : i32
      %sign3A_2340 = arith.extui %sign3A_2339 : i1 to i32
      %sign3A_2341 = arith.constant 0 : i32
      %sign3A_2342 = arith.cmpi slt, %jit3A_2329, %sign3A_2341 : i32
      %sign3A_2343 = arith.extui %sign3A_2342 : i1 to i32
      %sign3A_2344 = arith.subi %sign3A_2340, %sign3A_2343 : i32
      %ne3A_2345 = arith.cmpi ne, %sign3A_2337, %sign3A_2344 : i32
      %rem3A_2346 = arith.remsi %add3A_2328, %jit3A_2329 : i32
      %ne3A_2347 = arith.constant 0 : i32
      %ne3A_2348 = arith.cmpi ne, %rem3A_2346, %ne3A_2347 : i32
      %and3A_2349 = arith.andi %ne3A_2345, %ne3A_2348 : i1
      %sub3A_2350 = arith.constant 1 : i32
      %sub3A_2351 = arith.subi %div3A_2330, %sub3A_2350 : i32
      %select_n3A_2352 = arith.select %and3A_2349, %sub3A_2351, %div3A_2330 : i32
      %jit3A_2353 = arith.constant 10 : i32
      %eq3A_2354 = arith.constant 0 : i32
      %eq3A_2355 = arith.cmpi eq, %jit3A_2353, %eq3A_2354 : i32
      %jit3A_2356 = arith.constant 1 : i32
      %select_n3A_2357 = arith.select %eq3A_2355, %jit3A_2356, %jit3A_2353 : i32
      %rem3A_2358 = arith.remsi %add3A_2328, %select_n3A_2357 : i32
      %ne3A_2359 = arith.constant 0 : i32
      %ne3A_2360 = arith.cmpi ne, %rem3A_2358, %ne3A_2359 : i32
      %lt3A_2361 = arith.constant 0 : i32
      %lt3A_2362 = arith.cmpi slt, %rem3A_2358, %lt3A_2361 : i32
      %lt3A_2363 = arith.constant 0 : i32
      %lt3A_2364 = arith.cmpi slt, %select_n3A_2357, %lt3A_2363 : i32
      %ne3A_2365 = arith.xori %lt3A_2362, %lt3A_2364 : i1
      %and3A_2366 = arith.andi %ne3A_2365, %ne3A_2360 : i1
      %add3A_2367 = arith.addi %rem3A_2358, %select_n3A_2357 : i32
      %select_n3A_2368 = arith.select %and3A_2366, %add3A_2367, %rem3A_2358 : i32
      %dma_wait3A_2369 = arith.constant 0 : i32
      %dma_wait3A_2370 = arith.constant 0 : i32
      %dma_wait3A_2371 = arith.constant 0 : i32
      %dma_wait3A_2372 = tpu.memref_slice %arg6[%dma_wait3A_2369, %dma_wait3A_2370, %dma_wait3A_2371] : memref<5x100x64xf32, #tpu.memory_space<vmem>> -> memref<1x100x64xf32, #tpu.memory_space<vmem>>
      %dma_wait3A_2373 = tpu.memref_squeeze %dma_wait3A_2372 : memref<1x100x64xf32, #tpu.memory_space<vmem>> -> memref<100x64xf32, #tpu.memory_space<vmem>>
      %dma_wait3A_2374 = arith.constant 50 : i32
      %dma_wait3A_2375 = arith.constant 0 : i32
      %dma_wait3A_2376 = tpu.memref_slice %dma_wait3A_2373[%dma_wait3A_2374, %dma_wait3A_2375] : memref<100x64xf32, #tpu.memory_space<vmem>> -> memref<50x64xf32, #tpu.memory_space<vmem>>
      %dma_wait3A_2377 = arith.constant 0 : i32
      %dma_wait3A_2378 = arith.constant 0 : i32
      %dma_wait3A_2379 = tpu.memref_slice %arg4[%select_n3A_2352, %select_n3A_2368, %dma_wait3A_2377, %dma_wait3A_2378] : memref<1024x10x50x64xf32, #tpu.memory_space<hbm>> -> memref<1x1x50x64xf32, #tpu.memory_space<hbm>>
      %dma_wait3A_2380 = tpu.memref_squeeze %dma_wait3A_2379 : memref<1x1x50x64xf32, #tpu.memory_space<hbm>> -> memref<50x64xf32, #tpu.memory_space<hbm>>
      %dma_wait3A_2381 = arith.constant 0 : i32
      %dma_wait3A_2382 = arith.constant 0 : i32
      %dma_wait3A_2383 = tpu.memref_slice %arg4[%select_n3A_2352, %select_n3A_2368, %dma_wait3A_2381, %dma_wait3A_2382] : memref<1024x10x50x64xf32, #tpu.memory_space<hbm>> -> memref<1x1x50x64xf32, #tpu.memory_space<hbm>>
      %dma_wait3A_2384 = tpu.memref_squeeze %dma_wait3A_2383 : memref<1x1x50x64xf32, #tpu.memory_space<hbm>> -> memref<50x64xf32, #tpu.memory_space<hbm>>
      %dma_wait3A_2385 = arith.constant 0 : i32
      %dma_wait3A_2386 = arith.constant 0 : i32
      %dma_wait3A_2387 = tpu.memref_slice %arg6[%dma_wait3A_2369, %dma_wait3A_2385, %dma_wait3A_2386] : memref<5x100x64xf32, #tpu.memory_space<vmem>> -> memref<1x100x64xf32, #tpu.memory_space<vmem>>
      %dma_wait3A_2388 = tpu.memref_squeeze %dma_wait3A_2387 : memref<1x100x64xf32, #tpu.memory_space<vmem>> -> memref<100x64xf32, #tpu.memory_space<vmem>>
      %dma_wait3A_2389 = arith.constant 50 : i32
      %dma_wait3A_2390 = arith.constant 0 : i32
      %dma_wait3A_2391 = tpu.memref_slice %dma_wait3A_2388[%dma_wait3A_2389, %dma_wait3A_2390] : memref<100x64xf32, #tpu.memory_space<vmem>> -> memref<50x64xf32, #tpu.memory_space<vmem>>
      tpu.wait_dma2 semaphore(%arg12 : memref<!tpu.dma_semaphore, #tpu.memory_space<semaphore_mem>>) src(%dma_wait3A_2391 : memref<50x64xf32, #tpu.memory_space<vmem>>) dst(%dma_wait3A_2384 : memref<50x64xf32, #tpu.memory_space<hbm>>)
      %add3A_2392 = arith.constant 5 : i32
      %add3A_2393 = arith.addi %add3A_2255, %add3A_2392 : i32
      %dma_start3A_2394 = arith.constant 0 : i32
      %dma_start3A_2395 = arith.constant 0 : i32
      %dma_start3A_2396 = arith.constant 0 : i32
      %dma_start3A_2397 = tpu.memref_slice %arg6[%dma_start3A_2394, %dma_start3A_2395, %dma_start3A_2396] : memref<5x100x64xf32, #tpu.memory_space<vmem>> -> memref<1x100x64xf32, #tpu.memory_space<vmem>>
      %dma_start3A_2398 = tpu.memref_squeeze %dma_start3A_2397 : memref<1x100x64xf32, #tpu.memory_space<vmem>> -> memref<100x64xf32, #tpu.memory_space<vmem>>
      %dma_start3A_2399 = arith.constant 0 : i32
      %dma_start3A_2400 = tpu.memref_slice %arg5[%add3A_2393, %dma_start3A_2399] : memref<160x100xi32, #tpu.memory_space<vmem>> -> memref<1x100xi32, #tpu.memory_space<vmem>>
      %dma_start3A_2401 = tpu.memref_squeeze %dma_start3A_2400 : memref<1x100xi32, #tpu.memory_space<vmem>> -> memref<100xi32, #tpu.memory_space<vmem>>
      %dma_start3A_2402 = arith.constant 0 : i32
      %dma_start3A_2403 = arith.constant 0 : i32
      %dma_start3A_2404 = tpu.memref_slice %arg3[%dma_start3A_2402, %dma_start3A_2403] : memref<1000000x64xf32, #tpu.memory_space<hbm>> -> memref<1000000x64xf32, #tpu.memory_space<hbm>>
      tpu.enqueue_indirect_dma source(%dma_start3A_2404 : memref<1000000x64xf32, #tpu.memory_space<hbm>>) target(%dma_start3A_2398 : memref<100x64xf32, #tpu.memory_space<vmem>>) offsets(%dma_start3A_2401 : memref<100xi32, #tpu.memory_space<vmem>>) semaphore(%arg7 : memref<!tpu.dma_semaphore, #tpu.memory_space<semaphore_mem>>)
      %mul3A_2405 = arith.constant 5 : i32
      %mul3A_2406 = arith.muli %scan3A_1496, %mul3A_2405 : i32
      %add3A_2407 = arith.constant 1 : i32
      %add3A_2408 = arith.addi %mul3A_2406, %add3A_2407 : i32
      %add3A_2409 = arith.addi %mul3A_2, %add3A_2408 : i32
      %mul3A_2410 = arith.constant 2 : i32
      %mul3A_2411 = arith.muli %mul3A_2410, %add3A_2409 : i32
      %add3A_2412 = arith.constant 0 : i32
      %add3A_2413 = arith.addi %mul3A_2411, %add3A_2412 : i32
      %jit3A_2414 = arith.constant 10 : i32
      %div3A_2415 = arith.divsi %add3A_2413, %jit3A_2414 : i32
      %sign3A_2416 = arith.constant 0 : i32
      %sign3A_2417 = arith.cmpi sgt, %add3A_2413, %sign3A_2416 : i32
      %sign3A_2418 = arith.extui %sign3A_2417 : i1 to i32
      %sign3A_2419 = arith.constant 0 : i32
      %sign3A_2420 = arith.cmpi slt, %add3A_2413, %sign3A_2419 : i32
      %sign3A_2421 = arith.extui %sign3A_2420 : i1 to i32
      %sign3A_2422 = arith.subi %sign3A_2418, %sign3A_2421 : i32
      %sign3A_2423 = arith.constant 0 : i32
      %sign3A_2424 = arith.cmpi sgt, %jit3A_2414, %sign3A_2423 : i32
      %sign3A_2425 = arith.extui %sign3A_2424 : i1 to i32
      %sign3A_2426 = arith.constant 0 : i32
      %sign3A_2427 = arith.cmpi slt, %jit3A_2414, %sign3A_2426 : i32
      %sign3A_2428 = arith.extui %sign3A_2427 : i1 to i32
      %sign3A_2429 = arith.subi %sign3A_2425, %sign3A_2428 : i32
      %ne3A_2430 = arith.cmpi ne, %sign3A_2422, %sign3A_2429 : i32
      %rem3A_2431 = arith.remsi %add3A_2413, %jit3A_2414 : i32
      %ne3A_2432 = arith.constant 0 : i32
      %ne3A_2433 = arith.cmpi ne, %rem3A_2431, %ne3A_2432 : i32
      %and3A_2434 = arith.andi %ne3A_2430, %ne3A_2433 : i1
      %sub3A_2435 = arith.constant 1 : i32
      %sub3A_2436 = arith.subi %div3A_2415, %sub3A_2435 : i32
      %select_n3A_2437 = arith.select %and3A_2434, %sub3A_2436, %div3A_2415 : i32
      %jit3A_2438 = arith.constant 10 : i32
      %eq3A_2439 = arith.constant 0 : i32
      %eq3A_2440 = arith.cmpi eq, %jit3A_2438, %eq3A_2439 : i32
      %jit3A_2441 = arith.constant 1 : i32
      %select_n3A_2442 = arith.select %eq3A_2440, %jit3A_2441, %jit3A_2438 : i32
      %rem3A_2443 = arith.remsi %add3A_2413, %select_n3A_2442 : i32
      %ne3A_2444 = arith.constant 0 : i32
      %ne3A_2445 = arith.cmpi ne, %rem3A_2443, %ne3A_2444 : i32
      %lt3A_2446 = arith.constant 0 : i32
      %lt3A_2447 = arith.cmpi slt, %rem3A_2443, %lt3A_2446 : i32
      %lt3A_2448 = arith.constant 0 : i32
      %lt3A_2449 = arith.cmpi slt, %select_n3A_2442, %lt3A_2448 : i32
      %ne3A_2450 = arith.xori %lt3A_2447, %lt3A_2449 : i1
      %and3A_2451 = arith.andi %ne3A_2450, %ne3A_2445 : i1
      %add3A_2452 = arith.addi %rem3A_2443, %select_n3A_2442 : i32
      %select_n3A_2453 = arith.select %and3A_2451, %add3A_2452, %rem3A_2443 : i32
      %dma_wait3A_2454 = arith.constant 1 : i32
      %dma_wait3A_2455 = arith.constant 0 : i32
      %dma_wait3A_2456 = arith.constant 0 : i32
      %dma_wait3A_2457 = tpu.memref_slice %arg6[%dma_wait3A_2454, %dma_wait3A_2455, %dma_wait3A_2456] : memref<5x100x64xf32, #tpu.memory_space<vmem>> -> memref<1x100x64xf32, #tpu.memory_space<vmem>>
      %dma_wait3A_2458 = tpu.memref_squeeze %dma_wait3A_2457 : memref<1x100x64xf32, #tpu.memory_space<vmem>> -> memref<100x64xf32, #tpu.memory_space<vmem>>
      %dma_wait3A_2459 = arith.constant 0 : i32
      %dma_wait3A_2460 = arith.constant 0 : i32
      %dma_wait3A_2461 = tpu.memref_slice %dma_wait3A_2458[%dma_wait3A_2459, %dma_wait3A_2460] : memref<100x64xf32, #tpu.memory_space<vmem>> -> memref<50x64xf32, #tpu.memory_space<vmem>>
      %dma_wait3A_2462 = arith.constant 0 : i32
      %dma_wait3A_2463 = arith.constant 0 : i32
      %dma_wait3A_2464 = tpu.memref_slice %arg4[%select_n3A_2437, %select_n3A_2453, %dma_wait3A_2462, %dma_wait3A_2463] : memref<1024x10x50x64xf32, #tpu.memory_space<hbm>> -> memref<1x1x50x64xf32, #tpu.memory_space<hbm>>
      %dma_wait3A_2465 = tpu.memref_squeeze %dma_wait3A_2464 : memref<1x1x50x64xf32, #tpu.memory_space<hbm>> -> memref<50x64xf32, #tpu.memory_space<hbm>>
      %dma_wait3A_2466 = arith.constant 0 : i32
      %dma_wait3A_2467 = arith.constant 0 : i32
      %dma_wait3A_2468 = tpu.memref_slice %arg4[%select_n3A_2437, %select_n3A_2453, %dma_wait3A_2466, %dma_wait3A_2467] : memref<1024x10x50x64xf32, #tpu.memory_space<hbm>> -> memref<1x1x50x64xf32, #tpu.memory_space<hbm>>
      %dma_wait3A_2469 = tpu.memref_squeeze %dma_wait3A_2468 : memref<1x1x50x64xf32, #tpu.memory_space<hbm>> -> memref<50x64xf32, #tpu.memory_space<hbm>>
      %dma_wait3A_2470 = arith.constant 0 : i32
      %dma_wait3A_2471 = arith.constant 0 : i32
      %dma_wait3A_2472 = tpu.memref_slice %arg6[%dma_wait3A_2454, %dma_wait3A_2470, %dma_wait3A_2471] : memref<5x100x64xf32, #tpu.memory_space<vmem>> -> memref<1x100x64xf32, #tpu.memory_space<vmem>>
      %dma_wait3A_2473 = tpu.memref_squeeze %dma_wait3A_2472 : memref<1x100x64xf32, #tpu.memory_space<vmem>> -> memref<100x64xf32, #tpu.memory_space<vmem>>
      %dma_wait3A_2474 = arith.constant 0 : i32
      %dma_wait3A_2475 = arith.constant 0 : i32
      %dma_wait3A_2476 = tpu.memref_slice %dma_wait3A_2473[%dma_wait3A_2474, %dma_wait3A_2475] : memref<100x64xf32, #tpu.memory_space<vmem>> -> memref<50x64xf32, #tpu.memory_space<vmem>>
      tpu.wait_dma2 semaphore(%arg13 : memref<!tpu.dma_semaphore, #tpu.memory_space<semaphore_mem>>) src(%dma_wait3A_2476 : memref<50x64xf32, #tpu.memory_space<vmem>>) dst(%dma_wait3A_2469 : memref<50x64xf32, #tpu.memory_space<hbm>>)
      %add3A_2477 = arith.addi %mul3A_2, %add3A_2408 : i32
      %mul3A_2478 = arith.constant 2 : i32
      %mul3A_2479 = arith.muli %mul3A_2478, %add3A_2477 : i32
      %add3A_2480 = arith.constant 1 : i32
      %add3A_2481 = arith.addi %mul3A_2479, %add3A_2480 : i32
      %jit3A_2482 = arith.constant 10 : i32
      %div3A_2483 = arith.divsi %add3A_2481, %jit3A_2482 : i32
      %sign3A_2484 = arith.constant 0 : i32
      %sign3A_2485 = arith.cmpi sgt, %add3A_2481, %sign3A_2484 : i32
      %sign3A_2486 = arith.extui %sign3A_2485 : i1 to i32
      %sign3A_2487 = arith.constant 0 : i32
      %sign3A_2488 = arith.cmpi slt, %add3A_2481, %sign3A_2487 : i32
      %sign3A_2489 = arith.extui %sign3A_2488 : i1 to i32
      %sign3A_2490 = arith.subi %sign3A_2486, %sign3A_2489 : i32
      %sign3A_2491 = arith.constant 0 : i32
      %sign3A_2492 = arith.cmpi sgt, %jit3A_2482, %sign3A_2491 : i32
      %sign3A_2493 = arith.extui %sign3A_2492 : i1 to i32
      %sign3A_2494 = arith.constant 0 : i32
      %sign3A_2495 = arith.cmpi slt, %jit3A_2482, %sign3A_2494 : i32
      %sign3A_2496 = arith.extui %sign3A_2495 : i1 to i32
      %sign3A_2497 = arith.subi %sign3A_2493, %sign3A_2496 : i32
      %ne3A_2498 = arith.cmpi ne, %sign3A_2490, %sign3A_2497 : i32
      %rem3A_2499 = arith.remsi %add3A_2481, %jit3A_2482 : i32
      %ne3A_2500 = arith.constant 0 : i32
      %ne3A_2501 = arith.cmpi ne, %rem3A_2499, %ne3A_2500 : i32
      %and3A_2502 = arith.andi %ne3A_2498, %ne3A_2501 : i1
      %sub3A_2503 = arith.constant 1 : i32
      %sub3A_2504 = arith.subi %div3A_2483, %sub3A_2503 : i32
      %select_n3A_2505 = arith.select %and3A_2502, %sub3A_2504, %div3A_2483 : i32
      %jit3A_2506 = arith.constant 10 : i32
      %eq3A_2507 = arith.constant 0 : i32
      %eq3A_2508 = arith.cmpi eq, %jit3A_2506, %eq3A_2507 : i32
      %jit3A_2509 = arith.constant 1 : i32
      %select_n3A_2510 = arith.select %eq3A_2508, %jit3A_2509, %jit3A_2506 : i32
      %rem3A_2511 = arith.remsi %add3A_2481, %select_n3A_2510 : i32
      %ne3A_2512 = arith.constant 0 : i32
      %ne3A_2513 = arith.cmpi ne, %rem3A_2511, %ne3A_2512 : i32
      %lt3A_2514 = arith.constant 0 : i32
      %lt3A_2515 = arith.cmpi slt, %rem3A_2511, %lt3A_2514 : i32
      %lt3A_2516 = arith.constant 0 : i32
      %lt3A_2517 = arith.cmpi slt, %select_n3A_2510, %lt3A_2516 : i32
      %ne3A_2518 = arith.xori %lt3A_2515, %lt3A_2517 : i1
      %and3A_2519 = arith.andi %ne3A_2518, %ne3A_2513 : i1
      %add3A_2520 = arith.addi %rem3A_2511, %select_n3A_2510 : i32
      %select_n3A_2521 = arith.select %and3A_2519, %add3A_2520, %rem3A_2511 : i32
      %dma_wait3A_2522 = arith.constant 1 : i32
      %dma_wait3A_2523 = arith.constant 0 : i32
      %dma_wait3A_2524 = arith.constant 0 : i32
      %dma_wait3A_2525 = tpu.memref_slice %arg6[%dma_wait3A_2522, %dma_wait3A_2523, %dma_wait3A_2524] : memref<5x100x64xf32, #tpu.memory_space<vmem>> -> memref<1x100x64xf32, #tpu.memory_space<vmem>>
      %dma_wait3A_2526 = tpu.memref_squeeze %dma_wait3A_2525 : memref<1x100x64xf32, #tpu.memory_space<vmem>> -> memref<100x64xf32, #tpu.memory_space<vmem>>
      %dma_wait3A_2527 = arith.constant 50 : i32
      %dma_wait3A_2528 = arith.constant 0 : i32
      %dma_wait3A_2529 = tpu.memref_slice %dma_wait3A_2526[%dma_wait3A_2527, %dma_wait3A_2528] : memref<100x64xf32, #tpu.memory_space<vmem>> -> memref<50x64xf32, #tpu.memory_space<vmem>>
      %dma_wait3A_2530 = arith.constant 0 : i32
      %dma_wait3A_2531 = arith.constant 0 : i32
      %dma_wait3A_2532 = tpu.memref_slice %arg4[%select_n3A_2505, %select_n3A_2521, %dma_wait3A_2530, %dma_wait3A_2531] : memref<1024x10x50x64xf32, #tpu.memory_space<hbm>> -> memref<1x1x50x64xf32, #tpu.memory_space<hbm>>
      %dma_wait3A_2533 = tpu.memref_squeeze %dma_wait3A_2532 : memref<1x1x50x64xf32, #tpu.memory_space<hbm>> -> memref<50x64xf32, #tpu.memory_space<hbm>>
      %dma_wait3A_2534 = arith.constant 0 : i32
      %dma_wait3A_2535 = arith.constant 0 : i32
      %dma_wait3A_2536 = tpu.memref_slice %arg4[%select_n3A_2505, %select_n3A_2521, %dma_wait3A_2534, %dma_wait3A_2535] : memref<1024x10x50x64xf32, #tpu.memory_space<hbm>> -> memref<1x1x50x64xf32, #tpu.memory_space<hbm>>
      %dma_wait3A_2537 = tpu.memref_squeeze %dma_wait3A_2536 : memref<1x1x50x64xf32, #tpu.memory_space<hbm>> -> memref<50x64xf32, #tpu.memory_space<hbm>>
      %dma_wait3A_2538 = arith.constant 0 : i32
      %dma_wait3A_2539 = arith.constant 0 : i32
      %dma_wait3A_2540 = tpu.memref_slice %arg6[%dma_wait3A_2522, %dma_wait3A_2538, %dma_wait3A_2539] : memref<5x100x64xf32, #tpu.memory_space<vmem>> -> memref<1x100x64xf32, #tpu.memory_space<vmem>>
      %dma_wait3A_2541 = tpu.memref_squeeze %dma_wait3A_2540 : memref<1x100x64xf32, #tpu.memory_space<vmem>> -> memref<100x64xf32, #tpu.memory_space<vmem>>
      %dma_wait3A_2542 = arith.constant 50 : i32
      %dma_wait3A_2543 = arith.constant 0 : i32
      %dma_wait3A_2544 = tpu.memref_slice %dma_wait3A_2541[%dma_wait3A_2542, %dma_wait3A_2543] : memref<100x64xf32, #tpu.memory_space<vmem>> -> memref<50x64xf32, #tpu.memory_space<vmem>>
      tpu.wait_dma2 semaphore(%arg13 : memref<!tpu.dma_semaphore, #tpu.memory_space<semaphore_mem>>) src(%dma_wait3A_2544 : memref<50x64xf32, #tpu.memory_space<vmem>>) dst(%dma_wait3A_2537 : memref<50x64xf32, #tpu.memory_space<hbm>>)
      %add3A_2545 = arith.constant 5 : i32
      %add3A_2546 = arith.addi %add3A_2408, %add3A_2545 : i32
      %dma_start3A_2547 = arith.constant 1 : i32
      %dma_start3A_2548 = arith.constant 0 : i32
      %dma_start3A_2549 = arith.constant 0 : i32
      %dma_start3A_2550 = tpu.memref_slice %arg6[%dma_start3A_2547, %dma_start3A_2548, %dma_start3A_2549] : memref<5x100x64xf32, #tpu.memory_space<vmem>> -> memref<1x100x64xf32, #tpu.memory_space<vmem>>
      %dma_start3A_2551 = tpu.memref_squeeze %dma_start3A_2550 : memref<1x100x64xf32, #tpu.memory_space<vmem>> -> memref<100x64xf32, #tpu.memory_space<vmem>>
      %dma_start3A_2552 = arith.constant 0 : i32
      %dma_start3A_2553 = tpu.memref_slice %arg5[%add3A_2546, %dma_start3A_2552] : memref<160x100xi32, #tpu.memory_space<vmem>> -> memref<1x100xi32, #tpu.memory_space<vmem>>
      %dma_start3A_2554 = tpu.memref_squeeze %dma_start3A_2553 : memref<1x100xi32, #tpu.memory_space<vmem>> -> memref<100xi32, #tpu.memory_space<vmem>>
      %dma_start3A_2555 = arith.constant 0 : i32
      %dma_start3A_2556 = arith.constant 0 : i32
      %dma_start3A_2557 = tpu.memref_slice %arg3[%dma_start3A_2555, %dma_start3A_2556] : memref<1000000x64xf32, #tpu.memory_space<hbm>> -> memref<1000000x64xf32, #tpu.memory_space<hbm>>
      tpu.enqueue_indirect_dma source(%dma_start3A_2557 : memref<1000000x64xf32, #tpu.memory_space<hbm>>) target(%dma_start3A_2551 : memref<100x64xf32, #tpu.memory_space<vmem>>) offsets(%dma_start3A_2554 : memref<100xi32, #tpu.memory_space<vmem>>) semaphore(%arg8 : memref<!tpu.dma_semaphore, #tpu.memory_space<semaphore_mem>>)
      %mul3A_2558 = arith.constant 5 : i32
      %mul3A_2559 = arith.muli %scan3A_1496, %mul3A_2558 : i32
      %add3A_2560 = arith.constant 2 : i32
      %add3A_2561 = arith.addi %mul3A_2559, %add3A_2560 : i32
      %add3A_2562 = arith.addi %mul3A_2, %add3A_2561 : i32
      %mul3A_2563 = arith.constant 2 : i32
      %mul3A_2564 = arith.muli %mul3A_2563, %add3A_2562 : i32
      %add3A_2565 = arith.constant 0 : i32
      %add3A_2566 = arith.addi %mul3A_2564, %add3A_2565 : i32
      %jit3A_2567 = arith.constant 10 : i32
      %div3A_2568 = arith.divsi %add3A_2566, %jit3A_2567 : i32
      %sign3A_2569 = arith.constant 0 : i32
      %sign3A_2570 = arith.cmpi sgt, %add3A_2566, %sign3A_2569 : i32
      %sign3A_2571 = arith.extui %sign3A_2570 : i1 to i32
      %sign3A_2572 = arith.constant 0 : i32
      %sign3A_2573 = arith.cmpi slt, %add3A_2566, %sign3A_2572 : i32
      %sign3A_2574 = arith.extui %sign3A_2573 : i1 to i32
      %sign3A_2575 = arith.subi %sign3A_2571, %sign3A_2574 : i32
      %sign3A_2576 = arith.constant 0 : i32
      %sign3A_2577 = arith.cmpi sgt, %jit3A_2567, %sign3A_2576 : i32
      %sign3A_2578 = arith.extui %sign3A_2577 : i1 to i32
      %sign3A_2579 = arith.constant 0 : i32
      %sign3A_2580 = arith.cmpi slt, %jit3A_2567, %sign3A_2579 : i32
      %sign3A_2581 = arith.extui %sign3A_2580 : i1 to i32
      %sign3A_2582 = arith.subi %sign3A_2578, %sign3A_2581 : i32
      %ne3A_2583 = arith.cmpi ne, %sign3A_2575, %sign3A_2582 : i32
      %rem3A_2584 = arith.remsi %add3A_2566, %jit3A_2567 : i32
      %ne3A_2585 = arith.constant 0 : i32
      %ne3A_2586 = arith.cmpi ne, %rem3A_2584, %ne3A_2585 : i32
      %and3A_2587 = arith.andi %ne3A_2583, %ne3A_2586 : i1
      %sub3A_2588 = arith.constant 1 : i32
      %sub3A_2589 = arith.subi %div3A_2568, %sub3A_2588 : i32
      %select_n3A_2590 = arith.select %and3A_2587, %sub3A_2589, %div3A_2568 : i32
      %jit3A_2591 = arith.constant 10 : i32
      %eq3A_2592 = arith.constant 0 : i32
      %eq3A_2593 = arith.cmpi eq, %jit3A_2591, %eq3A_2592 : i32
      %jit3A_2594 = arith.constant 1 : i32
      %select_n3A_2595 = arith.select %eq3A_2593, %jit3A_2594, %jit3A_2591 : i32
      %rem3A_2596 = arith.remsi %add3A_2566, %select_n3A_2595 : i32
      %ne3A_2597 = arith.constant 0 : i32
      %ne3A_2598 = arith.cmpi ne, %rem3A_2596, %ne3A_2597 : i32
      %lt3A_2599 = arith.constant 0 : i32
      %lt3A_2600 = arith.cmpi slt, %rem3A_2596, %lt3A_2599 : i32
      %lt3A_2601 = arith.constant 0 : i32
      %lt3A_2602 = arith.cmpi slt, %select_n3A_2595, %lt3A_2601 : i32
      %ne3A_2603 = arith.xori %lt3A_2600, %lt3A_2602 : i1
      %and3A_2604 = arith.andi %ne3A_2603, %ne3A_2598 : i1
      %add3A_2605 = arith.addi %rem3A_2596, %select_n3A_2595 : i32
      %select_n3A_2606 = arith.select %and3A_2604, %add3A_2605, %rem3A_2596 : i32
      %dma_wait3A_2607 = arith.constant 2 : i32
      %dma_wait3A_2608 = arith.constant 0 : i32
      %dma_wait3A_2609 = arith.constant 0 : i32
      %dma_wait3A_2610 = tpu.memref_slice %arg6[%dma_wait3A_2607, %dma_wait3A_2608, %dma_wait3A_2609] : memref<5x100x64xf32, #tpu.memory_space<vmem>> -> memref<1x100x64xf32, #tpu.memory_space<vmem>>
      %dma_wait3A_2611 = tpu.memref_squeeze %dma_wait3A_2610 : memref<1x100x64xf32, #tpu.memory_space<vmem>> -> memref<100x64xf32, #tpu.memory_space<vmem>>
      %dma_wait3A_2612 = arith.constant 0 : i32
      %dma_wait3A_2613 = arith.constant 0 : i32
      %dma_wait3A_2614 = tpu.memref_slice %dma_wait3A_2611[%dma_wait3A_2612, %dma_wait3A_2613] : memref<100x64xf32, #tpu.memory_space<vmem>> -> memref<50x64xf32, #tpu.memory_space<vmem>>
      %dma_wait3A_2615 = arith.constant 0 : i32
      %dma_wait3A_2616 = arith.constant 0 : i32
      %dma_wait3A_2617 = tpu.memref_slice %arg4[%select_n3A_2590, %select_n3A_2606, %dma_wait3A_2615, %dma_wait3A_2616] : memref<1024x10x50x64xf32, #tpu.memory_space<hbm>> -> memref<1x1x50x64xf32, #tpu.memory_space<hbm>>
      %dma_wait3A_2618 = tpu.memref_squeeze %dma_wait3A_2617 : memref<1x1x50x64xf32, #tpu.memory_space<hbm>> -> memref<50x64xf32, #tpu.memory_space<hbm>>
      %dma_wait3A_2619 = arith.constant 0 : i32
      %dma_wait3A_2620 = arith.constant 0 : i32
      %dma_wait3A_2621 = tpu.memref_slice %arg4[%select_n3A_2590, %select_n3A_2606, %dma_wait3A_2619, %dma_wait3A_2620] : memref<1024x10x50x64xf32, #tpu.memory_space<hbm>> -> memref<1x1x50x64xf32, #tpu.memory_space<hbm>>
      %dma_wait3A_2622 = tpu.memref_squeeze %dma_wait3A_2621 : memref<1x1x50x64xf32, #tpu.memory_space<hbm>> -> memref<50x64xf32, #tpu.memory_space<hbm>>
      %dma_wait3A_2623 = arith.constant 0 : i32
      %dma_wait3A_2624 = arith.constant 0 : i32
      %dma_wait3A_2625 = tpu.memref_slice %arg6[%dma_wait3A_2607, %dma_wait3A_2623, %dma_wait3A_2624] : memref<5x100x64xf32, #tpu.memory_space<vmem>> -> memref<1x100x64xf32, #tpu.memory_space<vmem>>
      %dma_wait3A_2626 = tpu.memref_squeeze %dma_wait3A_2625 : memref<1x100x64xf32, #tpu.memory_space<vmem>> -> memref<100x64xf32, #tpu.memory_space<vmem>>
      %dma_wait3A_2627 = arith.constant 0 : i32
      %dma_wait3A_2628 = arith.constant 0 : i32
      %dma_wait3A_2629 = tpu.memref_slice %dma_wait3A_2626[%dma_wait3A_2627, %dma_wait3A_2628] : memref<100x64xf32, #tpu.memory_space<vmem>> -> memref<50x64xf32, #tpu.memory_space<vmem>>
      tpu.wait_dma2 semaphore(%arg14 : memref<!tpu.dma_semaphore, #tpu.memory_space<semaphore_mem>>) src(%dma_wait3A_2629 : memref<50x64xf32, #tpu.memory_space<vmem>>) dst(%dma_wait3A_2622 : memref<50x64xf32, #tpu.memory_space<hbm>>)
      %add3A_2630 = arith.addi %mul3A_2, %add3A_2561 : i32
      %mul3A_2631 = arith.constant 2 : i32
      %mul3A_2632 = arith.muli %mul3A_2631, %add3A_2630 : i32
      %add3A_2633 = arith.constant 1 : i32
      %add3A_2634 = arith.addi %mul3A_2632, %add3A_2633 : i32
      %jit3A_2635 = arith.constant 10 : i32
      %div3A_2636 = arith.divsi %add3A_2634, %jit3A_2635 : i32
      %sign3A_2637 = arith.constant 0 : i32
      %sign3A_2638 = arith.cmpi sgt, %add3A_2634, %sign3A_2637 : i32
      %sign3A_2639 = arith.extui %sign3A_2638 : i1 to i32
      %sign3A_2640 = arith.constant 0 : i32
      %sign3A_2641 = arith.cmpi slt, %add3A_2634, %sign3A_2640 : i32
      %sign3A_2642 = arith.extui %sign3A_2641 : i1 to i32
      %sign3A_2643 = arith.subi %sign3A_2639, %sign3A_2642 : i32
      %sign3A_2644 = arith.constant 0 : i32
      %sign3A_2645 = arith.cmpi sgt, %jit3A_2635, %sign3A_2644 : i32
      %sign3A_2646 = arith.extui %sign3A_2645 : i1 to i32
      %sign3A_2647 = arith.constant 0 : i32
      %sign3A_2648 = arith.cmpi slt, %jit3A_2635, %sign3A_2647 : i32
      %sign3A_2649 = arith.extui %sign3A_2648 : i1 to i32
      %sign3A_2650 = arith.subi %sign3A_2646, %sign3A_2649 : i32
      %ne3A_2651 = arith.cmpi ne, %sign3A_2643, %sign3A_2650 : i32
      %rem3A_2652 = arith.remsi %add3A_2634, %jit3A_2635 : i32
      %ne3A_2653 = arith.constant 0 : i32
      %ne3A_2654 = arith.cmpi ne, %rem3A_2652, %ne3A_2653 : i32
      %and3A_2655 = arith.andi %ne3A_2651, %ne3A_2654 : i1
      %sub3A_2656 = arith.constant 1 : i32
      %sub3A_2657 = arith.subi %div3A_2636, %sub3A_2656 : i32
      %select_n3A_2658 = arith.select %and3A_2655, %sub3A_2657, %div3A_2636 : i32
      %jit3A_2659 = arith.constant 10 : i32
      %eq3A_2660 = arith.constant 0 : i32
      %eq3A_2661 = arith.cmpi eq, %jit3A_2659, %eq3A_2660 : i32
      %jit3A_2662 = arith.constant 1 : i32
      %select_n3A_2663 = arith.select %eq3A_2661, %jit3A_2662, %jit3A_2659 : i32
      %rem3A_2664 = arith.remsi %add3A_2634, %select_n3A_2663 : i32
      %ne3A_2665 = arith.constant 0 : i32
      %ne3A_2666 = arith.cmpi ne, %rem3A_2664, %ne3A_2665 : i32
      %lt3A_2667 = arith.constant 0 : i32
      %lt3A_2668 = arith.cmpi slt, %rem3A_2664, %lt3A_2667 : i32
      %lt3A_2669 = arith.constant 0 : i32
      %lt3A_2670 = arith.cmpi slt, %select_n3A_2663, %lt3A_2669 : i32
      %ne3A_2671 = arith.xori %lt3A_2668, %lt3A_2670 : i1
      %and3A_2672 = arith.andi %ne3A_2671, %ne3A_2666 : i1
      %add3A_2673 = arith.addi %rem3A_2664, %select_n3A_2663 : i32
      %select_n3A_2674 = arith.select %and3A_2672, %add3A_2673, %rem3A_2664 : i32
      %dma_wait3A_2675 = arith.constant 2 : i32
      %dma_wait3A_2676 = arith.constant 0 : i32
      %dma_wait3A_2677 = arith.constant 0 : i32
      %dma_wait3A_2678 = tpu.memref_slice %arg6[%dma_wait3A_2675, %dma_wait3A_2676, %dma_wait3A_2677] : memref<5x100x64xf32, #tpu.memory_space<vmem>> -> memref<1x100x64xf32, #tpu.memory_space<vmem>>
      %dma_wait3A_2679 = tpu.memref_squeeze %dma_wait3A_2678 : memref<1x100x64xf32, #tpu.memory_space<vmem>> -> memref<100x64xf32, #tpu.memory_space<vmem>>
      %dma_wait3A_2680 = arith.constant 50 : i32
      %dma_wait3A_2681 = arith.constant 0 : i32
      %dma_wait3A_2682 = tpu.memref_slice %dma_wait3A_2679[%dma_wait3A_2680, %dma_wait3A_2681] : memref<100x64xf32, #tpu.memory_space<vmem>> -> memref<50x64xf32, #tpu.memory_space<vmem>>
      %dma_wait3A_2683 = arith.constant 0 : i32
      %dma_wait3A_2684 = arith.constant 0 : i32
      %dma_wait3A_2685 = tpu.memref_slice %arg4[%select_n3A_2658, %select_n3A_2674, %dma_wait3A_2683, %dma_wait3A_2684] : memref<1024x10x50x64xf32, #tpu.memory_space<hbm>> -> memref<1x1x50x64xf32, #tpu.memory_space<hbm>>
      %dma_wait3A_2686 = tpu.memref_squeeze %dma_wait3A_2685 : memref<1x1x50x64xf32, #tpu.memory_space<hbm>> -> memref<50x64xf32, #tpu.memory_space<hbm>>
      %dma_wait3A_2687 = arith.constant 0 : i32
      %dma_wait3A_2688 = arith.constant 0 : i32
      %dma_wait3A_2689 = tpu.memref_slice %arg4[%select_n3A_2658, %select_n3A_2674, %dma_wait3A_2687, %dma_wait3A_2688] : memref<1024x10x50x64xf32, #tpu.memory_space<hbm>> -> memref<1x1x50x64xf32, #tpu.memory_space<hbm>>
      %dma_wait3A_2690 = tpu.memref_squeeze %dma_wait3A_2689 : memref<1x1x50x64xf32, #tpu.memory_space<hbm>> -> memref<50x64xf32, #tpu.memory_space<hbm>>
      %dma_wait3A_2691 = arith.constant 0 : i32
      %dma_wait3A_2692 = arith.constant 0 : i32
      %dma_wait3A_2693 = tpu.memref_slice %arg6[%dma_wait3A_2675, %dma_wait3A_2691, %dma_wait3A_2692] : memref<5x100x64xf32, #tpu.memory_space<vmem>> -> memref<1x100x64xf32, #tpu.memory_space<vmem>>
      %dma_wait3A_2694 = tpu.memref_squeeze %dma_wait3A_2693 : memref<1x100x64xf32, #tpu.memory_space<vmem>> -> memref<100x64xf32, #tpu.memory_space<vmem>>
      %dma_wait3A_2695 = arith.constant 50 : i32
      %dma_wait3A_2696 = arith.constant 0 : i32
      %dma_wait3A_2697 = tpu.memref_slice %dma_wait3A_2694[%dma_wait3A_2695, %dma_wait3A_2696] : memref<100x64xf32, #tpu.memory_space<vmem>> -> memref<50x64xf32, #tpu.memory_space<vmem>>
      tpu.wait_dma2 semaphore(%arg14 : memref<!tpu.dma_semaphore, #tpu.memory_space<semaphore_mem>>) src(%dma_wait3A_2697 : memref<50x64xf32, #tpu.memory_space<vmem>>) dst(%dma_wait3A_2690 : memref<50x64xf32, #tpu.memory_space<hbm>>)
      %add3A_2698 = arith.constant 5 : i32
      %add3A_2699 = arith.addi %add3A_2561, %add3A_2698 : i32
      %dma_start3A_2700 = arith.constant 2 : i32
      %dma_start3A_2701 = arith.constant 0 : i32
      %dma_start3A_2702 = arith.constant 0 : i32
      %dma_start3A_2703 = tpu.memref_slice %arg6[%dma_start3A_2700, %dma_start3A_2701, %dma_start3A_2702] : memref<5x100x64xf32, #tpu.memory_space<vmem>> -> memref<1x100x64xf32, #tpu.memory_space<vmem>>
      %dma_start3A_2704 = tpu.memref_squeeze %dma_start3A_2703 : memref<1x100x64xf32, #tpu.memory_space<vmem>> -> memref<100x64xf32, #tpu.memory_space<vmem>>
      %dma_start3A_2705 = arith.constant 0 : i32
      %dma_start3A_2706 = tpu.memref_slice %arg5[%add3A_2699, %dma_start3A_2705] : memref<160x100xi32, #tpu.memory_space<vmem>> -> memref<1x100xi32, #tpu.memory_space<vmem>>
      %dma_start3A_2707 = tpu.memref_squeeze %dma_start3A_2706 : memref<1x100xi32, #tpu.memory_space<vmem>> -> memref<100xi32, #tpu.memory_space<vmem>>
      %dma_start3A_2708 = arith.constant 0 : i32
      %dma_start3A_2709 = arith.constant 0 : i32
      %dma_start3A_2710 = tpu.memref_slice %arg3[%dma_start3A_2708, %dma_start3A_2709] : memref<1000000x64xf32, #tpu.memory_space<hbm>> -> memref<1000000x64xf32, #tpu.memory_space<hbm>>
      tpu.enqueue_indirect_dma source(%dma_start3A_2710 : memref<1000000x64xf32, #tpu.memory_space<hbm>>) target(%dma_start3A_2704 : memref<100x64xf32, #tpu.memory_space<vmem>>) offsets(%dma_start3A_2707 : memref<100xi32, #tpu.memory_space<vmem>>) semaphore(%arg9 : memref<!tpu.dma_semaphore, #tpu.memory_space<semaphore_mem>>)
      %mul3A_2711 = arith.constant 5 : i32
      %mul3A_2712 = arith.muli %scan3A_1496, %mul3A_2711 : i32
      %add3A_2713 = arith.constant 3 : i32
      %add3A_2714 = arith.addi %mul3A_2712, %add3A_2713 : i32
      %add3A_2715 = arith.addi %mul3A_2, %add3A_2714 : i32
      %mul3A_2716 = arith.constant 2 : i32
      %mul3A_2717 = arith.muli %mul3A_2716, %add3A_2715 : i32
      %add3A_2718 = arith.constant 0 : i32
      %add3A_2719 = arith.addi %mul3A_2717, %add3A_2718 : i32
      %jit3A_2720 = arith.constant 10 : i32
      %div3A_2721 = arith.divsi %add3A_2719, %jit3A_2720 : i32
      %sign3A_2722 = arith.constant 0 : i32
      %sign3A_2723 = arith.cmpi sgt, %add3A_2719, %sign3A_2722 : i32
      %sign3A_2724 = arith.extui %sign3A_2723 : i1 to i32
      %sign3A_2725 = arith.constant 0 : i32
      %sign3A_2726 = arith.cmpi slt, %add3A_2719, %sign3A_2725 : i32
      %sign3A_2727 = arith.extui %sign3A_2726 : i1 to i32
      %sign3A_2728 = arith.subi %sign3A_2724, %sign3A_2727 : i32
      %sign3A_2729 = arith.constant 0 : i32
      %sign3A_2730 = arith.cmpi sgt, %jit3A_2720, %sign3A_2729 : i32
      %sign3A_2731 = arith.extui %sign3A_2730 : i1 to i32
      %sign3A_2732 = arith.constant 0 : i32
      %sign3A_2733 = arith.cmpi slt, %jit3A_2720, %sign3A_2732 : i32
      %sign3A_2734 = arith.extui %sign3A_2733 : i1 to i32
      %sign3A_2735 = arith.subi %sign3A_2731, %sign3A_2734 : i32
      %ne3A_2736 = arith.cmpi ne, %sign3A_2728, %sign3A_2735 : i32
      %rem3A_2737 = arith.remsi %add3A_2719, %jit3A_2720 : i32
      %ne3A_2738 = arith.constant 0 : i32
      %ne3A_2739 = arith.cmpi ne, %rem3A_2737, %ne3A_2738 : i32
      %and3A_2740 = arith.andi %ne3A_2736, %ne3A_2739 : i1
      %sub3A_2741 = arith.constant 1 : i32
      %sub3A_2742 = arith.subi %div3A_2721, %sub3A_2741 : i32
      %select_n3A_2743 = arith.select %and3A_2740, %sub3A_2742, %div3A_2721 : i32
      %jit3A_2744 = arith.constant 10 : i32
      %eq3A_2745 = arith.constant 0 : i32
      %eq3A_2746 = arith.cmpi eq, %jit3A_2744, %eq3A_2745 : i32
      %jit3A_2747 = arith.constant 1 : i32
      %select_n3A_2748 = arith.select %eq3A_2746, %jit3A_2747, %jit3A_2744 : i32
      %rem3A_2749 = arith.remsi %add3A_2719, %select_n3A_2748 : i32
      %ne3A_2750 = arith.constant 0 : i32
      %ne3A_2751 = arith.cmpi ne, %rem3A_2749, %ne3A_2750 : i32
      %lt3A_2752 = arith.constant 0 : i32
      %lt3A_2753 = arith.cmpi slt, %rem3A_2749, %lt3A_2752 : i32
      %lt3A_2754 = arith.constant 0 : i32
      %lt3A_2755 = arith.cmpi slt, %select_n3A_2748, %lt3A_2754 : i32
      %ne3A_2756 = arith.xori %lt3A_2753, %lt3A_2755 : i1
      %and3A_2757 = arith.andi %ne3A_2756, %ne3A_2751 : i1
      %add3A_2758 = arith.addi %rem3A_2749, %select_n3A_2748 : i32
      %select_n3A_2759 = arith.select %and3A_2757, %add3A_2758, %rem3A_2749 : i32
      %dma_wait3A_2760 = arith.constant 3 : i32
      %dma_wait3A_2761 = arith.constant 0 : i32
      %dma_wait3A_2762 = arith.constant 0 : i32
      %dma_wait3A_2763 = tpu.memref_slice %arg6[%dma_wait3A_2760, %dma_wait3A_2761, %dma_wait3A_2762] : memref<5x100x64xf32, #tpu.memory_space<vmem>> -> memref<1x100x64xf32, #tpu.memory_space<vmem>>
      %dma_wait3A_2764 = tpu.memref_squeeze %dma_wait3A_2763 : memref<1x100x64xf32, #tpu.memory_space<vmem>> -> memref<100x64xf32, #tpu.memory_space<vmem>>
      %dma_wait3A_2765 = arith.constant 0 : i32
      %dma_wait3A_2766 = arith.constant 0 : i32
      %dma_wait3A_2767 = tpu.memref_slice %dma_wait3A_2764[%dma_wait3A_2765, %dma_wait3A_2766] : memref<100x64xf32, #tpu.memory_space<vmem>> -> memref<50x64xf32, #tpu.memory_space<vmem>>
      %dma_wait3A_2768 = arith.constant 0 : i32
      %dma_wait3A_2769 = arith.constant 0 : i32
      %dma_wait3A_2770 = tpu.memref_slice %arg4[%select_n3A_2743, %select_n3A_2759, %dma_wait3A_2768, %dma_wait3A_2769] : memref<1024x10x50x64xf32, #tpu.memory_space<hbm>> -> memref<1x1x50x64xf32, #tpu.memory_space<hbm>>
      %dma_wait3A_2771 = tpu.memref_squeeze %dma_wait3A_2770 : memref<1x1x50x64xf32, #tpu.memory_space<hbm>> -> memref<50x64xf32, #tpu.memory_space<hbm>>
      %dma_wait3A_2772 = arith.constant 0 : i32
      %dma_wait3A_2773 = arith.constant 0 : i32
      %dma_wait3A_2774 = tpu.memref_slice %arg4[%select_n3A_2743, %select_n3A_2759, %dma_wait3A_2772, %dma_wait3A_2773] : memref<1024x10x50x64xf32, #tpu.memory_space<hbm>> -> memref<1x1x50x64xf32, #tpu.memory_space<hbm>>
      %dma_wait3A_2775 = tpu.memref_squeeze %dma_wait3A_2774 : memref<1x1x50x64xf32, #tpu.memory_space<hbm>> -> memref<50x64xf32, #tpu.memory_space<hbm>>
      %dma_wait3A_2776 = arith.constant 0 : i32
      %dma_wait3A_2777 = arith.constant 0 : i32
      %dma_wait3A_2778 = tpu.memref_slice %arg6[%dma_wait3A_2760, %dma_wait3A_2776, %dma_wait3A_2777] : memref<5x100x64xf32, #tpu.memory_space<vmem>> -> memref<1x100x64xf32, #tpu.memory_space<vmem>>
      %dma_wait3A_2779 = tpu.memref_squeeze %dma_wait3A_2778 : memref<1x100x64xf32, #tpu.memory_space<vmem>> -> memref<100x64xf32, #tpu.memory_space<vmem>>
      %dma_wait3A_2780 = arith.constant 0 : i32
      %dma_wait3A_2781 = arith.constant 0 : i32
      %dma_wait3A_2782 = tpu.memref_slice %dma_wait3A_2779[%dma_wait3A_2780, %dma_wait3A_2781] : memref<100x64xf32, #tpu.memory_space<vmem>> -> memref<50x64xf32, #tpu.memory_space<vmem>>
      tpu.wait_dma2 semaphore(%arg15 : memref<!tpu.dma_semaphore, #tpu.memory_space<semaphore_mem>>) src(%dma_wait3A_2782 : memref<50x64xf32, #tpu.memory_space<vmem>>) dst(%dma_wait3A_2775 : memref<50x64xf32, #tpu.memory_space<hbm>>)
      %add3A_2783 = arith.addi %mul3A_2, %add3A_2714 : i32
      %mul3A_2784 = arith.constant 2 : i32
      %mul3A_2785 = arith.muli %mul3A_2784, %add3A_2783 : i32
      %add3A_2786 = arith.constant 1 : i32
      %add3A_2787 = arith.addi %mul3A_2785, %add3A_2786 : i32
      %jit3A_2788 = arith.constant 10 : i32
      %div3A_2789 = arith.divsi %add3A_2787, %jit3A_2788 : i32
      %sign3A_2790 = arith.constant 0 : i32
      %sign3A_2791 = arith.cmpi sgt, %add3A_2787, %sign3A_2790 : i32
      %sign3A_2792 = arith.extui %sign3A_2791 : i1 to i32
      %sign3A_2793 = arith.constant 0 : i32
      %sign3A_2794 = arith.cmpi slt, %add3A_2787, %sign3A_2793 : i32
      %sign3A_2795 = arith.extui %sign3A_2794 : i1 to i32
      %sign3A_2796 = arith.subi %sign3A_2792, %sign3A_2795 : i32
      %sign3A_2797 = arith.constant 0 : i32
      %sign3A_2798 = arith.cmpi sgt, %jit3A_2788, %sign3A_2797 : i32
      %sign3A_2799 = arith.extui %sign3A_2798 : i1 to i32
      %sign3A_2800 = arith.constant 0 : i32
      %sign3A_2801 = arith.cmpi slt, %jit3A_2788, %sign3A_2800 : i32
      %sign3A_2802 = arith.extui %sign3A_2801 : i1 to i32
      %sign3A_2803 = arith.subi %sign3A_2799, %sign3A_2802 : i32
      %ne3A_2804 = arith.cmpi ne, %sign3A_2796, %sign3A_2803 : i32
      %rem3A_2805 = arith.remsi %add3A_2787, %jit3A_2788 : i32
      %ne3A_2806 = arith.constant 0 : i32
      %ne3A_2807 = arith.cmpi ne, %rem3A_2805, %ne3A_2806 : i32
      %and3A_2808 = arith.andi %ne3A_2804, %ne3A_2807 : i1
      %sub3A_2809 = arith.constant 1 : i32
      %sub3A_2810 = arith.subi %div3A_2789, %sub3A_2809 : i32
      %select_n3A_2811 = arith.select %and3A_2808, %sub3A_2810, %div3A_2789 : i32
      %jit3A_2812 = arith.constant 10 : i32
      %eq3A_2813 = arith.constant 0 : i32
      %eq3A_2814 = arith.cmpi eq, %jit3A_2812, %eq3A_2813 : i32
      %jit3A_2815 = arith.constant 1 : i32
      %select_n3A_2816 = arith.select %eq3A_2814, %jit3A_2815, %jit3A_2812 : i32
      %rem3A_2817 = arith.remsi %add3A_2787, %select_n3A_2816 : i32
      %ne3A_2818 = arith.constant 0 : i32
      %ne3A_2819 = arith.cmpi ne, %rem3A_2817, %ne3A_2818 : i32
      %lt3A_2820 = arith.constant 0 : i32
      %lt3A_2821 = arith.cmpi slt, %rem3A_2817, %lt3A_2820 : i32
      %lt3A_2822 = arith.constant 0 : i32
      %lt3A_2823 = arith.cmpi slt, %select_n3A_2816, %lt3A_2822 : i32
      %ne3A_2824 = arith.xori %lt3A_2821, %lt3A_2823 : i1
      %and3A_2825 = arith.andi %ne3A_2824, %ne3A_2819 : i1
      %add3A_2826 = arith.addi %rem3A_2817, %select_n3A_2816 : i32
      %select_n3A_2827 = arith.select %and3A_2825, %add3A_2826, %rem3A_2817 : i32
      %dma_wait3A_2828 = arith.constant 3 : i32
      %dma_wait3A_2829 = arith.constant 0 : i32
      %dma_wait3A_2830 = arith.constant 0 : i32
      %dma_wait3A_2831 = tpu.memref_slice %arg6[%dma_wait3A_2828, %dma_wait3A_2829, %dma_wait3A_2830] : memref<5x100x64xf32, #tpu.memory_space<vmem>> -> memref<1x100x64xf32, #tpu.memory_space<vmem>>
      %dma_wait3A_2832 = tpu.memref_squeeze %dma_wait3A_2831 : memref<1x100x64xf32, #tpu.memory_space<vmem>> -> memref<100x64xf32, #tpu.memory_space<vmem>>
      %dma_wait3A_2833 = arith.constant 50 : i32
      %dma_wait3A_2834 = arith.constant 0 : i32
      %dma_wait3A_2835 = tpu.memref_slice %dma_wait3A_2832[%dma_wait3A_2833, %dma_wait3A_2834] : memref<100x64xf32, #tpu.memory_space<vmem>> -> memref<50x64xf32, #tpu.memory_space<vmem>>
      %dma_wait3A_2836 = arith.constant 0 : i32
      %dma_wait3A_2837 = arith.constant 0 : i32
      %dma_wait3A_2838 = tpu.memref_slice %arg4[%select_n3A_2811, %select_n3A_2827, %dma_wait3A_2836, %dma_wait3A_2837] : memref<1024x10x50x64xf32, #tpu.memory_space<hbm>> -> memref<1x1x50x64xf32, #tpu.memory_space<hbm>>
      %dma_wait3A_2839 = tpu.memref_squeeze %dma_wait3A_2838 : memref<1x1x50x64xf32, #tpu.memory_space<hbm>> -> memref<50x64xf32, #tpu.memory_space<hbm>>
      %dma_wait3A_2840 = arith.constant 0 : i32
      %dma_wait3A_2841 = arith.constant 0 : i32
      %dma_wait3A_2842 = tpu.memref_slice %arg4[%select_n3A_2811, %select_n3A_2827, %dma_wait3A_2840, %dma_wait3A_2841] : memref<1024x10x50x64xf32, #tpu.memory_space<hbm>> -> memref<1x1x50x64xf32, #tpu.memory_space<hbm>>
      %dma_wait3A_2843 = tpu.memref_squeeze %dma_wait3A_2842 : memref<1x1x50x64xf32, #tpu.memory_space<hbm>> -> memref<50x64xf32, #tpu.memory_space<hbm>>
      %dma_wait3A_2844 = arith.constant 0 : i32
      %dma_wait3A_2845 = arith.constant 0 : i32
      %dma_wait3A_2846 = tpu.memref_slice %arg6[%dma_wait3A_2828, %dma_wait3A_2844, %dma_wait3A_2845] : memref<5x100x64xf32, #tpu.memory_space<vmem>> -> memref<1x100x64xf32, #tpu.memory_space<vmem>>
      %dma_wait3A_2847 = tpu.memref_squeeze %dma_wait3A_2846 : memref<1x100x64xf32, #tpu.memory_space<vmem>> -> memref<100x64xf32, #tpu.memory_space<vmem>>
      %dma_wait3A_2848 = arith.constant 50 : i32
      %dma_wait3A_2849 = arith.constant 0 : i32
      %dma_wait3A_2850 = tpu.memref_slice %dma_wait3A_2847[%dma_wait3A_2848, %dma_wait3A_2849] : memref<100x64xf32, #tpu.memory_space<vmem>> -> memref<50x64xf32, #tpu.memory_space<vmem>>
      tpu.wait_dma2 semaphore(%arg15 : memref<!tpu.dma_semaphore, #tpu.memory_space<semaphore_mem>>) src(%dma_wait3A_2850 : memref<50x64xf32, #tpu.memory_space<vmem>>) dst(%dma_wait3A_2843 : memref<50x64xf32, #tpu.memory_space<hbm>>)
      %add3A_2851 = arith.constant 5 : i32
      %add3A_2852 = arith.addi %add3A_2714, %add3A_2851 : i32
      %dma_start3A_2853 = arith.constant 3 : i32
      %dma_start3A_2854 = arith.constant 0 : i32
      %dma_start3A_2855 = arith.constant 0 : i32
      %dma_start3A_2856 = tpu.memref_slice %arg6[%dma_start3A_2853, %dma_start3A_2854, %dma_start3A_2855] : memref<5x100x64xf32, #tpu.memory_space<vmem>> -> memref<1x100x64xf32, #tpu.memory_space<vmem>>
      %dma_start3A_2857 = tpu.memref_squeeze %dma_start3A_2856 : memref<1x100x64xf32, #tpu.memory_space<vmem>> -> memref<100x64xf32, #tpu.memory_space<vmem>>
      %dma_start3A_2858 = arith.constant 0 : i32
      %dma_start3A_2859 = tpu.memref_slice %arg5[%add3A_2852, %dma_start3A_2858] : memref<160x100xi32, #tpu.memory_space<vmem>> -> memref<1x100xi32, #tpu.memory_space<vmem>>
      %dma_start3A_2860 = tpu.memref_squeeze %dma_start3A_2859 : memref<1x100xi32, #tpu.memory_space<vmem>> -> memref<100xi32, #tpu.memory_space<vmem>>
      %dma_start3A_2861 = arith.constant 0 : i32
      %dma_start3A_2862 = arith.constant 0 : i32
      %dma_start3A_2863 = tpu.memref_slice %arg3[%dma_start3A_2861, %dma_start3A_2862] : memref<1000000x64xf32, #tpu.memory_space<hbm>> -> memref<1000000x64xf32, #tpu.memory_space<hbm>>
      tpu.enqueue_indirect_dma source(%dma_start3A_2863 : memref<1000000x64xf32, #tpu.memory_space<hbm>>) target(%dma_start3A_2857 : memref<100x64xf32, #tpu.memory_space<vmem>>) offsets(%dma_start3A_2860 : memref<100xi32, #tpu.memory_space<vmem>>) semaphore(%arg10 : memref<!tpu.dma_semaphore, #tpu.memory_space<semaphore_mem>>)
      %mul3A_2864 = arith.constant 5 : i32
      %mul3A_2865 = arith.muli %scan3A_1496, %mul3A_2864 : i32
      %add3A_2866 = arith.constant 4 : i32
      %add3A_2867 = arith.addi %mul3A_2865, %add3A_2866 : i32
      %add3A_2868 = arith.addi %mul3A_2, %add3A_2867 : i32
      %mul3A_2869 = arith.constant 2 : i32
      %mul3A_2870 = arith.muli %mul3A_2869, %add3A_2868 : i32
      %add3A_2871 = arith.constant 0 : i32
      %add3A_2872 = arith.addi %mul3A_2870, %add3A_2871 : i32
      %jit3A_2873 = arith.constant 10 : i32
      %div3A_2874 = arith.divsi %add3A_2872, %jit3A_2873 : i32
      %sign3A_2875 = arith.constant 0 : i32
      %sign3A_2876 = arith.cmpi sgt, %add3A_2872, %sign3A_2875 : i32
      %sign3A_2877 = arith.extui %sign3A_2876 : i1 to i32
      %sign3A_2878 = arith.constant 0 : i32
      %sign3A_2879 = arith.cmpi slt, %add3A_2872, %sign3A_2878 : i32
      %sign3A_2880 = arith.extui %sign3A_2879 : i1 to i32
      %sign3A_2881 = arith.subi %sign3A_2877, %sign3A_2880 : i32
      %sign3A_2882 = arith.constant 0 : i32
      %sign3A_2883 = arith.cmpi sgt, %jit3A_2873, %sign3A_2882 : i32
      %sign3A_2884 = arith.extui %sign3A_2883 : i1 to i32
      %sign3A_2885 = arith.constant 0 : i32
      %sign3A_2886 = arith.cmpi slt, %jit3A_2873, %sign3A_2885 : i32
      %sign3A_2887 = arith.extui %sign3A_2886 : i1 to i32
      %sign3A_2888 = arith.subi %sign3A_2884, %sign3A_2887 : i32
      %ne3A_2889 = arith.cmpi ne, %sign3A_2881, %sign3A_2888 : i32
      %rem3A_2890 = arith.remsi %add3A_2872, %jit3A_2873 : i32
      %ne3A_2891 = arith.constant 0 : i32
      %ne3A_2892 = arith.cmpi ne, %rem3A_2890, %ne3A_2891 : i32
      %and3A_2893 = arith.andi %ne3A_2889, %ne3A_2892 : i1
      %sub3A_2894 = arith.constant 1 : i32
      %sub3A_2895 = arith.subi %div3A_2874, %sub3A_2894 : i32
      %select_n3A_2896 = arith.select %and3A_2893, %sub3A_2895, %div3A_2874 : i32
      %jit3A_2897 = arith.constant 10 : i32
      %eq3A_2898 = arith.constant 0 : i32
      %eq3A_2899 = arith.cmpi eq, %jit3A_2897, %eq3A_2898 : i32
      %jit3A_2900 = arith.constant 1 : i32
      %select_n3A_2901 = arith.select %eq3A_2899, %jit3A_2900, %jit3A_2897 : i32
      %rem3A_2902 = arith.remsi %add3A_2872, %select_n3A_2901 : i32
      %ne3A_2903 = arith.constant 0 : i32
      %ne3A_2904 = arith.cmpi ne, %rem3A_2902, %ne3A_2903 : i32
      %lt3A_2905 = arith.constant 0 : i32
      %lt3A_2906 = arith.cmpi slt, %rem3A_2902, %lt3A_2905 : i32
      %lt3A_2907 = arith.constant 0 : i32
      %lt3A_2908 = arith.cmpi slt, %select_n3A_2901, %lt3A_2907 : i32
      %ne3A_2909 = arith.xori %lt3A_2906, %lt3A_2908 : i1
      %and3A_2910 = arith.andi %ne3A_2909, %ne3A_2904 : i1
      %add3A_2911 = arith.addi %rem3A_2902, %select_n3A_2901 : i32
      %select_n3A_2912 = arith.select %and3A_2910, %add3A_2911, %rem3A_2902 : i32
      %dma_wait3A_2913 = arith.constant 4 : i32
      %dma_wait3A_2914 = arith.constant 0 : i32
      %dma_wait3A_2915 = arith.constant 0 : i32
      %dma_wait3A_2916 = tpu.memref_slice %arg6[%dma_wait3A_2913, %dma_wait3A_2914, %dma_wait3A_2915] : memref<5x100x64xf32, #tpu.memory_space<vmem>> -> memref<1x100x64xf32, #tpu.memory_space<vmem>>
      %dma_wait3A_2917 = tpu.memref_squeeze %dma_wait3A_2916 : memref<1x100x64xf32, #tpu.memory_space<vmem>> -> memref<100x64xf32, #tpu.memory_space<vmem>>
      %dma_wait3A_2918 = arith.constant 0 : i32
      %dma_wait3A_2919 = arith.constant 0 : i32
      %dma_wait3A_2920 = tpu.memref_slice %dma_wait3A_2917[%dma_wait3A_2918, %dma_wait3A_2919] : memref<100x64xf32, #tpu.memory_space<vmem>> -> memref<50x64xf32, #tpu.memory_space<vmem>>
      %dma_wait3A_2921 = arith.constant 0 : i32
      %dma_wait3A_2922 = arith.constant 0 : i32
      %dma_wait3A_2923 = tpu.memref_slice %arg4[%select_n3A_2896, %select_n3A_2912, %dma_wait3A_2921, %dma_wait3A_2922] : memref<1024x10x50x64xf32, #tpu.memory_space<hbm>> -> memref<1x1x50x64xf32, #tpu.memory_space<hbm>>
      %dma_wait3A_2924 = tpu.memref_squeeze %dma_wait3A_2923 : memref<1x1x50x64xf32, #tpu.memory_space<hbm>> -> memref<50x64xf32, #tpu.memory_space<hbm>>
      %dma_wait3A_2925 = arith.constant 0 : i32
      %dma_wait3A_2926 = arith.constant 0 : i32
      %dma_wait3A_2927 = tpu.memref_slice %arg4[%select_n3A_2896, %select_n3A_2912, %dma_wait3A_2925, %dma_wait3A_2926] : memref<1024x10x50x64xf32, #tpu.memory_space<hbm>> -> memref<1x1x50x64xf32, #tpu.memory_space<hbm>>
      %dma_wait3A_2928 = tpu.memref_squeeze %dma_wait3A_2927 : memref<1x1x50x64xf32, #tpu.memory_space<hbm>> -> memref<50x64xf32, #tpu.memory_space<hbm>>
      %dma_wait3A_2929 = arith.constant 0 : i32
      %dma_wait3A_2930 = arith.constant 0 : i32
      %dma_wait3A_2931 = tpu.memref_slice %arg6[%dma_wait3A_2913, %dma_wait3A_2929, %dma_wait3A_2930] : memref<5x100x64xf32, #tpu.memory_space<vmem>> -> memref<1x100x64xf32, #tpu.memory_space<vmem>>
      %dma_wait3A_2932 = tpu.memref_squeeze %dma_wait3A_2931 : memref<1x100x64xf32, #tpu.memory_space<vmem>> -> memref<100x64xf32, #tpu.memory_space<vmem>>
      %dma_wait3A_2933 = arith.constant 0 : i32
      %dma_wait3A_2934 = arith.constant 0 : i32
      %dma_wait3A_2935 = tpu.memref_slice %dma_wait3A_2932[%dma_wait3A_2933, %dma_wait3A_2934] : memref<100x64xf32, #tpu.memory_space<vmem>> -> memref<50x64xf32, #tpu.memory_space<vmem>>
      tpu.wait_dma2 semaphore(%arg16 : memref<!tpu.dma_semaphore, #tpu.memory_space<semaphore_mem>>) src(%dma_wait3A_2935 : memref<50x64xf32, #tpu.memory_space<vmem>>) dst(%dma_wait3A_2928 : memref<50x64xf32, #tpu.memory_space<hbm>>)
      %add3A_2936 = arith.addi %mul3A_2, %add3A_2867 : i32
      %mul3A_2937 = arith.constant 2 : i32
      %mul3A_2938 = arith.muli %mul3A_2937, %add3A_2936 : i32
      %add3A_2939 = arith.constant 1 : i32
      %add3A_2940 = arith.addi %mul3A_2938, %add3A_2939 : i32
      %jit3A_2941 = arith.constant 10 : i32
      %div3A_2942 = arith.divsi %add3A_2940, %jit3A_2941 : i32
      %sign3A_2943 = arith.constant 0 : i32
      %sign3A_2944 = arith.cmpi sgt, %add3A_2940, %sign3A_2943 : i32
      %sign3A_2945 = arith.extui %sign3A_2944 : i1 to i32
      %sign3A_2946 = arith.constant 0 : i32
      %sign3A_2947 = arith.cmpi slt, %add3A_2940, %sign3A_2946 : i32
      %sign3A_2948 = arith.extui %sign3A_2947 : i1 to i32
      %sign3A_2949 = arith.subi %sign3A_2945, %sign3A_2948 : i32
      %sign3A_2950 = arith.constant 0 : i32
      %sign3A_2951 = arith.cmpi sgt, %jit3A_2941, %sign3A_2950 : i32
      %sign3A_2952 = arith.extui %sign3A_2951 : i1 to i32
      %sign3A_2953 = arith.constant 0 : i32
      %sign3A_2954 = arith.cmpi slt, %jit3A_2941, %sign3A_2953 : i32
      %sign3A_2955 = arith.extui %sign3A_2954 : i1 to i32
      %sign3A_2956 = arith.subi %sign3A_2952, %sign3A_2955 : i32
      %ne3A_2957 = arith.cmpi ne, %sign3A_2949, %sign3A_2956 : i32
      %rem3A_2958 = arith.remsi %add3A_2940, %jit3A_2941 : i32
      %ne3A_2959 = arith.constant 0 : i32
      %ne3A_2960 = arith.cmpi ne, %rem3A_2958, %ne3A_2959 : i32
      %and3A_2961 = arith.andi %ne3A_2957, %ne3A_2960 : i1
      %sub3A_2962 = arith.constant 1 : i32
      %sub3A_2963 = arith.subi %div3A_2942, %sub3A_2962 : i32
      %select_n3A_2964 = arith.select %and3A_2961, %sub3A_2963, %div3A_2942 : i32
      %jit3A_2965 = arith.constant 10 : i32
      %eq3A_2966 = arith.constant 0 : i32
      %eq3A_2967 = arith.cmpi eq, %jit3A_2965, %eq3A_2966 : i32
      %jit3A_2968 = arith.constant 1 : i32
      %select_n3A_2969 = arith.select %eq3A_2967, %jit3A_2968, %jit3A_2965 : i32
      %rem3A_2970 = arith.remsi %add3A_2940, %select_n3A_2969 : i32
      %ne3A_2971 = arith.constant 0 : i32
      %ne3A_2972 = arith.cmpi ne, %rem3A_2970, %ne3A_2971 : i32
      %lt3A_2973 = arith.constant 0 : i32
      %lt3A_2974 = arith.cmpi slt, %rem3A_2970, %lt3A_2973 : i32
      %lt3A_2975 = arith.constant 0 : i32
      %lt3A_2976 = arith.cmpi slt, %select_n3A_2969, %lt3A_2975 : i32
      %ne3A_2977 = arith.xori %lt3A_2974, %lt3A_2976 : i1
      %and3A_2978 = arith.andi %ne3A_2977, %ne3A_2972 : i1
      %add3A_2979 = arith.addi %rem3A_2970, %select_n3A_2969 : i32
      %select_n3A_2980 = arith.select %and3A_2978, %add3A_2979, %rem3A_2970 : i32
      %dma_wait3A_2981 = arith.constant 4 : i32
      %dma_wait3A_2982 = arith.constant 0 : i32
      %dma_wait3A_2983 = arith.constant 0 : i32
      %dma_wait3A_2984 = tpu.memref_slice %arg6[%dma_wait3A_2981, %dma_wait3A_2982, %dma_wait3A_2983] : memref<5x100x64xf32, #tpu.memory_space<vmem>> -> memref<1x100x64xf32, #tpu.memory_space<vmem>>
      %dma_wait3A_2985 = tpu.memref_squeeze %dma_wait3A_2984 : memref<1x100x64xf32, #tpu.memory_space<vmem>> -> memref<100x64xf32, #tpu.memory_space<vmem>>
      %dma_wait3A_2986 = arith.constant 50 : i32
      %dma_wait3A_2987 = arith.constant 0 : i32
      %dma_wait3A_2988 = tpu.memref_slice %dma_wait3A_2985[%dma_wait3A_2986, %dma_wait3A_2987] : memref<100x64xf32, #tpu.memory_space<vmem>> -> memref<50x64xf32, #tpu.memory_space<vmem>>
      %dma_wait3A_2989 = arith.constant 0 : i32
      %dma_wait3A_2990 = arith.constant 0 : i32
      %dma_wait3A_2991 = tpu.memref_slice %arg4[%select_n3A_2964, %select_n3A_2980, %dma_wait3A_2989, %dma_wait3A_2990] : memref<1024x10x50x64xf32, #tpu.memory_space<hbm>> -> memref<1x1x50x64xf32, #tpu.memory_space<hbm>>
      %dma_wait3A_2992 = tpu.memref_squeeze %dma_wait3A_2991 : memref<1x1x50x64xf32, #tpu.memory_space<hbm>> -> memref<50x64xf32, #tpu.memory_space<hbm>>
      %dma_wait3A_2993 = arith.constant 0 : i32
      %dma_wait3A_2994 = arith.constant 0 : i32
      %dma_wait3A_2995 = tpu.memref_slice %arg4[%select_n3A_2964, %select_n3A_2980, %dma_wait3A_2993, %dma_wait3A_2994] : memref<1024x10x50x64xf32, #tpu.memory_space<hbm>> -> memref<1x1x50x64xf32, #tpu.memory_space<hbm>>
      %dma_wait3A_2996 = tpu.memref_squeeze %dma_wait3A_2995 : memref<1x1x50x64xf32, #tpu.memory_space<hbm>> -> memref<50x64xf32, #tpu.memory_space<hbm>>
      %dma_wait3A_2997 = arith.constant 0 : i32
      %dma_wait3A_2998 = arith.constant 0 : i32
      %dma_wait3A_2999 = tpu.memref_slice %arg6[%dma_wait3A_2981, %dma_wait3A_2997, %dma_wait3A_2998] : memref<5x100x64xf32, #tpu.memory_space<vmem>> -> memref<1x100x64xf32, #tpu.memory_space<vmem>>
      %dma_wait3A_3000 = tpu.memref_squeeze %dma_wait3A_2999 : memref<1x100x64xf32, #tpu.memory_space<vmem>> -> memref<100x64xf32, #tpu.memory_space<vmem>>
      %dma_wait3A_3001 = arith.constant 50 : i32
      %dma_wait3A_3002 = arith.constant 0 : i32
      %dma_wait3A_3003 = tpu.memref_slice %dma_wait3A_3000[%dma_wait3A_3001, %dma_wait3A_3002] : memref<100x64xf32, #tpu.memory_space<vmem>> -> memref<50x64xf32, #tpu.memory_space<vmem>>
      tpu.wait_dma2 semaphore(%arg16 : memref<!tpu.dma_semaphore, #tpu.memory_space<semaphore_mem>>) src(%dma_wait3A_3003 : memref<50x64xf32, #tpu.memory_space<vmem>>) dst(%dma_wait3A_2996 : memref<50x64xf32, #tpu.memory_space<hbm>>)
      %add3A_3004 = arith.constant 5 : i32
      %add3A_3005 = arith.addi %add3A_2867, %add3A_3004 : i32
      %dma_start3A_3006 = arith.constant 4 : i32
      %dma_start3A_3007 = arith.constant 0 : i32
      %dma_start3A_3008 = arith.constant 0 : i32
      %dma_start3A_3009 = tpu.memref_slice %arg6[%dma_start3A_3006, %dma_start3A_3007, %dma_start3A_3008] : memref<5x100x64xf32, #tpu.memory_space<vmem>> -> memref<1x100x64xf32, #tpu.memory_space<vmem>>
      %dma_start3A_3010 = tpu.memref_squeeze %dma_start3A_3009 : memref<1x100x64xf32, #tpu.memory_space<vmem>> -> memref<100x64xf32, #tpu.memory_space<vmem>>
      %dma_start3A_3011 = arith.constant 0 : i32
      %dma_start3A_3012 = tpu.memref_slice %arg5[%add3A_3005, %dma_start3A_3011] : memref<160x100xi32, #tpu.memory_space<vmem>> -> memref<1x100xi32, #tpu.memory_space<vmem>>
      %dma_start3A_3013 = tpu.memref_squeeze %dma_start3A_3012 : memref<1x100xi32, #tpu.memory_space<vmem>> -> memref<100xi32, #tpu.memory_space<vmem>>
      %dma_start3A_3014 = arith.constant 0 : i32
      %dma_start3A_3015 = arith.constant 0 : i32
      %dma_start3A_3016 = tpu.memref_slice %arg3[%dma_start3A_3014, %dma_start3A_3015] : memref<1000000x64xf32, #tpu.memory_space<hbm>> -> memref<1000000x64xf32, #tpu.memory_space<hbm>>
      tpu.enqueue_indirect_dma source(%dma_start3A_3016 : memref<1000000x64xf32, #tpu.memory_space<hbm>>) target(%dma_start3A_3010 : memref<100x64xf32, #tpu.memory_space<vmem>>) offsets(%dma_start3A_3013 : memref<100xi32, #tpu.memory_space<vmem>>) semaphore(%arg11 : memref<!tpu.dma_semaphore, #tpu.memory_space<semaphore_mem>>)
    }
    %scan3A_66 = arith.constant 31 : i32
    %dma_wait3A = arith.constant 155 : i32
    %dma_wait3A_67 = arith.constant 0 : i32
    %dma_wait3A_68 = arith.constant 0 : i32
    %dma_wait3A_69 = arith.constant 0 : i32
    %dma_wait3A_70 = tpu.memref_slice %arg6[%dma_wait3A_67, %dma_wait3A_68, %dma_wait3A_69] : memref<5x100x64xf32, #tpu.memory_space<vmem>> -> memref<1x100x64xf32, #tpu.memory_space<vmem>>
    %dma_wait3A_71 = tpu.memref_squeeze %dma_wait3A_70 : memref<1x100x64xf32, #tpu.memory_space<vmem>> -> memref<100x64xf32, #tpu.memory_space<vmem>>
    %dma_wait3A_72 = arith.constant 0 : i32
    %dma_wait3A_73 = tpu.memref_slice %arg5[%dma_wait3A, %dma_wait3A_72] : memref<160x100xi32, #tpu.memory_space<vmem>> -> memref<1x100xi32, #tpu.memory_space<vmem>>
    %dma_wait3A_74 = tpu.memref_squeeze %dma_wait3A_73 : memref<1x100xi32, #tpu.memory_space<vmem>> -> memref<100xi32, #tpu.memory_space<vmem>>
    %dma_wait3A_75 = arith.constant 0 : i32
    %dma_wait3A_76 = arith.constant 0 : i32
    %dma_wait3A_77 = tpu.memref_slice %arg3[%dma_wait3A_75, %dma_wait3A_76] : memref<1000000x64xf32, #tpu.memory_space<hbm>> -> memref<1000000x64xf32, #tpu.memory_space<hbm>>
    tpu.wait_indirect_dma semaphore(%arg7 : memref<!tpu.dma_semaphore, #tpu.memory_space<semaphore_mem>>) src(%dma_wait3A_77 : memref<1000000x64xf32, #tpu.memory_space<hbm>>) dst(%dma_wait3A_71 : memref<100x64xf32, #tpu.memory_space<vmem>>)
    %add3A_78 = arith.constant 155 : i32
    %add3A_79 = arith.addi %mul3A_2, %add3A_78 : i32
    %mul3A_80 = arith.constant 2 : i32
    %mul3A_81 = arith.muli %mul3A_80, %add3A_79 : i32
    %add3A_82 = arith.constant 0 : i32
    %add3A_83 = arith.addi %mul3A_81, %add3A_82 : i32
    %jit3A = arith.constant 10 : i32
    %div3A = arith.divsi %add3A_83, %jit3A : i32
    %sign3A = arith.constant 0 : i32
    %sign3A_84 = arith.cmpi sgt, %add3A_83, %sign3A : i32
    %sign3A_85 = arith.extui %sign3A_84 : i1 to i32
    %sign3A_86 = arith.constant 0 : i32
    %sign3A_87 = arith.cmpi slt, %add3A_83, %sign3A_86 : i32
    %sign3A_88 = arith.extui %sign3A_87 : i1 to i32
    %sign3A_89 = arith.subi %sign3A_85, %sign3A_88 : i32
    %sign3A_90 = arith.constant 0 : i32
    %sign3A_91 = arith.cmpi sgt, %jit3A, %sign3A_90 : i32
    %sign3A_92 = arith.extui %sign3A_91 : i1 to i32
    %sign3A_93 = arith.constant 0 : i32
    %sign3A_94 = arith.cmpi slt, %jit3A, %sign3A_93 : i32
    %sign3A_95 = arith.extui %sign3A_94 : i1 to i32
    %sign3A_96 = arith.subi %sign3A_92, %sign3A_95 : i32
    %ne3A = arith.cmpi ne, %sign3A_89, %sign3A_96 : i32
    %rem3A = arith.remsi %add3A_83, %jit3A : i32
    %ne3A_97 = arith.constant 0 : i32
    %ne3A_98 = arith.cmpi ne, %rem3A, %ne3A_97 : i32
    %and3A = arith.andi %ne3A, %ne3A_98 : i1
    %sub3A = arith.constant 1 : i32
    %sub3A_99 = arith.subi %div3A, %sub3A : i32
    %select_n3A = arith.select %and3A, %sub3A_99, %div3A : i32
    %jit3A_100 = arith.constant 10 : i32
    %eq3A = arith.constant 0 : i32
    %eq3A_101 = arith.cmpi eq, %jit3A_100, %eq3A : i32
    %jit3A_102 = arith.constant 1 : i32
    %select_n3A_103 = arith.select %eq3A_101, %jit3A_102, %jit3A_100 : i32
    %rem3A_104 = arith.remsi %add3A_83, %select_n3A_103 : i32
    %ne3A_105 = arith.constant 0 : i32
    %ne3A_106 = arith.cmpi ne, %rem3A_104, %ne3A_105 : i32
    %lt3A = arith.constant 0 : i32
    %lt3A_107 = arith.cmpi slt, %rem3A_104, %lt3A : i32
    %lt3A_108 = arith.constant 0 : i32
    %lt3A_109 = arith.cmpi slt, %select_n3A_103, %lt3A_108 : i32
    %ne3A_110 = arith.xori %lt3A_107, %lt3A_109 : i1
    %and3A_111 = arith.andi %ne3A_110, %ne3A_106 : i1
    %add3A_112 = arith.addi %rem3A_104, %select_n3A_103 : i32
    %select_n3A_113 = arith.select %and3A_111, %add3A_112, %rem3A_104 : i32
    %dma_start3A_114 = arith.constant 0 : i32
    %dma_start3A_115 = arith.constant 0 : i32
    %dma_start3A_116 = arith.constant 0 : i32
    %dma_start3A_117 = tpu.memref_slice %arg6[%dma_start3A_114, %dma_start3A_115, %dma_start3A_116] : memref<5x100x64xf32, #tpu.memory_space<vmem>> -> memref<1x100x64xf32, #tpu.memory_space<vmem>>
    %dma_start3A_118 = tpu.memref_squeeze %dma_start3A_117 : memref<1x100x64xf32, #tpu.memory_space<vmem>> -> memref<100x64xf32, #tpu.memory_space<vmem>>
    %dma_start3A_119 = arith.constant 0 : i32
    %dma_start3A_120 = arith.constant 0 : i32
    %dma_start3A_121 = tpu.memref_slice %dma_start3A_118[%dma_start3A_119, %dma_start3A_120] : memref<100x64xf32, #tpu.memory_space<vmem>> -> memref<50x64xf32, #tpu.memory_space<vmem>>
    %dma_start3A_122 = arith.constant 0 : i32
    %dma_start3A_123 = arith.constant 0 : i32
    %dma_start3A_124 = tpu.memref_slice %arg4[%select_n3A, %select_n3A_113, %dma_start3A_122, %dma_start3A_123] : memref<1024x10x50x64xf32, #tpu.memory_space<hbm>> -> memref<1x1x50x64xf32, #tpu.memory_space<hbm>>
    %dma_start3A_125 = tpu.memref_squeeze %dma_start3A_124 : memref<1x1x50x64xf32, #tpu.memory_space<hbm>> -> memref<50x64xf32, #tpu.memory_space<hbm>>
    %dma_start3A_126 = arith.constant 0 : i32
    %dma_start3A_127 = arith.constant 0 : i32
    %dma_start3A_128 = tpu.memref_slice %arg4[%select_n3A, %select_n3A_113, %dma_start3A_126, %dma_start3A_127] : memref<1024x10x50x64xf32, #tpu.memory_space<hbm>> -> memref<1x1x50x64xf32, #tpu.memory_space<hbm>>
    %dma_start3A_129 = tpu.memref_squeeze %dma_start3A_128 : memref<1x1x50x64xf32, #tpu.memory_space<hbm>> -> memref<50x64xf32, #tpu.memory_space<hbm>>
    %dma_start3A_130 = arith.constant 0 : i32
    %dma_start3A_131 = arith.constant 0 : i32
    %dma_start3A_132 = tpu.memref_slice %arg6[%dma_start3A_114, %dma_start3A_130, %dma_start3A_131] : memref<5x100x64xf32, #tpu.memory_space<vmem>> -> memref<1x100x64xf32, #tpu.memory_space<vmem>>
    %dma_start3A_133 = tpu.memref_squeeze %dma_start3A_132 : memref<1x100x64xf32, #tpu.memory_space<vmem>> -> memref<100x64xf32, #tpu.memory_space<vmem>>
    %dma_start3A_134 = arith.constant 0 : i32
    %dma_start3A_135 = arith.constant 0 : i32
    %dma_start3A_136 = tpu.memref_slice %dma_start3A_133[%dma_start3A_134, %dma_start3A_135] : memref<100x64xf32, #tpu.memory_space<vmem>> -> memref<50x64xf32, #tpu.memory_space<vmem>>
    tpu.enqueue_dma source(%dma_start3A_136 : memref<50x64xf32, #tpu.memory_space<vmem>>) target(%dma_start3A_129 : memref<50x64xf32, #tpu.memory_space<hbm>>) target_semaphore(%arg12 : memref<!tpu.dma_semaphore, #tpu.memory_space<semaphore_mem>>)
    %add3A_137 = arith.constant 155 : i32
    %add3A_138 = arith.addi %mul3A_2, %add3A_137 : i32
    %mul3A_139 = arith.constant 2 : i32
    %mul3A_140 = arith.muli %mul3A_139, %add3A_138 : i32
    %add3A_141 = arith.constant 1 : i32
    %add3A_142 = arith.addi %mul3A_140, %add3A_141 : i32
    %jit3A_143 = arith.constant 10 : i32
    %div3A_144 = arith.divsi %add3A_142, %jit3A_143 : i32
    %sign3A_145 = arith.constant 0 : i32
    %sign3A_146 = arith.cmpi sgt, %add3A_142, %sign3A_145 : i32
    %sign3A_147 = arith.extui %sign3A_146 : i1 to i32
    %sign3A_148 = arith.constant 0 : i32
    %sign3A_149 = arith.cmpi slt, %add3A_142, %sign3A_148 : i32
    %sign3A_150 = arith.extui %sign3A_149 : i1 to i32
    %sign3A_151 = arith.subi %sign3A_147, %sign3A_150 : i32
    %sign3A_152 = arith.constant 0 : i32
    %sign3A_153 = arith.cmpi sgt, %jit3A_143, %sign3A_152 : i32
    %sign3A_154 = arith.extui %sign3A_153 : i1 to i32
    %sign3A_155 = arith.constant 0 : i32
    %sign3A_156 = arith.cmpi slt, %jit3A_143, %sign3A_155 : i32
    %sign3A_157 = arith.extui %sign3A_156 : i1 to i32
    %sign3A_158 = arith.subi %sign3A_154, %sign3A_157 : i32
    %ne3A_159 = arith.cmpi ne, %sign3A_151, %sign3A_158 : i32
    %rem3A_160 = arith.remsi %add3A_142, %jit3A_143 : i32
    %ne3A_161 = arith.constant 0 : i32
    %ne3A_162 = arith.cmpi ne, %rem3A_160, %ne3A_161 : i32
    %and3A_163 = arith.andi %ne3A_159, %ne3A_162 : i1
    %sub3A_164 = arith.constant 1 : i32
    %sub3A_165 = arith.subi %div3A_144, %sub3A_164 : i32
    %select_n3A_166 = arith.select %and3A_163, %sub3A_165, %div3A_144 : i32
    %jit3A_167 = arith.constant 10 : i32
    %eq3A_168 = arith.constant 0 : i32
    %eq3A_169 = arith.cmpi eq, %jit3A_167, %eq3A_168 : i32
    %jit3A_170 = arith.constant 1 : i32
    %select_n3A_171 = arith.select %eq3A_169, %jit3A_170, %jit3A_167 : i32
    %rem3A_172 = arith.remsi %add3A_142, %select_n3A_171 : i32
    %ne3A_173 = arith.constant 0 : i32
    %ne3A_174 = arith.cmpi ne, %rem3A_172, %ne3A_173 : i32
    %lt3A_175 = arith.constant 0 : i32
    %lt3A_176 = arith.cmpi slt, %rem3A_172, %lt3A_175 : i32
    %lt3A_177 = arith.constant 0 : i32
    %lt3A_178 = arith.cmpi slt, %select_n3A_171, %lt3A_177 : i32
    %ne3A_179 = arith.xori %lt3A_176, %lt3A_178 : i1
    %and3A_180 = arith.andi %ne3A_179, %ne3A_174 : i1
    %add3A_181 = arith.addi %rem3A_172, %select_n3A_171 : i32
    %select_n3A_182 = arith.select %and3A_180, %add3A_181, %rem3A_172 : i32
    %dma_start3A_183 = arith.constant 0 : i32
    %dma_start3A_184 = arith.constant 0 : i32
    %dma_start3A_185 = arith.constant 0 : i32
    %dma_start3A_186 = tpu.memref_slice %arg6[%dma_start3A_183, %dma_start3A_184, %dma_start3A_185] : memref<5x100x64xf32, #tpu.memory_space<vmem>> -> memref<1x100x64xf32, #tpu.memory_space<vmem>>
    %dma_start3A_187 = tpu.memref_squeeze %dma_start3A_186 : memref<1x100x64xf32, #tpu.memory_space<vmem>> -> memref<100x64xf32, #tpu.memory_space<vmem>>
    %dma_start3A_188 = arith.constant 50 : i32
    %dma_start3A_189 = arith.constant 0 : i32
    %dma_start3A_190 = tpu.memref_slice %dma_start3A_187[%dma_start3A_188, %dma_start3A_189] : memref<100x64xf32, #tpu.memory_space<vmem>> -> memref<50x64xf32, #tpu.memory_space<vmem>>
    %dma_start3A_191 = arith.constant 0 : i32
    %dma_start3A_192 = arith.constant 0 : i32
    %dma_start3A_193 = tpu.memref_slice %arg4[%select_n3A_166, %select_n3A_182, %dma_start3A_191, %dma_start3A_192] : memref<1024x10x50x64xf32, #tpu.memory_space<hbm>> -> memref<1x1x50x64xf32, #tpu.memory_space<hbm>>
    %dma_start3A_194 = tpu.memref_squeeze %dma_start3A_193 : memref<1x1x50x64xf32, #tpu.memory_space<hbm>> -> memref<50x64xf32, #tpu.memory_space<hbm>>
    %dma_start3A_195 = arith.constant 0 : i32
    %dma_start3A_196 = arith.constant 0 : i32
    %dma_start3A_197 = tpu.memref_slice %arg4[%select_n3A_166, %select_n3A_182, %dma_start3A_195, %dma_start3A_196] : memref<1024x10x50x64xf32, #tpu.memory_space<hbm>> -> memref<1x1x50x64xf32, #tpu.memory_space<hbm>>
    %dma_start3A_198 = tpu.memref_squeeze %dma_start3A_197 : memref<1x1x50x64xf32, #tpu.memory_space<hbm>> -> memref<50x64xf32, #tpu.memory_space<hbm>>
    %dma_start3A_199 = arith.constant 0 : i32
    %dma_start3A_200 = arith.constant 0 : i32
    %dma_start3A_201 = tpu.memref_slice %arg6[%dma_start3A_183, %dma_start3A_199, %dma_start3A_200] : memref<5x100x64xf32, #tpu.memory_space<vmem>> -> memref<1x100x64xf32, #tpu.memory_space<vmem>>
    %dma_start3A_202 = tpu.memref_squeeze %dma_start3A_201 : memref<1x100x64xf32, #tpu.memory_space<vmem>> -> memref<100x64xf32, #tpu.memory_space<vmem>>
    %dma_start3A_203 = arith.constant 50 : i32
    %dma_start3A_204 = arith.constant 0 : i32
    %dma_start3A_205 = tpu.memref_slice %dma_start3A_202[%dma_start3A_203, %dma_start3A_204] : memref<100x64xf32, #tpu.memory_space<vmem>> -> memref<50x64xf32, #tpu.memory_space<vmem>>
    tpu.enqueue_dma source(%dma_start3A_205 : memref<50x64xf32, #tpu.memory_space<vmem>>) target(%dma_start3A_198 : memref<50x64xf32, #tpu.memory_space<hbm>>) target_semaphore(%arg12 : memref<!tpu.dma_semaphore, #tpu.memory_space<semaphore_mem>>)
    %dma_wait3A_206 = arith.constant 156 : i32
    %dma_wait3A_207 = arith.constant 1 : i32
    %dma_wait3A_208 = arith.constant 0 : i32
    %dma_wait3A_209 = arith.constant 0 : i32
    %dma_wait3A_210 = tpu.memref_slice %arg6[%dma_wait3A_207, %dma_wait3A_208, %dma_wait3A_209] : memref<5x100x64xf32, #tpu.memory_space<vmem>> -> memref<1x100x64xf32, #tpu.memory_space<vmem>>
    %dma_wait3A_211 = tpu.memref_squeeze %dma_wait3A_210 : memref<1x100x64xf32, #tpu.memory_space<vmem>> -> memref<100x64xf32, #tpu.memory_space<vmem>>
    %dma_wait3A_212 = arith.constant 0 : i32
    %dma_wait3A_213 = tpu.memref_slice %arg5[%dma_wait3A_206, %dma_wait3A_212] : memref<160x100xi32, #tpu.memory_space<vmem>> -> memref<1x100xi32, #tpu.memory_space<vmem>>
    %dma_wait3A_214 = tpu.memref_squeeze %dma_wait3A_213 : memref<1x100xi32, #tpu.memory_space<vmem>> -> memref<100xi32, #tpu.memory_space<vmem>>
    %dma_wait3A_215 = arith.constant 0 : i32
    %dma_wait3A_216 = arith.constant 0 : i32
    %dma_wait3A_217 = tpu.memref_slice %arg3[%dma_wait3A_215, %dma_wait3A_216] : memref<1000000x64xf32, #tpu.memory_space<hbm>> -> memref<1000000x64xf32, #tpu.memory_space<hbm>>
    tpu.wait_indirect_dma semaphore(%arg8 : memref<!tpu.dma_semaphore, #tpu.memory_space<semaphore_mem>>) src(%dma_wait3A_217 : memref<1000000x64xf32, #tpu.memory_space<hbm>>) dst(%dma_wait3A_211 : memref<100x64xf32, #tpu.memory_space<vmem>>)
    %add3A_218 = arith.constant 156 : i32
    %add3A_219 = arith.addi %mul3A_2, %add3A_218 : i32
    %mul3A_220 = arith.constant 2 : i32
    %mul3A_221 = arith.muli %mul3A_220, %add3A_219 : i32
    %add3A_222 = arith.constant 0 : i32
    %add3A_223 = arith.addi %mul3A_221, %add3A_222 : i32
    %jit3A_224 = arith.constant 10 : i32
    %div3A_225 = arith.divsi %add3A_223, %jit3A_224 : i32
    %sign3A_226 = arith.constant 0 : i32
    %sign3A_227 = arith.cmpi sgt, %add3A_223, %sign3A_226 : i32
    %sign3A_228 = arith.extui %sign3A_227 : i1 to i32
    %sign3A_229 = arith.constant 0 : i32
    %sign3A_230 = arith.cmpi slt, %add3A_223, %sign3A_229 : i32
    %sign3A_231 = arith.extui %sign3A_230 : i1 to i32
    %sign3A_232 = arith.subi %sign3A_228, %sign3A_231 : i32
    %sign3A_233 = arith.constant 0 : i32
    %sign3A_234 = arith.cmpi sgt, %jit3A_224, %sign3A_233 : i32
    %sign3A_235 = arith.extui %sign3A_234 : i1 to i32
    %sign3A_236 = arith.constant 0 : i32
    %sign3A_237 = arith.cmpi slt, %jit3A_224, %sign3A_236 : i32
    %sign3A_238 = arith.extui %sign3A_237 : i1 to i32
    %sign3A_239 = arith.subi %sign3A_235, %sign3A_238 : i32
    %ne3A_240 = arith.cmpi ne, %sign3A_232, %sign3A_239 : i32
    %rem3A_241 = arith.remsi %add3A_223, %jit3A_224 : i32
    %ne3A_242 = arith.constant 0 : i32
    %ne3A_243 = arith.cmpi ne, %rem3A_241, %ne3A_242 : i32
    %and3A_244 = arith.andi %ne3A_240, %ne3A_243 : i1
    %sub3A_245 = arith.constant 1 : i32
    %sub3A_246 = arith.subi %div3A_225, %sub3A_245 : i32
    %select_n3A_247 = arith.select %and3A_244, %sub3A_246, %div3A_225 : i32
    %jit3A_248 = arith.constant 10 : i32
    %eq3A_249 = arith.constant 0 : i32
    %eq3A_250 = arith.cmpi eq, %jit3A_248, %eq3A_249 : i32
    %jit3A_251 = arith.constant 1 : i32
    %select_n3A_252 = arith.select %eq3A_250, %jit3A_251, %jit3A_248 : i32
    %rem3A_253 = arith.remsi %add3A_223, %select_n3A_252 : i32
    %ne3A_254 = arith.constant 0 : i32
    %ne3A_255 = arith.cmpi ne, %rem3A_253, %ne3A_254 : i32
    %lt3A_256 = arith.constant 0 : i32
    %lt3A_257 = arith.cmpi slt, %rem3A_253, %lt3A_256 : i32
    %lt3A_258 = arith.constant 0 : i32
    %lt3A_259 = arith.cmpi slt, %select_n3A_252, %lt3A_258 : i32
    %ne3A_260 = arith.xori %lt3A_257, %lt3A_259 : i1
    %and3A_261 = arith.andi %ne3A_260, %ne3A_255 : i1
    %add3A_262 = arith.addi %rem3A_253, %select_n3A_252 : i32
    %select_n3A_263 = arith.select %and3A_261, %add3A_262, %rem3A_253 : i32
    %dma_start3A_264 = arith.constant 1 : i32
    %dma_start3A_265 = arith.constant 0 : i32
    %dma_start3A_266 = arith.constant 0 : i32
    %dma_start3A_267 = tpu.memref_slice %arg6[%dma_start3A_264, %dma_start3A_265, %dma_start3A_266] : memref<5x100x64xf32, #tpu.memory_space<vmem>> -> memref<1x100x64xf32, #tpu.memory_space<vmem>>
    %dma_start3A_268 = tpu.memref_squeeze %dma_start3A_267 : memref<1x100x64xf32, #tpu.memory_space<vmem>> -> memref<100x64xf32, #tpu.memory_space<vmem>>
    %dma_start3A_269 = arith.constant 0 : i32
    %dma_start3A_270 = arith.constant 0 : i32
    %dma_start3A_271 = tpu.memref_slice %dma_start3A_268[%dma_start3A_269, %dma_start3A_270] : memref<100x64xf32, #tpu.memory_space<vmem>> -> memref<50x64xf32, #tpu.memory_space<vmem>>
    %dma_start3A_272 = arith.constant 0 : i32
    %dma_start3A_273 = arith.constant 0 : i32
    %dma_start3A_274 = tpu.memref_slice %arg4[%select_n3A_247, %select_n3A_263, %dma_start3A_272, %dma_start3A_273] : memref<1024x10x50x64xf32, #tpu.memory_space<hbm>> -> memref<1x1x50x64xf32, #tpu.memory_space<hbm>>
    %dma_start3A_275 = tpu.memref_squeeze %dma_start3A_274 : memref<1x1x50x64xf32, #tpu.memory_space<hbm>> -> memref<50x64xf32, #tpu.memory_space<hbm>>
    %dma_start3A_276 = arith.constant 0 : i32
    %dma_start3A_277 = arith.constant 0 : i32
    %dma_start3A_278 = tpu.memref_slice %arg4[%select_n3A_247, %select_n3A_263, %dma_start3A_276, %dma_start3A_277] : memref<1024x10x50x64xf32, #tpu.memory_space<hbm>> -> memref<1x1x50x64xf32, #tpu.memory_space<hbm>>
    %dma_start3A_279 = tpu.memref_squeeze %dma_start3A_278 : memref<1x1x50x64xf32, #tpu.memory_space<hbm>> -> memref<50x64xf32, #tpu.memory_space<hbm>>
    %dma_start3A_280 = arith.constant 0 : i32
    %dma_start3A_281 = arith.constant 0 : i32
    %dma_start3A_282 = tpu.memref_slice %arg6[%dma_start3A_264, %dma_start3A_280, %dma_start3A_281] : memref<5x100x64xf32, #tpu.memory_space<vmem>> -> memref<1x100x64xf32, #tpu.memory_space<vmem>>
    %dma_start3A_283 = tpu.memref_squeeze %dma_start3A_282 : memref<1x100x64xf32, #tpu.memory_space<vmem>> -> memref<100x64xf32, #tpu.memory_space<vmem>>
    %dma_start3A_284 = arith.constant 0 : i32
    %dma_start3A_285 = arith.constant 0 : i32
    %dma_start3A_286 = tpu.memref_slice %dma_start3A_283[%dma_start3A_284, %dma_start3A_285] : memref<100x64xf32, #tpu.memory_space<vmem>> -> memref<50x64xf32, #tpu.memory_space<vmem>>
    tpu.enqueue_dma source(%dma_start3A_286 : memref<50x64xf32, #tpu.memory_space<vmem>>) target(%dma_start3A_279 : memref<50x64xf32, #tpu.memory_space<hbm>>) target_semaphore(%arg13 : memref<!tpu.dma_semaphore, #tpu.memory_space<semaphore_mem>>)
    %add3A_287 = arith.constant 156 : i32
    %add3A_288 = arith.addi %mul3A_2, %add3A_287 : i32
    %mul3A_289 = arith.constant 2 : i32
    %mul3A_290 = arith.muli %mul3A_289, %add3A_288 : i32
    %add3A_291 = arith.constant 1 : i32
    %add3A_292 = arith.addi %mul3A_290, %add3A_291 : i32
    %jit3A_293 = arith.constant 10 : i32
    %div3A_294 = arith.divsi %add3A_292, %jit3A_293 : i32
    %sign3A_295 = arith.constant 0 : i32
    %sign3A_296 = arith.cmpi sgt, %add3A_292, %sign3A_295 : i32
    %sign3A_297 = arith.extui %sign3A_296 : i1 to i32
    %sign3A_298 = arith.constant 0 : i32
    %sign3A_299 = arith.cmpi slt, %add3A_292, %sign3A_298 : i32
    %sign3A_300 = arith.extui %sign3A_299 : i1 to i32
    %sign3A_301 = arith.subi %sign3A_297, %sign3A_300 : i32
    %sign3A_302 = arith.constant 0 : i32
    %sign3A_303 = arith.cmpi sgt, %jit3A_293, %sign3A_302 : i32
    %sign3A_304 = arith.extui %sign3A_303 : i1 to i32
    %sign3A_305 = arith.constant 0 : i32
    %sign3A_306 = arith.cmpi slt, %jit3A_293, %sign3A_305 : i32
    %sign3A_307 = arith.extui %sign3A_306 : i1 to i32
    %sign3A_308 = arith.subi %sign3A_304, %sign3A_307 : i32
    %ne3A_309 = arith.cmpi ne, %sign3A_301, %sign3A_308 : i32
    %rem3A_310 = arith.remsi %add3A_292, %jit3A_293 : i32
    %ne3A_311 = arith.constant 0 : i32
    %ne3A_312 = arith.cmpi ne, %rem3A_310, %ne3A_311 : i32
    %and3A_313 = arith.andi %ne3A_309, %ne3A_312 : i1
    %sub3A_314 = arith.constant 1 : i32
    %sub3A_315 = arith.subi %div3A_294, %sub3A_314 : i32
    %select_n3A_316 = arith.select %and3A_313, %sub3A_315, %div3A_294 : i32
    %jit3A_317 = arith.constant 10 : i32
    %eq3A_318 = arith.constant 0 : i32
    %eq3A_319 = arith.cmpi eq, %jit3A_317, %eq3A_318 : i32
    %jit3A_320 = arith.constant 1 : i32
    %select_n3A_321 = arith.select %eq3A_319, %jit3A_320, %jit3A_317 : i32
    %rem3A_322 = arith.remsi %add3A_292, %select_n3A_321 : i32
    %ne3A_323 = arith.constant 0 : i32
    %ne3A_324 = arith.cmpi ne, %rem3A_322, %ne3A_323 : i32
    %lt3A_325 = arith.constant 0 : i32
    %lt3A_326 = arith.cmpi slt, %rem3A_322, %lt3A_325 : i32
    %lt3A_327 = arith.constant 0 : i32
    %lt3A_328 = arith.cmpi slt, %select_n3A_321, %lt3A_327 : i32
    %ne3A_329 = arith.xori %lt3A_326, %lt3A_328 : i1
    %and3A_330 = arith.andi %ne3A_329, %ne3A_324 : i1
    %add3A_331 = arith.addi %rem3A_322, %select_n3A_321 : i32
    %select_n3A_332 = arith.select %and3A_330, %add3A_331, %rem3A_322 : i32
    %dma_start3A_333 = arith.constant 1 : i32
    %dma_start3A_334 = arith.constant 0 : i32
    %dma_start3A_335 = arith.constant 0 : i32
    %dma_start3A_336 = tpu.memref_slice %arg6[%dma_start3A_333, %dma_start3A_334, %dma_start3A_335] : memref<5x100x64xf32, #tpu.memory_space<vmem>> -> memref<1x100x64xf32, #tpu.memory_space<vmem>>
    %dma_start3A_337 = tpu.memref_squeeze %dma_start3A_336 : memref<1x100x64xf32, #tpu.memory_space<vmem>> -> memref<100x64xf32, #tpu.memory_space<vmem>>
    %dma_start3A_338 = arith.constant 50 : i32
    %dma_start3A_339 = arith.constant 0 : i32
    %dma_start3A_340 = tpu.memref_slice %dma_start3A_337[%dma_start3A_338, %dma_start3A_339] : memref<100x64xf32, #tpu.memory_space<vmem>> -> memref<50x64xf32, #tpu.memory_space<vmem>>
    %dma_start3A_341 = arith.constant 0 : i32
    %dma_start3A_342 = arith.constant 0 : i32
    %dma_start3A_343 = tpu.memref_slice %arg4[%select_n3A_316, %select_n3A_332, %dma_start3A_341, %dma_start3A_342] : memref<1024x10x50x64xf32, #tpu.memory_space<hbm>> -> memref<1x1x50x64xf32, #tpu.memory_space<hbm>>
    %dma_start3A_344 = tpu.memref_squeeze %dma_start3A_343 : memref<1x1x50x64xf32, #tpu.memory_space<hbm>> -> memref<50x64xf32, #tpu.memory_space<hbm>>
    %dma_start3A_345 = arith.constant 0 : i32
    %dma_start3A_346 = arith.constant 0 : i32
    %dma_start3A_347 = tpu.memref_slice %arg4[%select_n3A_316, %select_n3A_332, %dma_start3A_345, %dma_start3A_346] : memref<1024x10x50x64xf32, #tpu.memory_space<hbm>> -> memref<1x1x50x64xf32, #tpu.memory_space<hbm>>
    %dma_start3A_348 = tpu.memref_squeeze %dma_start3A_347 : memref<1x1x50x64xf32, #tpu.memory_space<hbm>> -> memref<50x64xf32, #tpu.memory_space<hbm>>
    %dma_start3A_349 = arith.constant 0 : i32
    %dma_start3A_350 = arith.constant 0 : i32
    %dma_start3A_351 = tpu.memref_slice %arg6[%dma_start3A_333, %dma_start3A_349, %dma_start3A_350] : memref<5x100x64xf32, #tpu.memory_space<vmem>> -> memref<1x100x64xf32, #tpu.memory_space<vmem>>
    %dma_start3A_352 = tpu.memref_squeeze %dma_start3A_351 : memref<1x100x64xf32, #tpu.memory_space<vmem>> -> memref<100x64xf32, #tpu.memory_space<vmem>>
    %dma_start3A_353 = arith.constant 50 : i32
    %dma_start3A_354 = arith.constant 0 : i32
    %dma_start3A_355 = tpu.memref_slice %dma_start3A_352[%dma_start3A_353, %dma_start3A_354] : memref<100x64xf32, #tpu.memory_space<vmem>> -> memref<50x64xf32, #tpu.memory_space<vmem>>
    tpu.enqueue_dma source(%dma_start3A_355 : memref<50x64xf32, #tpu.memory_space<vmem>>) target(%dma_start3A_348 : memref<50x64xf32, #tpu.memory_space<hbm>>) target_semaphore(%arg13 : memref<!tpu.dma_semaphore, #tpu.memory_space<semaphore_mem>>)
    %dma_wait3A_356 = arith.constant 157 : i32
    %dma_wait3A_357 = arith.constant 2 : i32
    %dma_wait3A_358 = arith.constant 0 : i32
    %dma_wait3A_359 = arith.constant 0 : i32
    %dma_wait3A_360 = tpu.memref_slice %arg6[%dma_wait3A_357, %dma_wait3A_358, %dma_wait3A_359] : memref<5x100x64xf32, #tpu.memory_space<vmem>> -> memref<1x100x64xf32, #tpu.memory_space<vmem>>
    %dma_wait3A_361 = tpu.memref_squeeze %dma_wait3A_360 : memref<1x100x64xf32, #tpu.memory_space<vmem>> -> memref<100x64xf32, #tpu.memory_space<vmem>>
    %dma_wait3A_362 = arith.constant 0 : i32
    %dma_wait3A_363 = tpu.memref_slice %arg5[%dma_wait3A_356, %dma_wait3A_362] : memref<160x100xi32, #tpu.memory_space<vmem>> -> memref<1x100xi32, #tpu.memory_space<vmem>>
    %dma_wait3A_364 = tpu.memref_squeeze %dma_wait3A_363 : memref<1x100xi32, #tpu.memory_space<vmem>> -> memref<100xi32, #tpu.memory_space<vmem>>
    %dma_wait3A_365 = arith.constant 0 : i32
    %dma_wait3A_366 = arith.constant 0 : i32
    %dma_wait3A_367 = tpu.memref_slice %arg3[%dma_wait3A_365, %dma_wait3A_366] : memref<1000000x64xf32, #tpu.memory_space<hbm>> -> memref<1000000x64xf32, #tpu.memory_space<hbm>>
    tpu.wait_indirect_dma semaphore(%arg9 : memref<!tpu.dma_semaphore, #tpu.memory_space<semaphore_mem>>) src(%dma_wait3A_367 : memref<1000000x64xf32, #tpu.memory_space<hbm>>) dst(%dma_wait3A_361 : memref<100x64xf32, #tpu.memory_space<vmem>>)
    %add3A_368 = arith.constant 157 : i32
    %add3A_369 = arith.addi %mul3A_2, %add3A_368 : i32
    %mul3A_370 = arith.constant 2 : i32
    %mul3A_371 = arith.muli %mul3A_370, %add3A_369 : i32
    %add3A_372 = arith.constant 0 : i32
    %add3A_373 = arith.addi %mul3A_371, %add3A_372 : i32
    %jit3A_374 = arith.constant 10 : i32
    %div3A_375 = arith.divsi %add3A_373, %jit3A_374 : i32
    %sign3A_376 = arith.constant 0 : i32
    %sign3A_377 = arith.cmpi sgt, %add3A_373, %sign3A_376 : i32
    %sign3A_378 = arith.extui %sign3A_377 : i1 to i32
    %sign3A_379 = arith.constant 0 : i32
    %sign3A_380 = arith.cmpi slt, %add3A_373, %sign3A_379 : i32
    %sign3A_381 = arith.extui %sign3A_380 : i1 to i32
    %sign3A_382 = arith.subi %sign3A_378, %sign3A_381 : i32
    %sign3A_383 = arith.constant 0 : i32
    %sign3A_384 = arith.cmpi sgt, %jit3A_374, %sign3A_383 : i32
    %sign3A_385 = arith.extui %sign3A_384 : i1 to i32
    %sign3A_386 = arith.constant 0 : i32
    %sign3A_387 = arith.cmpi slt, %jit3A_374, %sign3A_386 : i32
    %sign3A_388 = arith.extui %sign3A_387 : i1 to i32
    %sign3A_389 = arith.subi %sign3A_385, %sign3A_388 : i32
    %ne3A_390 = arith.cmpi ne, %sign3A_382, %sign3A_389 : i32
    %rem3A_391 = arith.remsi %add3A_373, %jit3A_374 : i32
    %ne3A_392 = arith.constant 0 : i32
    %ne3A_393 = arith.cmpi ne, %rem3A_391, %ne3A_392 : i32
    %and3A_394 = arith.andi %ne3A_390, %ne3A_393 : i1
    %sub3A_395 = arith.constant 1 : i32
    %sub3A_396 = arith.subi %div3A_375, %sub3A_395 : i32
    %select_n3A_397 = arith.select %and3A_394, %sub3A_396, %div3A_375 : i32
    %jit3A_398 = arith.constant 10 : i32
    %eq3A_399 = arith.constant 0 : i32
    %eq3A_400 = arith.cmpi eq, %jit3A_398, %eq3A_399 : i32
    %jit3A_401 = arith.constant 1 : i32
    %select_n3A_402 = arith.select %eq3A_400, %jit3A_401, %jit3A_398 : i32
    %rem3A_403 = arith.remsi %add3A_373, %select_n3A_402 : i32
    %ne3A_404 = arith.constant 0 : i32
    %ne3A_405 = arith.cmpi ne, %rem3A_403, %ne3A_404 : i32
    %lt3A_406 = arith.constant 0 : i32
    %lt3A_407 = arith.cmpi slt, %rem3A_403, %lt3A_406 : i32
    %lt3A_408 = arith.constant 0 : i32
    %lt3A_409 = arith.cmpi slt, %select_n3A_402, %lt3A_408 : i32
    %ne3A_410 = arith.xori %lt3A_407, %lt3A_409 : i1
    %and3A_411 = arith.andi %ne3A_410, %ne3A_405 : i1
    %add3A_412 = arith.addi %rem3A_403, %select_n3A_402 : i32
    %select_n3A_413 = arith.select %and3A_411, %add3A_412, %rem3A_403 : i32
    %dma_start3A_414 = arith.constant 2 : i32
    %dma_start3A_415 = arith.constant 0 : i32
    %dma_start3A_416 = arith.constant 0 : i32
    %dma_start3A_417 = tpu.memref_slice %arg6[%dma_start3A_414, %dma_start3A_415, %dma_start3A_416] : memref<5x100x64xf32, #tpu.memory_space<vmem>> -> memref<1x100x64xf32, #tpu.memory_space<vmem>>
    %dma_start3A_418 = tpu.memref_squeeze %dma_start3A_417 : memref<1x100x64xf32, #tpu.memory_space<vmem>> -> memref<100x64xf32, #tpu.memory_space<vmem>>
    %dma_start3A_419 = arith.constant 0 : i32
    %dma_start3A_420 = arith.constant 0 : i32
    %dma_start3A_421 = tpu.memref_slice %dma_start3A_418[%dma_start3A_419, %dma_start3A_420] : memref<100x64xf32, #tpu.memory_space<vmem>> -> memref<50x64xf32, #tpu.memory_space<vmem>>
    %dma_start3A_422 = arith.constant 0 : i32
    %dma_start3A_423 = arith.constant 0 : i32
    %dma_start3A_424 = tpu.memref_slice %arg4[%select_n3A_397, %select_n3A_413, %dma_start3A_422, %dma_start3A_423] : memref<1024x10x50x64xf32, #tpu.memory_space<hbm>> -> memref<1x1x50x64xf32, #tpu.memory_space<hbm>>
    %dma_start3A_425 = tpu.memref_squeeze %dma_start3A_424 : memref<1x1x50x64xf32, #tpu.memory_space<hbm>> -> memref<50x64xf32, #tpu.memory_space<hbm>>
    %dma_start3A_426 = arith.constant 0 : i32
    %dma_start3A_427 = arith.constant 0 : i32
    %dma_start3A_428 = tpu.memref_slice %arg4[%select_n3A_397, %select_n3A_413, %dma_start3A_426, %dma_start3A_427] : memref<1024x10x50x64xf32, #tpu.memory_space<hbm>> -> memref<1x1x50x64xf32, #tpu.memory_space<hbm>>
    %dma_start3A_429 = tpu.memref_squeeze %dma_start3A_428 : memref<1x1x50x64xf32, #tpu.memory_space<hbm>> -> memref<50x64xf32, #tpu.memory_space<hbm>>
    %dma_start3A_430 = arith.constant 0 : i32
    %dma_start3A_431 = arith.constant 0 : i32
    %dma_start3A_432 = tpu.memref_slice %arg6[%dma_start3A_414, %dma_start3A_430, %dma_start3A_431] : memref<5x100x64xf32, #tpu.memory_space<vmem>> -> memref<1x100x64xf32, #tpu.memory_space<vmem>>
    %dma_start3A_433 = tpu.memref_squeeze %dma_start3A_432 : memref<1x100x64xf32, #tpu.memory_space<vmem>> -> memref<100x64xf32, #tpu.memory_space<vmem>>
    %dma_start3A_434 = arith.constant 0 : i32
    %dma_start3A_435 = arith.constant 0 : i32
    %dma_start3A_436 = tpu.memref_slice %dma_start3A_433[%dma_start3A_434, %dma_start3A_435] : memref<100x64xf32, #tpu.memory_space<vmem>> -> memref<50x64xf32, #tpu.memory_space<vmem>>
    tpu.enqueue_dma source(%dma_start3A_436 : memref<50x64xf32, #tpu.memory_space<vmem>>) target(%dma_start3A_429 : memref<50x64xf32, #tpu.memory_space<hbm>>) target_semaphore(%arg14 : memref<!tpu.dma_semaphore, #tpu.memory_space<semaphore_mem>>)
    %add3A_437 = arith.constant 157 : i32
    %add3A_438 = arith.addi %mul3A_2, %add3A_437 : i32
    %mul3A_439 = arith.constant 2 : i32
    %mul3A_440 = arith.muli %mul3A_439, %add3A_438 : i32
    %add3A_441 = arith.constant 1 : i32
    %add3A_442 = arith.addi %mul3A_440, %add3A_441 : i32
    %jit3A_443 = arith.constant 10 : i32
    %div3A_444 = arith.divsi %add3A_442, %jit3A_443 : i32
    %sign3A_445 = arith.constant 0 : i32
    %sign3A_446 = arith.cmpi sgt, %add3A_442, %sign3A_445 : i32
    %sign3A_447 = arith.extui %sign3A_446 : i1 to i32
    %sign3A_448 = arith.constant 0 : i32
    %sign3A_449 = arith.cmpi slt, %add3A_442, %sign3A_448 : i32
    %sign3A_450 = arith.extui %sign3A_449 : i1 to i32
    %sign3A_451 = arith.subi %sign3A_447, %sign3A_450 : i32
    %sign3A_452 = arith.constant 0 : i32
    %sign3A_453 = arith.cmpi sgt, %jit3A_443, %sign3A_452 : i32
    %sign3A_454 = arith.extui %sign3A_453 : i1 to i32
    %sign3A_455 = arith.constant 0 : i32
    %sign3A_456 = arith.cmpi slt, %jit3A_443, %sign3A_455 : i32
    %sign3A_457 = arith.extui %sign3A_456 : i1 to i32
    %sign3A_458 = arith.subi %sign3A_454, %sign3A_457 : i32
    %ne3A_459 = arith.cmpi ne, %sign3A_451, %sign3A_458 : i32
    %rem3A_460 = arith.remsi %add3A_442, %jit3A_443 : i32
    %ne3A_461 = arith.constant 0 : i32
    %ne3A_462 = arith.cmpi ne, %rem3A_460, %ne3A_461 : i32
    %and3A_463 = arith.andi %ne3A_459, %ne3A_462 : i1
    %sub3A_464 = arith.constant 1 : i32
    %sub3A_465 = arith.subi %div3A_444, %sub3A_464 : i32
    %select_n3A_466 = arith.select %and3A_463, %sub3A_465, %div3A_444 : i32
    %jit3A_467 = arith.constant 10 : i32
    %eq3A_468 = arith.constant 0 : i32
    %eq3A_469 = arith.cmpi eq, %jit3A_467, %eq3A_468 : i32
    %jit3A_470 = arith.constant 1 : i32
    %select_n3A_471 = arith.select %eq3A_469, %jit3A_470, %jit3A_467 : i32
    %rem3A_472 = arith.remsi %add3A_442, %select_n3A_471 : i32
    %ne3A_473 = arith.constant 0 : i32
    %ne3A_474 = arith.cmpi ne, %rem3A_472, %ne3A_473 : i32
    %lt3A_475 = arith.constant 0 : i32
    %lt3A_476 = arith.cmpi slt, %rem3A_472, %lt3A_475 : i32
    %lt3A_477 = arith.constant 0 : i32
    %lt3A_478 = arith.cmpi slt, %select_n3A_471, %lt3A_477 : i32
    %ne3A_479 = arith.xori %lt3A_476, %lt3A_478 : i1
    %and3A_480 = arith.andi %ne3A_479, %ne3A_474 : i1
    %add3A_481 = arith.addi %rem3A_472, %select_n3A_471 : i32
    %select_n3A_482 = arith.select %and3A_480, %add3A_481, %rem3A_472 : i32
    %dma_start3A_483 = arith.constant 2 : i32
    %dma_start3A_484 = arith.constant 0 : i32
    %dma_start3A_485 = arith.constant 0 : i32
    %dma_start3A_486 = tpu.memref_slice %arg6[%dma_start3A_483, %dma_start3A_484, %dma_start3A_485] : memref<5x100x64xf32, #tpu.memory_space<vmem>> -> memref<1x100x64xf32, #tpu.memory_space<vmem>>
    %dma_start3A_487 = tpu.memref_squeeze %dma_start3A_486 : memref<1x100x64xf32, #tpu.memory_space<vmem>> -> memref<100x64xf32, #tpu.memory_space<vmem>>
    %dma_start3A_488 = arith.constant 50 : i32
    %dma_start3A_489 = arith.constant 0 : i32
    %dma_start3A_490 = tpu.memref_slice %dma_start3A_487[%dma_start3A_488, %dma_start3A_489] : memref<100x64xf32, #tpu.memory_space<vmem>> -> memref<50x64xf32, #tpu.memory_space<vmem>>
    %dma_start3A_491 = arith.constant 0 : i32
    %dma_start3A_492 = arith.constant 0 : i32
    %dma_start3A_493 = tpu.memref_slice %arg4[%select_n3A_466, %select_n3A_482, %dma_start3A_491, %dma_start3A_492] : memref<1024x10x50x64xf32, #tpu.memory_space<hbm>> -> memref<1x1x50x64xf32, #tpu.memory_space<hbm>>
    %dma_start3A_494 = tpu.memref_squeeze %dma_start3A_493 : memref<1x1x50x64xf32, #tpu.memory_space<hbm>> -> memref<50x64xf32, #tpu.memory_space<hbm>>
    %dma_start3A_495 = arith.constant 0 : i32
    %dma_start3A_496 = arith.constant 0 : i32
    %dma_start3A_497 = tpu.memref_slice %arg4[%select_n3A_466, %select_n3A_482, %dma_start3A_495, %dma_start3A_496] : memref<1024x10x50x64xf32, #tpu.memory_space<hbm>> -> memref<1x1x50x64xf32, #tpu.memory_space<hbm>>
    %dma_start3A_498 = tpu.memref_squeeze %dma_start3A_497 : memref<1x1x50x64xf32, #tpu.memory_space<hbm>> -> memref<50x64xf32, #tpu.memory_space<hbm>>
    %dma_start3A_499 = arith.constant 0 : i32
    %dma_start3A_500 = arith.constant 0 : i32
    %dma_start3A_501 = tpu.memref_slice %arg6[%dma_start3A_483, %dma_start3A_499, %dma_start3A_500] : memref<5x100x64xf32, #tpu.memory_space<vmem>> -> memref<1x100x64xf32, #tpu.memory_space<vmem>>
    %dma_start3A_502 = tpu.memref_squeeze %dma_start3A_501 : memref<1x100x64xf32, #tpu.memory_space<vmem>> -> memref<100x64xf32, #tpu.memory_space<vmem>>
    %dma_start3A_503 = arith.constant 50 : i32
    %dma_start3A_504 = arith.constant 0 : i32
    %dma_start3A_505 = tpu.memref_slice %dma_start3A_502[%dma_start3A_503, %dma_start3A_504] : memref<100x64xf32, #tpu.memory_space<vmem>> -> memref<50x64xf32, #tpu.memory_space<vmem>>
    tpu.enqueue_dma source(%dma_start3A_505 : memref<50x64xf32, #tpu.memory_space<vmem>>) target(%dma_start3A_498 : memref<50x64xf32, #tpu.memory_space<hbm>>) target_semaphore(%arg14 : memref<!tpu.dma_semaphore, #tpu.memory_space<semaphore_mem>>)
    %dma_wait3A_506 = arith.constant 158 : i32
    %dma_wait3A_507 = arith.constant 3 : i32
    %dma_wait3A_508 = arith.constant 0 : i32
    %dma_wait3A_509 = arith.constant 0 : i32
    %dma_wait3A_510 = tpu.memref_slice %arg6[%dma_wait3A_507, %dma_wait3A_508, %dma_wait3A_509] : memref<5x100x64xf32, #tpu.memory_space<vmem>> -> memref<1x100x64xf32, #tpu.memory_space<vmem>>
    %dma_wait3A_511 = tpu.memref_squeeze %dma_wait3A_510 : memref<1x100x64xf32, #tpu.memory_space<vmem>> -> memref<100x64xf32, #tpu.memory_space<vmem>>
    %dma_wait3A_512 = arith.constant 0 : i32
    %dma_wait3A_513 = tpu.memref_slice %arg5[%dma_wait3A_506, %dma_wait3A_512] : memref<160x100xi32, #tpu.memory_space<vmem>> -> memref<1x100xi32, #tpu.memory_space<vmem>>
    %dma_wait3A_514 = tpu.memref_squeeze %dma_wait3A_513 : memref<1x100xi32, #tpu.memory_space<vmem>> -> memref<100xi32, #tpu.memory_space<vmem>>
    %dma_wait3A_515 = arith.constant 0 : i32
    %dma_wait3A_516 = arith.constant 0 : i32
    %dma_wait3A_517 = tpu.memref_slice %arg3[%dma_wait3A_515, %dma_wait3A_516] : memref<1000000x64xf32, #tpu.memory_space<hbm>> -> memref<1000000x64xf32, #tpu.memory_space<hbm>>
    tpu.wait_indirect_dma semaphore(%arg10 : memref<!tpu.dma_semaphore, #tpu.memory_space<semaphore_mem>>) src(%dma_wait3A_517 : memref<1000000x64xf32, #tpu.memory_space<hbm>>) dst(%dma_wait3A_511 : memref<100x64xf32, #tpu.memory_space<vmem>>)
    %add3A_518 = arith.constant 158 : i32
    %add3A_519 = arith.addi %mul3A_2, %add3A_518 : i32
    %mul3A_520 = arith.constant 2 : i32
    %mul3A_521 = arith.muli %mul3A_520, %add3A_519 : i32
    %add3A_522 = arith.constant 0 : i32
    %add3A_523 = arith.addi %mul3A_521, %add3A_522 : i32
    %jit3A_524 = arith.constant 10 : i32
    %div3A_525 = arith.divsi %add3A_523, %jit3A_524 : i32
    %sign3A_526 = arith.constant 0 : i32
    %sign3A_527 = arith.cmpi sgt, %add3A_523, %sign3A_526 : i32
    %sign3A_528 = arith.extui %sign3A_527 : i1 to i32
    %sign3A_529 = arith.constant 0 : i32
    %sign3A_530 = arith.cmpi slt, %add3A_523, %sign3A_529 : i32
    %sign3A_531 = arith.extui %sign3A_530 : i1 to i32
    %sign3A_532 = arith.subi %sign3A_528, %sign3A_531 : i32
    %sign3A_533 = arith.constant 0 : i32
    %sign3A_534 = arith.cmpi sgt, %jit3A_524, %sign3A_533 : i32
    %sign3A_535 = arith.extui %sign3A_534 : i1 to i32
    %sign3A_536 = arith.constant 0 : i32
    %sign3A_537 = arith.cmpi slt, %jit3A_524, %sign3A_536 : i32
    %sign3A_538 = arith.extui %sign3A_537 : i1 to i32
    %sign3A_539 = arith.subi %sign3A_535, %sign3A_538 : i32
    %ne3A_540 = arith.cmpi ne, %sign3A_532, %sign3A_539 : i32
    %rem3A_541 = arith.remsi %add3A_523, %jit3A_524 : i32
    %ne3A_542 = arith.constant 0 : i32
    %ne3A_543 = arith.cmpi ne, %rem3A_541, %ne3A_542 : i32
    %and3A_544 = arith.andi %ne3A_540, %ne3A_543 : i1
    %sub3A_545 = arith.constant 1 : i32
    %sub3A_546 = arith.subi %div3A_525, %sub3A_545 : i32
    %select_n3A_547 = arith.select %and3A_544, %sub3A_546, %div3A_525 : i32
    %jit3A_548 = arith.constant 10 : i32
    %eq3A_549 = arith.constant 0 : i32
    %eq3A_550 = arith.cmpi eq, %jit3A_548, %eq3A_549 : i32
    %jit3A_551 = arith.constant 1 : i32
    %select_n3A_552 = arith.select %eq3A_550, %jit3A_551, %jit3A_548 : i32
    %rem3A_553 = arith.remsi %add3A_523, %select_n3A_552 : i32
    %ne3A_554 = arith.constant 0 : i32
    %ne3A_555 = arith.cmpi ne, %rem3A_553, %ne3A_554 : i32
    %lt3A_556 = arith.constant 0 : i32
    %lt3A_557 = arith.cmpi slt, %rem3A_553, %lt3A_556 : i32
    %lt3A_558 = arith.constant 0 : i32
    %lt3A_559 = arith.cmpi slt, %select_n3A_552, %lt3A_558 : i32
    %ne3A_560 = arith.xori %lt3A_557, %lt3A_559 : i1
    %and3A_561 = arith.andi %ne3A_560, %ne3A_555 : i1
    %add3A_562 = arith.addi %rem3A_553, %select_n3A_552 : i32
    %select_n3A_563 = arith.select %and3A_561, %add3A_562, %rem3A_553 : i32
    %dma_start3A_564 = arith.constant 3 : i32
    %dma_start3A_565 = arith.constant 0 : i32
    %dma_start3A_566 = arith.constant 0 : i32
    %dma_start3A_567 = tpu.memref_slice %arg6[%dma_start3A_564, %dma_start3A_565, %dma_start3A_566] : memref<5x100x64xf32, #tpu.memory_space<vmem>> -> memref<1x100x64xf32, #tpu.memory_space<vmem>>
    %dma_start3A_568 = tpu.memref_squeeze %dma_start3A_567 : memref<1x100x64xf32, #tpu.memory_space<vmem>> -> memref<100x64xf32, #tpu.memory_space<vmem>>
    %dma_start3A_569 = arith.constant 0 : i32
    %dma_start3A_570 = arith.constant 0 : i32
    %dma_start3A_571 = tpu.memref_slice %dma_start3A_568[%dma_start3A_569, %dma_start3A_570] : memref<100x64xf32, #tpu.memory_space<vmem>> -> memref<50x64xf32, #tpu.memory_space<vmem>>
    %dma_start3A_572 = arith.constant 0 : i32
    %dma_start3A_573 = arith.constant 0 : i32
    %dma_start3A_574 = tpu.memref_slice %arg4[%select_n3A_547, %select_n3A_563, %dma_start3A_572, %dma_start3A_573] : memref<1024x10x50x64xf32, #tpu.memory_space<hbm>> -> memref<1x1x50x64xf32, #tpu.memory_space<hbm>>
    %dma_start3A_575 = tpu.memref_squeeze %dma_start3A_574 : memref<1x1x50x64xf32, #tpu.memory_space<hbm>> -> memref<50x64xf32, #tpu.memory_space<hbm>>
    %dma_start3A_576 = arith.constant 0 : i32
    %dma_start3A_577 = arith.constant 0 : i32
    %dma_start3A_578 = tpu.memref_slice %arg4[%select_n3A_547, %select_n3A_563, %dma_start3A_576, %dma_start3A_577] : memref<1024x10x50x64xf32, #tpu.memory_space<hbm>> -> memref<1x1x50x64xf32, #tpu.memory_space<hbm>>
    %dma_start3A_579 = tpu.memref_squeeze %dma_start3A_578 : memref<1x1x50x64xf32, #tpu.memory_space<hbm>> -> memref<50x64xf32, #tpu.memory_space<hbm>>
    %dma_start3A_580 = arith.constant 0 : i32
    %dma_start3A_581 = arith.constant 0 : i32
    %dma_start3A_582 = tpu.memref_slice %arg6[%dma_start3A_564, %dma_start3A_580, %dma_start3A_581] : memref<5x100x64xf32, #tpu.memory_space<vmem>> -> memref<1x100x64xf32, #tpu.memory_space<vmem>>
    %dma_start3A_583 = tpu.memref_squeeze %dma_start3A_582 : memref<1x100x64xf32, #tpu.memory_space<vmem>> -> memref<100x64xf32, #tpu.memory_space<vmem>>
    %dma_start3A_584 = arith.constant 0 : i32
    %dma_start3A_585 = arith.constant 0 : i32
    %dma_start3A_586 = tpu.memref_slice %dma_start3A_583[%dma_start3A_584, %dma_start3A_585] : memref<100x64xf32, #tpu.memory_space<vmem>> -> memref<50x64xf32, #tpu.memory_space<vmem>>
    tpu.enqueue_dma source(%dma_start3A_586 : memref<50x64xf32, #tpu.memory_space<vmem>>) target(%dma_start3A_579 : memref<50x64xf32, #tpu.memory_space<hbm>>) target_semaphore(%arg15 : memref<!tpu.dma_semaphore, #tpu.memory_space<semaphore_mem>>)
    %add3A_587 = arith.constant 158 : i32
    %add3A_588 = arith.addi %mul3A_2, %add3A_587 : i32
    %mul3A_589 = arith.constant 2 : i32
    %mul3A_590 = arith.muli %mul3A_589, %add3A_588 : i32
    %add3A_591 = arith.constant 1 : i32
    %add3A_592 = arith.addi %mul3A_590, %add3A_591 : i32
    %jit3A_593 = arith.constant 10 : i32
    %div3A_594 = arith.divsi %add3A_592, %jit3A_593 : i32
    %sign3A_595 = arith.constant 0 : i32
    %sign3A_596 = arith.cmpi sgt, %add3A_592, %sign3A_595 : i32
    %sign3A_597 = arith.extui %sign3A_596 : i1 to i32
    %sign3A_598 = arith.constant 0 : i32
    %sign3A_599 = arith.cmpi slt, %add3A_592, %sign3A_598 : i32
    %sign3A_600 = arith.extui %sign3A_599 : i1 to i32
    %sign3A_601 = arith.subi %sign3A_597, %sign3A_600 : i32
    %sign3A_602 = arith.constant 0 : i32
    %sign3A_603 = arith.cmpi sgt, %jit3A_593, %sign3A_602 : i32
    %sign3A_604 = arith.extui %sign3A_603 : i1 to i32
    %sign3A_605 = arith.constant 0 : i32
    %sign3A_606 = arith.cmpi slt, %jit3A_593, %sign3A_605 : i32
    %sign3A_607 = arith.extui %sign3A_606 : i1 to i32
    %sign3A_608 = arith.subi %sign3A_604, %sign3A_607 : i32
    %ne3A_609 = arith.cmpi ne, %sign3A_601, %sign3A_608 : i32
    %rem3A_610 = arith.remsi %add3A_592, %jit3A_593 : i32
    %ne3A_611 = arith.constant 0 : i32
    %ne3A_612 = arith.cmpi ne, %rem3A_610, %ne3A_611 : i32
    %and3A_613 = arith.andi %ne3A_609, %ne3A_612 : i1
    %sub3A_614 = arith.constant 1 : i32
    %sub3A_615 = arith.subi %div3A_594, %sub3A_614 : i32
    %select_n3A_616 = arith.select %and3A_613, %sub3A_615, %div3A_594 : i32
    %jit3A_617 = arith.constant 10 : i32
    %eq3A_618 = arith.constant 0 : i32
    %eq3A_619 = arith.cmpi eq, %jit3A_617, %eq3A_618 : i32
    %jit3A_620 = arith.constant 1 : i32
    %select_n3A_621 = arith.select %eq3A_619, %jit3A_620, %jit3A_617 : i32
    %rem3A_622 = arith.remsi %add3A_592, %select_n3A_621 : i32
    %ne3A_623 = arith.constant 0 : i32
    %ne3A_624 = arith.cmpi ne, %rem3A_622, %ne3A_623 : i32
    %lt3A_625 = arith.constant 0 : i32
    %lt3A_626 = arith.cmpi slt, %rem3A_622, %lt3A_625 : i32
    %lt3A_627 = arith.constant 0 : i32
    %lt3A_628 = arith.cmpi slt, %select_n3A_621, %lt3A_627 : i32
    %ne3A_629 = arith.xori %lt3A_626, %lt3A_628 : i1
    %and3A_630 = arith.andi %ne3A_629, %ne3A_624 : i1
    %add3A_631 = arith.addi %rem3A_622, %select_n3A_621 : i32
    %select_n3A_632 = arith.select %and3A_630, %add3A_631, %rem3A_622 : i32
    %dma_start3A_633 = arith.constant 3 : i32
    %dma_start3A_634 = arith.constant 0 : i32
    %dma_start3A_635 = arith.constant 0 : i32
    %dma_start3A_636 = tpu.memref_slice %arg6[%dma_start3A_633, %dma_start3A_634, %dma_start3A_635] : memref<5x100x64xf32, #tpu.memory_space<vmem>> -> memref<1x100x64xf32, #tpu.memory_space<vmem>>
    %dma_start3A_637 = tpu.memref_squeeze %dma_start3A_636 : memref<1x100x64xf32, #tpu.memory_space<vmem>> -> memref<100x64xf32, #tpu.memory_space<vmem>>
    %dma_start3A_638 = arith.constant 50 : i32
    %dma_start3A_639 = arith.constant 0 : i32
    %dma_start3A_640 = tpu.memref_slice %dma_start3A_637[%dma_start3A_638, %dma_start3A_639] : memref<100x64xf32, #tpu.memory_space<vmem>> -> memref<50x64xf32, #tpu.memory_space<vmem>>
    %dma_start3A_641 = arith.constant 0 : i32
    %dma_start3A_642 = arith.constant 0 : i32
    %dma_start3A_643 = tpu.memref_slice %arg4[%select_n3A_616, %select_n3A_632, %dma_start3A_641, %dma_start3A_642] : memref<1024x10x50x64xf32, #tpu.memory_space<hbm>> -> memref<1x1x50x64xf32, #tpu.memory_space<hbm>>
    %dma_start3A_644 = tpu.memref_squeeze %dma_start3A_643 : memref<1x1x50x64xf32, #tpu.memory_space<hbm>> -> memref<50x64xf32, #tpu.memory_space<hbm>>
    %dma_start3A_645 = arith.constant 0 : i32
    %dma_start3A_646 = arith.constant 0 : i32
    %dma_start3A_647 = tpu.memref_slice %arg4[%select_n3A_616, %select_n3A_632, %dma_start3A_645, %dma_start3A_646] : memref<1024x10x50x64xf32, #tpu.memory_space<hbm>> -> memref<1x1x50x64xf32, #tpu.memory_space<hbm>>
    %dma_start3A_648 = tpu.memref_squeeze %dma_start3A_647 : memref<1x1x50x64xf32, #tpu.memory_space<hbm>> -> memref<50x64xf32, #tpu.memory_space<hbm>>
    %dma_start3A_649 = arith.constant 0 : i32
    %dma_start3A_650 = arith.constant 0 : i32
    %dma_start3A_651 = tpu.memref_slice %arg6[%dma_start3A_633, %dma_start3A_649, %dma_start3A_650] : memref<5x100x64xf32, #tpu.memory_space<vmem>> -> memref<1x100x64xf32, #tpu.memory_space<vmem>>
    %dma_start3A_652 = tpu.memref_squeeze %dma_start3A_651 : memref<1x100x64xf32, #tpu.memory_space<vmem>> -> memref<100x64xf32, #tpu.memory_space<vmem>>
    %dma_start3A_653 = arith.constant 50 : i32
    %dma_start3A_654 = arith.constant 0 : i32
    %dma_start3A_655 = tpu.memref_slice %dma_start3A_652[%dma_start3A_653, %dma_start3A_654] : memref<100x64xf32, #tpu.memory_space<vmem>> -> memref<50x64xf32, #tpu.memory_space<vmem>>
    tpu.enqueue_dma source(%dma_start3A_655 : memref<50x64xf32, #tpu.memory_space<vmem>>) target(%dma_start3A_648 : memref<50x64xf32, #tpu.memory_space<hbm>>) target_semaphore(%arg15 : memref<!tpu.dma_semaphore, #tpu.memory_space<semaphore_mem>>)
    %dma_wait3A_656 = arith.constant 159 : i32
    %dma_wait3A_657 = arith.constant 4 : i32
    %dma_wait3A_658 = arith.constant 0 : i32
    %dma_wait3A_659 = arith.constant 0 : i32
    %dma_wait3A_660 = tpu.memref_slice %arg6[%dma_wait3A_657, %dma_wait3A_658, %dma_wait3A_659] : memref<5x100x64xf32, #tpu.memory_space<vmem>> -> memref<1x100x64xf32, #tpu.memory_space<vmem>>
    %dma_wait3A_661 = tpu.memref_squeeze %dma_wait3A_660 : memref<1x100x64xf32, #tpu.memory_space<vmem>> -> memref<100x64xf32, #tpu.memory_space<vmem>>
    %dma_wait3A_662 = arith.constant 0 : i32
    %dma_wait3A_663 = tpu.memref_slice %arg5[%dma_wait3A_656, %dma_wait3A_662] : memref<160x100xi32, #tpu.memory_space<vmem>> -> memref<1x100xi32, #tpu.memory_space<vmem>>
    %dma_wait3A_664 = tpu.memref_squeeze %dma_wait3A_663 : memref<1x100xi32, #tpu.memory_space<vmem>> -> memref<100xi32, #tpu.memory_space<vmem>>
    %dma_wait3A_665 = arith.constant 0 : i32
    %dma_wait3A_666 = arith.constant 0 : i32
    %dma_wait3A_667 = tpu.memref_slice %arg3[%dma_wait3A_665, %dma_wait3A_666] : memref<1000000x64xf32, #tpu.memory_space<hbm>> -> memref<1000000x64xf32, #tpu.memory_space<hbm>>
    tpu.wait_indirect_dma semaphore(%arg11 : memref<!tpu.dma_semaphore, #tpu.memory_space<semaphore_mem>>) src(%dma_wait3A_667 : memref<1000000x64xf32, #tpu.memory_space<hbm>>) dst(%dma_wait3A_661 : memref<100x64xf32, #tpu.memory_space<vmem>>)
    %add3A_668 = arith.constant 159 : i32
    %add3A_669 = arith.addi %mul3A_2, %add3A_668 : i32
    %mul3A_670 = arith.constant 2 : i32
    %mul3A_671 = arith.muli %mul3A_670, %add3A_669 : i32
    %add3A_672 = arith.constant 0 : i32
    %add3A_673 = arith.addi %mul3A_671, %add3A_672 : i32
    %jit3A_674 = arith.constant 10 : i32
    %div3A_675 = arith.divsi %add3A_673, %jit3A_674 : i32
    %sign3A_676 = arith.constant 0 : i32
    %sign3A_677 = arith.cmpi sgt, %add3A_673, %sign3A_676 : i32
    %sign3A_678 = arith.extui %sign3A_677 : i1 to i32
    %sign3A_679 = arith.constant 0 : i32
    %sign3A_680 = arith.cmpi slt, %add3A_673, %sign3A_679 : i32
    %sign3A_681 = arith.extui %sign3A_680 : i1 to i32
    %sign3A_682 = arith.subi %sign3A_678, %sign3A_681 : i32
    %sign3A_683 = arith.constant 0 : i32
    %sign3A_684 = arith.cmpi sgt, %jit3A_674, %sign3A_683 : i32
    %sign3A_685 = arith.extui %sign3A_684 : i1 to i32
    %sign3A_686 = arith.constant 0 : i32
    %sign3A_687 = arith.cmpi slt, %jit3A_674, %sign3A_686 : i32
    %sign3A_688 = arith.extui %sign3A_687 : i1 to i32
    %sign3A_689 = arith.subi %sign3A_685, %sign3A_688 : i32
    %ne3A_690 = arith.cmpi ne, %sign3A_682, %sign3A_689 : i32
    %rem3A_691 = arith.remsi %add3A_673, %jit3A_674 : i32
    %ne3A_692 = arith.constant 0 : i32
    %ne3A_693 = arith.cmpi ne, %rem3A_691, %ne3A_692 : i32
    %and3A_694 = arith.andi %ne3A_690, %ne3A_693 : i1
    %sub3A_695 = arith.constant 1 : i32
    %sub3A_696 = arith.subi %div3A_675, %sub3A_695 : i32
    %select_n3A_697 = arith.select %and3A_694, %sub3A_696, %div3A_675 : i32
    %jit3A_698 = arith.constant 10 : i32
    %eq3A_699 = arith.constant 0 : i32
    %eq3A_700 = arith.cmpi eq, %jit3A_698, %eq3A_699 : i32
    %jit3A_701 = arith.constant 1 : i32
    %select_n3A_702 = arith.select %eq3A_700, %jit3A_701, %jit3A_698 : i32
    %rem3A_703 = arith.remsi %add3A_673, %select_n3A_702 : i32
    %ne3A_704 = arith.constant 0 : i32
    %ne3A_705 = arith.cmpi ne, %rem3A_703, %ne3A_704 : i32
    %lt3A_706 = arith.constant 0 : i32
    %lt3A_707 = arith.cmpi slt, %rem3A_703, %lt3A_706 : i32
    %lt3A_708 = arith.constant 0 : i32
    %lt3A_709 = arith.cmpi slt, %select_n3A_702, %lt3A_708 : i32
    %ne3A_710 = arith.xori %lt3A_707, %lt3A_709 : i1
    %and3A_711 = arith.andi %ne3A_710, %ne3A_705 : i1
    %add3A_712 = arith.addi %rem3A_703, %select_n3A_702 : i32
    %select_n3A_713 = arith.select %and3A_711, %add3A_712, %rem3A_703 : i32
    %dma_start3A_714 = arith.constant 4 : i32
    %dma_start3A_715 = arith.constant 0 : i32
    %dma_start3A_716 = arith.constant 0 : i32
    %dma_start3A_717 = tpu.memref_slice %arg6[%dma_start3A_714, %dma_start3A_715, %dma_start3A_716] : memref<5x100x64xf32, #tpu.memory_space<vmem>> -> memref<1x100x64xf32, #tpu.memory_space<vmem>>
    %dma_start3A_718 = tpu.memref_squeeze %dma_start3A_717 : memref<1x100x64xf32, #tpu.memory_space<vmem>> -> memref<100x64xf32, #tpu.memory_space<vmem>>
    %dma_start3A_719 = arith.constant 0 : i32
    %dma_start3A_720 = arith.constant 0 : i32
    %dma_start3A_721 = tpu.memref_slice %dma_start3A_718[%dma_start3A_719, %dma_start3A_720] : memref<100x64xf32, #tpu.memory_space<vmem>> -> memref<50x64xf32, #tpu.memory_space<vmem>>
    %dma_start3A_722 = arith.constant 0 : i32
    %dma_start3A_723 = arith.constant 0 : i32
    %dma_start3A_724 = tpu.memref_slice %arg4[%select_n3A_697, %select_n3A_713, %dma_start3A_722, %dma_start3A_723] : memref<1024x10x50x64xf32, #tpu.memory_space<hbm>> -> memref<1x1x50x64xf32, #tpu.memory_space<hbm>>
    %dma_start3A_725 = tpu.memref_squeeze %dma_start3A_724 : memref<1x1x50x64xf32, #tpu.memory_space<hbm>> -> memref<50x64xf32, #tpu.memory_space<hbm>>
    %dma_start3A_726 = arith.constant 0 : i32
    %dma_start3A_727 = arith.constant 0 : i32
    %dma_start3A_728 = tpu.memref_slice %arg4[%select_n3A_697, %select_n3A_713, %dma_start3A_726, %dma_start3A_727] : memref<1024x10x50x64xf32, #tpu.memory_space<hbm>> -> memref<1x1x50x64xf32, #tpu.memory_space<hbm>>
    %dma_start3A_729 = tpu.memref_squeeze %dma_start3A_728 : memref<1x1x50x64xf32, #tpu.memory_space<hbm>> -> memref<50x64xf32, #tpu.memory_space<hbm>>
    %dma_start3A_730 = arith.constant 0 : i32
    %dma_start3A_731 = arith.constant 0 : i32
    %dma_start3A_732 = tpu.memref_slice %arg6[%dma_start3A_714, %dma_start3A_730, %dma_start3A_731] : memref<5x100x64xf32, #tpu.memory_space<vmem>> -> memref<1x100x64xf32, #tpu.memory_space<vmem>>
    %dma_start3A_733 = tpu.memref_squeeze %dma_start3A_732 : memref<1x100x64xf32, #tpu.memory_space<vmem>> -> memref<100x64xf32, #tpu.memory_space<vmem>>
    %dma_start3A_734 = arith.constant 0 : i32
    %dma_start3A_735 = arith.constant 0 : i32
    %dma_start3A_736 = tpu.memref_slice %dma_start3A_733[%dma_start3A_734, %dma_start3A_735] : memref<100x64xf32, #tpu.memory_space<vmem>> -> memref<50x64xf32, #tpu.memory_space<vmem>>
    tpu.enqueue_dma source(%dma_start3A_736 : memref<50x64xf32, #tpu.memory_space<vmem>>) target(%dma_start3A_729 : memref<50x64xf32, #tpu.memory_space<hbm>>) target_semaphore(%arg16 : memref<!tpu.dma_semaphore, #tpu.memory_space<semaphore_mem>>)
    %add3A_737 = arith.constant 159 : i32
    %add3A_738 = arith.addi %mul3A_2, %add3A_737 : i32
    %mul3A_739 = arith.constant 2 : i32
    %mul3A_740 = arith.muli %mul3A_739, %add3A_738 : i32
    %add3A_741 = arith.constant 1 : i32
    %add3A_742 = arith.addi %mul3A_740, %add3A_741 : i32
    %jit3A_743 = arith.constant 10 : i32
    %div3A_744 = arith.divsi %add3A_742, %jit3A_743 : i32
    %sign3A_745 = arith.constant 0 : i32
    %sign3A_746 = arith.cmpi sgt, %add3A_742, %sign3A_745 : i32
    %sign3A_747 = arith.extui %sign3A_746 : i1 to i32
    %sign3A_748 = arith.constant 0 : i32
    %sign3A_749 = arith.cmpi slt, %add3A_742, %sign3A_748 : i32
    %sign3A_750 = arith.extui %sign3A_749 : i1 to i32
    %sign3A_751 = arith.subi %sign3A_747, %sign3A_750 : i32
    %sign3A_752 = arith.constant 0 : i32
    %sign3A_753 = arith.cmpi sgt, %jit3A_743, %sign3A_752 : i32
    %sign3A_754 = arith.extui %sign3A_753 : i1 to i32
    %sign3A_755 = arith.constant 0 : i32
    %sign3A_756 = arith.cmpi slt, %jit3A_743, %sign3A_755 : i32
    %sign3A_757 = arith.extui %sign3A_756 : i1 to i32
    %sign3A_758 = arith.subi %sign3A_754, %sign3A_757 : i32
    %ne3A_759 = arith.cmpi ne, %sign3A_751, %sign3A_758 : i32
    %rem3A_760 = arith.remsi %add3A_742, %jit3A_743 : i32
    %ne3A_761 = arith.constant 0 : i32
    %ne3A_762 = arith.cmpi ne, %rem3A_760, %ne3A_761 : i32
    %and3A_763 = arith.andi %ne3A_759, %ne3A_762 : i1
    %sub3A_764 = arith.constant 1 : i32
    %sub3A_765 = arith.subi %div3A_744, %sub3A_764 : i32
    %select_n3A_766 = arith.select %and3A_763, %sub3A_765, %div3A_744 : i32
    %jit3A_767 = arith.constant 10 : i32
    %eq3A_768 = arith.constant 0 : i32
    %eq3A_769 = arith.cmpi eq, %jit3A_767, %eq3A_768 : i32
    %jit3A_770 = arith.constant 1 : i32
    %select_n3A_771 = arith.select %eq3A_769, %jit3A_770, %jit3A_767 : i32
    %rem3A_772 = arith.remsi %add3A_742, %select_n3A_771 : i32
    %ne3A_773 = arith.constant 0 : i32
    %ne3A_774 = arith.cmpi ne, %rem3A_772, %ne3A_773 : i32
    %lt3A_775 = arith.constant 0 : i32
    %lt3A_776 = arith.cmpi slt, %rem3A_772, %lt3A_775 : i32
    %lt3A_777 = arith.constant 0 : i32
    %lt3A_778 = arith.cmpi slt, %select_n3A_771, %lt3A_777 : i32
    %ne3A_779 = arith.xori %lt3A_776, %lt3A_778 : i1
    %and3A_780 = arith.andi %ne3A_779, %ne3A_774 : i1
    %add3A_781 = arith.addi %rem3A_772, %select_n3A_771 : i32
    %select_n3A_782 = arith.select %and3A_780, %add3A_781, %rem3A_772 : i32
    %dma_start3A_783 = arith.constant 4 : i32
    %dma_start3A_784 = arith.constant 0 : i32
    %dma_start3A_785 = arith.constant 0 : i32
    %dma_start3A_786 = tpu.memref_slice %arg6[%dma_start3A_783, %dma_start3A_784, %dma_start3A_785] : memref<5x100x64xf32, #tpu.memory_space<vmem>> -> memref<1x100x64xf32, #tpu.memory_space<vmem>>
    %dma_start3A_787 = tpu.memref_squeeze %dma_start3A_786 : memref<1x100x64xf32, #tpu.memory_space<vmem>> -> memref<100x64xf32, #tpu.memory_space<vmem>>
    %dma_start3A_788 = arith.constant 50 : i32
    %dma_start3A_789 = arith.constant 0 : i32
    %dma_start3A_790 = tpu.memref_slice %dma_start3A_787[%dma_start3A_788, %dma_start3A_789] : memref<100x64xf32, #tpu.memory_space<vmem>> -> memref<50x64xf32, #tpu.memory_space<vmem>>
    %dma_start3A_791 = arith.constant 0 : i32
    %dma_start3A_792 = arith.constant 0 : i32
    %dma_start3A_793 = tpu.memref_slice %arg4[%select_n3A_766, %select_n3A_782, %dma_start3A_791, %dma_start3A_792] : memref<1024x10x50x64xf32, #tpu.memory_space<hbm>> -> memref<1x1x50x64xf32, #tpu.memory_space<hbm>>
    %dma_start3A_794 = tpu.memref_squeeze %dma_start3A_793 : memref<1x1x50x64xf32, #tpu.memory_space<hbm>> -> memref<50x64xf32, #tpu.memory_space<hbm>>
    %dma_start3A_795 = arith.constant 0 : i32
    %dma_start3A_796 = arith.constant 0 : i32
    %dma_start3A_797 = tpu.memref_slice %arg4[%select_n3A_766, %select_n3A_782, %dma_start3A_795, %dma_start3A_796] : memref<1024x10x50x64xf32, #tpu.memory_space<hbm>> -> memref<1x1x50x64xf32, #tpu.memory_space<hbm>>
    %dma_start3A_798 = tpu.memref_squeeze %dma_start3A_797 : memref<1x1x50x64xf32, #tpu.memory_space<hbm>> -> memref<50x64xf32, #tpu.memory_space<hbm>>
    %dma_start3A_799 = arith.constant 0 : i32
    %dma_start3A_800 = arith.constant 0 : i32
    %dma_start3A_801 = tpu.memref_slice %arg6[%dma_start3A_783, %dma_start3A_799, %dma_start3A_800] : memref<5x100x64xf32, #tpu.memory_space<vmem>> -> memref<1x100x64xf32, #tpu.memory_space<vmem>>
    %dma_start3A_802 = tpu.memref_squeeze %dma_start3A_801 : memref<1x100x64xf32, #tpu.memory_space<vmem>> -> memref<100x64xf32, #tpu.memory_space<vmem>>
    %dma_start3A_803 = arith.constant 50 : i32
    %dma_start3A_804 = arith.constant 0 : i32
    %dma_start3A_805 = tpu.memref_slice %dma_start3A_802[%dma_start3A_803, %dma_start3A_804] : memref<100x64xf32, #tpu.memory_space<vmem>> -> memref<50x64xf32, #tpu.memory_space<vmem>>
    tpu.enqueue_dma source(%dma_start3A_805 : memref<50x64xf32, #tpu.memory_space<vmem>>) target(%dma_start3A_798 : memref<50x64xf32, #tpu.memory_space<hbm>>) target_semaphore(%arg16 : memref<!tpu.dma_semaphore, #tpu.memory_space<semaphore_mem>>)
    %add3A_806 = arith.constant 155 : i32
    %add3A_807 = arith.addi %mul3A_2, %add3A_806 : i32
    %mul3A_808 = arith.constant 2 : i32
    %mul3A_809 = arith.muli %mul3A_808, %add3A_807 : i32
    %add3A_810 = arith.constant 0 : i32
    %add3A_811 = arith.addi %mul3A_809, %add3A_810 : i32
    %jit3A_812 = arith.constant 10 : i32
    %div3A_813 = arith.divsi %add3A_811, %jit3A_812 : i32
    %sign3A_814 = arith.constant 0 : i32
    %sign3A_815 = arith.cmpi sgt, %add3A_811, %sign3A_814 : i32
    %sign3A_816 = arith.extui %sign3A_815 : i1 to i32
    %sign3A_817 = arith.constant 0 : i32
    %sign3A_818 = arith.cmpi slt, %add3A_811, %sign3A_817 : i32
    %sign3A_819 = arith.extui %sign3A_818 : i1 to i32
    %sign3A_820 = arith.subi %sign3A_816, %sign3A_819 : i32
    %sign3A_821 = arith.constant 0 : i32
    %sign3A_822 = arith.cmpi sgt, %jit3A_812, %sign3A_821 : i32
    %sign3A_823 = arith.extui %sign3A_822 : i1 to i32
    %sign3A_824 = arith.constant 0 : i32
    %sign3A_825 = arith.cmpi slt, %jit3A_812, %sign3A_824 : i32
    %sign3A_826 = arith.extui %sign3A_825 : i1 to i32
    %sign3A_827 = arith.subi %sign3A_823, %sign3A_826 : i32
    %ne3A_828 = arith.cmpi ne, %sign3A_820, %sign3A_827 : i32
    %rem3A_829 = arith.remsi %add3A_811, %jit3A_812 : i32
    %ne3A_830 = arith.constant 0 : i32
    %ne3A_831 = arith.cmpi ne, %rem3A_829, %ne3A_830 : i32
    %and3A_832 = arith.andi %ne3A_828, %ne3A_831 : i1
    %sub3A_833 = arith.constant 1 : i32
    %sub3A_834 = arith.subi %div3A_813, %sub3A_833 : i32
    %select_n3A_835 = arith.select %and3A_832, %sub3A_834, %div3A_813 : i32
    %jit3A_836 = arith.constant 10 : i32
    %eq3A_837 = arith.constant 0 : i32
    %eq3A_838 = arith.cmpi eq, %jit3A_836, %eq3A_837 : i32
    %jit3A_839 = arith.constant 1 : i32
    %select_n3A_840 = arith.select %eq3A_838, %jit3A_839, %jit3A_836 : i32
    %rem3A_841 = arith.remsi %add3A_811, %select_n3A_840 : i32
    %ne3A_842 = arith.constant 0 : i32
    %ne3A_843 = arith.cmpi ne, %rem3A_841, %ne3A_842 : i32
    %lt3A_844 = arith.constant 0 : i32
    %lt3A_845 = arith.cmpi slt, %rem3A_841, %lt3A_844 : i32
    %lt3A_846 = arith.constant 0 : i32
    %lt3A_847 = arith.cmpi slt, %select_n3A_840, %lt3A_846 : i32
    %ne3A_848 = arith.xori %lt3A_845, %lt3A_847 : i1
    %and3A_849 = arith.andi %ne3A_848, %ne3A_843 : i1
    %add3A_850 = arith.addi %rem3A_841, %select_n3A_840 : i32
    %select_n3A_851 = arith.select %and3A_849, %add3A_850, %rem3A_841 : i32
    %dma_wait3A_852 = arith.constant 0 : i32
    %dma_wait3A_853 = arith.constant 0 : i32
    %dma_wait3A_854 = arith.constant 0 : i32
    %dma_wait3A_855 = tpu.memref_slice %arg6[%dma_wait3A_852, %dma_wait3A_853, %dma_wait3A_854] : memref<5x100x64xf32, #tpu.memory_space<vmem>> -> memref<1x100x64xf32, #tpu.memory_space<vmem>>
    %dma_wait3A_856 = tpu.memref_squeeze %dma_wait3A_855 : memref<1x100x64xf32, #tpu.memory_space<vmem>> -> memref<100x64xf32, #tpu.memory_space<vmem>>
    %dma_wait3A_857 = arith.constant 0 : i32
    %dma_wait3A_858 = arith.constant 0 : i32
    %dma_wait3A_859 = tpu.memref_slice %dma_wait3A_856[%dma_wait3A_857, %dma_wait3A_858] : memref<100x64xf32, #tpu.memory_space<vmem>> -> memref<50x64xf32, #tpu.memory_space<vmem>>
    %dma_wait3A_860 = arith.constant 0 : i32
    %dma_wait3A_861 = arith.constant 0 : i32
    %dma_wait3A_862 = tpu.memref_slice %arg4[%select_n3A_835, %select_n3A_851, %dma_wait3A_860, %dma_wait3A_861] : memref<1024x10x50x64xf32, #tpu.memory_space<hbm>> -> memref<1x1x50x64xf32, #tpu.memory_space<hbm>>
    %dma_wait3A_863 = tpu.memref_squeeze %dma_wait3A_862 : memref<1x1x50x64xf32, #tpu.memory_space<hbm>> -> memref<50x64xf32, #tpu.memory_space<hbm>>
    %dma_wait3A_864 = arith.constant 0 : i32
    %dma_wait3A_865 = arith.constant 0 : i32
    %dma_wait3A_866 = tpu.memref_slice %arg4[%select_n3A_835, %select_n3A_851, %dma_wait3A_864, %dma_wait3A_865] : memref<1024x10x50x64xf32, #tpu.memory_space<hbm>> -> memref<1x1x50x64xf32, #tpu.memory_space<hbm>>
    %dma_wait3A_867 = tpu.memref_squeeze %dma_wait3A_866 : memref<1x1x50x64xf32, #tpu.memory_space<hbm>> -> memref<50x64xf32, #tpu.memory_space<hbm>>
    %dma_wait3A_868 = arith.constant 0 : i32
    %dma_wait3A_869 = arith.constant 0 : i32
    %dma_wait3A_870 = tpu.memref_slice %arg6[%dma_wait3A_852, %dma_wait3A_868, %dma_wait3A_869] : memref<5x100x64xf32, #tpu.memory_space<vmem>> -> memref<1x100x64xf32, #tpu.memory_space<vmem>>
    %dma_wait3A_871 = tpu.memref_squeeze %dma_wait3A_870 : memref<1x100x64xf32, #tpu.memory_space<vmem>> -> memref<100x64xf32, #tpu.memory_space<vmem>>
    %dma_wait3A_872 = arith.constant 0 : i32
    %dma_wait3A_873 = arith.constant 0 : i32
    %dma_wait3A_874 = tpu.memref_slice %dma_wait3A_871[%dma_wait3A_872, %dma_wait3A_873] : memref<100x64xf32, #tpu.memory_space<vmem>> -> memref<50x64xf32, #tpu.memory_space<vmem>>
    tpu.wait_dma2 semaphore(%arg12 : memref<!tpu.dma_semaphore, #tpu.memory_space<semaphore_mem>>) src(%dma_wait3A_874 : memref<50x64xf32, #tpu.memory_space<vmem>>) dst(%dma_wait3A_867 : memref<50x64xf32, #tpu.memory_space<hbm>>)
    %add3A_875 = arith.constant 155 : i32
    %add3A_876 = arith.addi %mul3A_2, %add3A_875 : i32
    %mul3A_877 = arith.constant 2 : i32
    %mul3A_878 = arith.muli %mul3A_877, %add3A_876 : i32
    %add3A_879 = arith.constant 1 : i32
    %add3A_880 = arith.addi %mul3A_878, %add3A_879 : i32
    %jit3A_881 = arith.constant 10 : i32
    %div3A_882 = arith.divsi %add3A_880, %jit3A_881 : i32
    %sign3A_883 = arith.constant 0 : i32
    %sign3A_884 = arith.cmpi sgt, %add3A_880, %sign3A_883 : i32
    %sign3A_885 = arith.extui %sign3A_884 : i1 to i32
    %sign3A_886 = arith.constant 0 : i32
    %sign3A_887 = arith.cmpi slt, %add3A_880, %sign3A_886 : i32
    %sign3A_888 = arith.extui %sign3A_887 : i1 to i32
    %sign3A_889 = arith.subi %sign3A_885, %sign3A_888 : i32
    %sign3A_890 = arith.constant 0 : i32
    %sign3A_891 = arith.cmpi sgt, %jit3A_881, %sign3A_890 : i32
    %sign3A_892 = arith.extui %sign3A_891 : i1 to i32
    %sign3A_893 = arith.constant 0 : i32
    %sign3A_894 = arith.cmpi slt, %jit3A_881, %sign3A_893 : i32
    %sign3A_895 = arith.extui %sign3A_894 : i1 to i32
    %sign3A_896 = arith.subi %sign3A_892, %sign3A_895 : i32
    %ne3A_897 = arith.cmpi ne, %sign3A_889, %sign3A_896 : i32
    %rem3A_898 = arith.remsi %add3A_880, %jit3A_881 : i32
    %ne3A_899 = arith.constant 0 : i32
    %ne3A_900 = arith.cmpi ne, %rem3A_898, %ne3A_899 : i32
    %and3A_901 = arith.andi %ne3A_897, %ne3A_900 : i1
    %sub3A_902 = arith.constant 1 : i32
    %sub3A_903 = arith.subi %div3A_882, %sub3A_902 : i32
    %select_n3A_904 = arith.select %and3A_901, %sub3A_903, %div3A_882 : i32
    %jit3A_905 = arith.constant 10 : i32
    %eq3A_906 = arith.constant 0 : i32
    %eq3A_907 = arith.cmpi eq, %jit3A_905, %eq3A_906 : i32
    %jit3A_908 = arith.constant 1 : i32
    %select_n3A_909 = arith.select %eq3A_907, %jit3A_908, %jit3A_905 : i32
    %rem3A_910 = arith.remsi %add3A_880, %select_n3A_909 : i32
    %ne3A_911 = arith.constant 0 : i32
    %ne3A_912 = arith.cmpi ne, %rem3A_910, %ne3A_911 : i32
    %lt3A_913 = arith.constant 0 : i32
    %lt3A_914 = arith.cmpi slt, %rem3A_910, %lt3A_913 : i32
    %lt3A_915 = arith.constant 0 : i32
    %lt3A_916 = arith.cmpi slt, %select_n3A_909, %lt3A_915 : i32
    %ne3A_917 = arith.xori %lt3A_914, %lt3A_916 : i1
    %and3A_918 = arith.andi %ne3A_917, %ne3A_912 : i1
    %add3A_919 = arith.addi %rem3A_910, %select_n3A_909 : i32
    %select_n3A_920 = arith.select %and3A_918, %add3A_919, %rem3A_910 : i32
    %dma_wait3A_921 = arith.constant 0 : i32
    %dma_wait3A_922 = arith.constant 0 : i32
    %dma_wait3A_923 = arith.constant 0 : i32
    %dma_wait3A_924 = tpu.memref_slice %arg6[%dma_wait3A_921, %dma_wait3A_922, %dma_wait3A_923] : memref<5x100x64xf32, #tpu.memory_space<vmem>> -> memref<1x100x64xf32, #tpu.memory_space<vmem>>
    %dma_wait3A_925 = tpu.memref_squeeze %dma_wait3A_924 : memref<1x100x64xf32, #tpu.memory_space<vmem>> -> memref<100x64xf32, #tpu.memory_space<vmem>>
    %dma_wait3A_926 = arith.constant 50 : i32
    %dma_wait3A_927 = arith.constant 0 : i32
    %dma_wait3A_928 = tpu.memref_slice %dma_wait3A_925[%dma_wait3A_926, %dma_wait3A_927] : memref<100x64xf32, #tpu.memory_space<vmem>> -> memref<50x64xf32, #tpu.memory_space<vmem>>
    %dma_wait3A_929 = arith.constant 0 : i32
    %dma_wait3A_930 = arith.constant 0 : i32
    %dma_wait3A_931 = tpu.memref_slice %arg4[%select_n3A_904, %select_n3A_920, %dma_wait3A_929, %dma_wait3A_930] : memref<1024x10x50x64xf32, #tpu.memory_space<hbm>> -> memref<1x1x50x64xf32, #tpu.memory_space<hbm>>
    %dma_wait3A_932 = tpu.memref_squeeze %dma_wait3A_931 : memref<1x1x50x64xf32, #tpu.memory_space<hbm>> -> memref<50x64xf32, #tpu.memory_space<hbm>>
    %dma_wait3A_933 = arith.constant 0 : i32
    %dma_wait3A_934 = arith.constant 0 : i32
    %dma_wait3A_935 = tpu.memref_slice %arg4[%select_n3A_904, %select_n3A_920, %dma_wait3A_933, %dma_wait3A_934] : memref<1024x10x50x64xf32, #tpu.memory_space<hbm>> -> memref<1x1x50x64xf32, #tpu.memory_space<hbm>>
    %dma_wait3A_936 = tpu.memref_squeeze %dma_wait3A_935 : memref<1x1x50x64xf32, #tpu.memory_space<hbm>> -> memref<50x64xf32, #tpu.memory_space<hbm>>
    %dma_wait3A_937 = arith.constant 0 : i32
    %dma_wait3A_938 = arith.constant 0 : i32
    %dma_wait3A_939 = tpu.memref_slice %arg6[%dma_wait3A_921, %dma_wait3A_937, %dma_wait3A_938] : memref<5x100x64xf32, #tpu.memory_space<vmem>> -> memref<1x100x64xf32, #tpu.memory_space<vmem>>
    %dma_wait3A_940 = tpu.memref_squeeze %dma_wait3A_939 : memref<1x100x64xf32, #tpu.memory_space<vmem>> -> memref<100x64xf32, #tpu.memory_space<vmem>>
    %dma_wait3A_941 = arith.constant 50 : i32
    %dma_wait3A_942 = arith.constant 0 : i32
    %dma_wait3A_943 = tpu.memref_slice %dma_wait3A_940[%dma_wait3A_941, %dma_wait3A_942] : memref<100x64xf32, #tpu.memory_space<vmem>> -> memref<50x64xf32, #tpu.memory_space<vmem>>
    tpu.wait_dma2 semaphore(%arg12 : memref<!tpu.dma_semaphore, #tpu.memory_space<semaphore_mem>>) src(%dma_wait3A_943 : memref<50x64xf32, #tpu.memory_space<vmem>>) dst(%dma_wait3A_936 : memref<50x64xf32, #tpu.memory_space<hbm>>)
    %add3A_944 = arith.constant 156 : i32
    %add3A_945 = arith.addi %mul3A_2, %add3A_944 : i32
    %mul3A_946 = arith.constant 2 : i32
    %mul3A_947 = arith.muli %mul3A_946, %add3A_945 : i32
    %add3A_948 = arith.constant 0 : i32
    %add3A_949 = arith.addi %mul3A_947, %add3A_948 : i32
    %jit3A_950 = arith.constant 10 : i32
    %div3A_951 = arith.divsi %add3A_949, %jit3A_950 : i32
    %sign3A_952 = arith.constant 0 : i32
    %sign3A_953 = arith.cmpi sgt, %add3A_949, %sign3A_952 : i32
    %sign3A_954 = arith.extui %sign3A_953 : i1 to i32
    %sign3A_955 = arith.constant 0 : i32
    %sign3A_956 = arith.cmpi slt, %add3A_949, %sign3A_955 : i32
    %sign3A_957 = arith.extui %sign3A_956 : i1 to i32
    %sign3A_958 = arith.subi %sign3A_954, %sign3A_957 : i32
    %sign3A_959 = arith.constant 0 : i32
    %sign3A_960 = arith.cmpi sgt, %jit3A_950, %sign3A_959 : i32
    %sign3A_961 = arith.extui %sign3A_960 : i1 to i32
    %sign3A_962 = arith.constant 0 : i32
    %sign3A_963 = arith.cmpi slt, %jit3A_950, %sign3A_962 : i32
    %sign3A_964 = arith.extui %sign3A_963 : i1 to i32
    %sign3A_965 = arith.subi %sign3A_961, %sign3A_964 : i32
    %ne3A_966 = arith.cmpi ne, %sign3A_958, %sign3A_965 : i32
    %rem3A_967 = arith.remsi %add3A_949, %jit3A_950 : i32
    %ne3A_968 = arith.constant 0 : i32
    %ne3A_969 = arith.cmpi ne, %rem3A_967, %ne3A_968 : i32
    %and3A_970 = arith.andi %ne3A_966, %ne3A_969 : i1
    %sub3A_971 = arith.constant 1 : i32
    %sub3A_972 = arith.subi %div3A_951, %sub3A_971 : i32
    %select_n3A_973 = arith.select %and3A_970, %sub3A_972, %div3A_951 : i32
    %jit3A_974 = arith.constant 10 : i32
    %eq3A_975 = arith.constant 0 : i32
    %eq3A_976 = arith.cmpi eq, %jit3A_974, %eq3A_975 : i32
    %jit3A_977 = arith.constant 1 : i32
    %select_n3A_978 = arith.select %eq3A_976, %jit3A_977, %jit3A_974 : i32
    %rem3A_979 = arith.remsi %add3A_949, %select_n3A_978 : i32
    %ne3A_980 = arith.constant 0 : i32
    %ne3A_981 = arith.cmpi ne, %rem3A_979, %ne3A_980 : i32
    %lt3A_982 = arith.constant 0 : i32
    %lt3A_983 = arith.cmpi slt, %rem3A_979, %lt3A_982 : i32
    %lt3A_984 = arith.constant 0 : i32
    %lt3A_985 = arith.cmpi slt, %select_n3A_978, %lt3A_984 : i32
    %ne3A_986 = arith.xori %lt3A_983, %lt3A_985 : i1
    %and3A_987 = arith.andi %ne3A_986, %ne3A_981 : i1
    %add3A_988 = arith.addi %rem3A_979, %select_n3A_978 : i32
    %select_n3A_989 = arith.select %and3A_987, %add3A_988, %rem3A_979 : i32
    %dma_wait3A_990 = arith.constant 1 : i32
    %dma_wait3A_991 = arith.constant 0 : i32
    %dma_wait3A_992 = arith.constant 0 : i32
    %dma_wait3A_993 = tpu.memref_slice %arg6[%dma_wait3A_990, %dma_wait3A_991, %dma_wait3A_992] : memref<5x100x64xf32, #tpu.memory_space<vmem>> -> memref<1x100x64xf32, #tpu.memory_space<vmem>>
    %dma_wait3A_994 = tpu.memref_squeeze %dma_wait3A_993 : memref<1x100x64xf32, #tpu.memory_space<vmem>> -> memref<100x64xf32, #tpu.memory_space<vmem>>
    %dma_wait3A_995 = arith.constant 0 : i32
    %dma_wait3A_996 = arith.constant 0 : i32
    %dma_wait3A_997 = tpu.memref_slice %dma_wait3A_994[%dma_wait3A_995, %dma_wait3A_996] : memref<100x64xf32, #tpu.memory_space<vmem>> -> memref<50x64xf32, #tpu.memory_space<vmem>>
    %dma_wait3A_998 = arith.constant 0 : i32
    %dma_wait3A_999 = arith.constant 0 : i32
    %dma_wait3A_1000 = tpu.memref_slice %arg4[%select_n3A_973, %select_n3A_989, %dma_wait3A_998, %dma_wait3A_999] : memref<1024x10x50x64xf32, #tpu.memory_space<hbm>> -> memref<1x1x50x64xf32, #tpu.memory_space<hbm>>
    %dma_wait3A_1001 = tpu.memref_squeeze %dma_wait3A_1000 : memref<1x1x50x64xf32, #tpu.memory_space<hbm>> -> memref<50x64xf32, #tpu.memory_space<hbm>>
    %dma_wait3A_1002 = arith.constant 0 : i32
    %dma_wait3A_1003 = arith.constant 0 : i32
    %dma_wait3A_1004 = tpu.memref_slice %arg4[%select_n3A_973, %select_n3A_989, %dma_wait3A_1002, %dma_wait3A_1003] : memref<1024x10x50x64xf32, #tpu.memory_space<hbm>> -> memref<1x1x50x64xf32, #tpu.memory_space<hbm>>
    %dma_wait3A_1005 = tpu.memref_squeeze %dma_wait3A_1004 : memref<1x1x50x64xf32, #tpu.memory_space<hbm>> -> memref<50x64xf32, #tpu.memory_space<hbm>>
    %dma_wait3A_1006 = arith.constant 0 : i32
    %dma_wait3A_1007 = arith.constant 0 : i32
    %dma_wait3A_1008 = tpu.memref_slice %arg6[%dma_wait3A_990, %dma_wait3A_1006, %dma_wait3A_1007] : memref<5x100x64xf32, #tpu.memory_space<vmem>> -> memref<1x100x64xf32, #tpu.memory_space<vmem>>
    %dma_wait3A_1009 = tpu.memref_squeeze %dma_wait3A_1008 : memref<1x100x64xf32, #tpu.memory_space<vmem>> -> memref<100x64xf32, #tpu.memory_space<vmem>>
    %dma_wait3A_1010 = arith.constant 0 : i32
    %dma_wait3A_1011 = arith.constant 0 : i32
    %dma_wait3A_1012 = tpu.memref_slice %dma_wait3A_1009[%dma_wait3A_1010, %dma_wait3A_1011] : memref<100x64xf32, #tpu.memory_space<vmem>> -> memref<50x64xf32, #tpu.memory_space<vmem>>
    tpu.wait_dma2 semaphore(%arg13 : memref<!tpu.dma_semaphore, #tpu.memory_space<semaphore_mem>>) src(%dma_wait3A_1012 : memref<50x64xf32, #tpu.memory_space<vmem>>) dst(%dma_wait3A_1005 : memref<50x64xf32, #tpu.memory_space<hbm>>)
    %add3A_1013 = arith.constant 156 : i32
    %add3A_1014 = arith.addi %mul3A_2, %add3A_1013 : i32
    %mul3A_1015 = arith.constant 2 : i32
    %mul3A_1016 = arith.muli %mul3A_1015, %add3A_1014 : i32
    %add3A_1017 = arith.constant 1 : i32
    %add3A_1018 = arith.addi %mul3A_1016, %add3A_1017 : i32
    %jit3A_1019 = arith.constant 10 : i32
    %div3A_1020 = arith.divsi %add3A_1018, %jit3A_1019 : i32
    %sign3A_1021 = arith.constant 0 : i32
    %sign3A_1022 = arith.cmpi sgt, %add3A_1018, %sign3A_1021 : i32
    %sign3A_1023 = arith.extui %sign3A_1022 : i1 to i32
    %sign3A_1024 = arith.constant 0 : i32
    %sign3A_1025 = arith.cmpi slt, %add3A_1018, %sign3A_1024 : i32
    %sign3A_1026 = arith.extui %sign3A_1025 : i1 to i32
    %sign3A_1027 = arith.subi %sign3A_1023, %sign3A_1026 : i32
    %sign3A_1028 = arith.constant 0 : i32
    %sign3A_1029 = arith.cmpi sgt, %jit3A_1019, %sign3A_1028 : i32
    %sign3A_1030 = arith.extui %sign3A_1029 : i1 to i32
    %sign3A_1031 = arith.constant 0 : i32
    %sign3A_1032 = arith.cmpi slt, %jit3A_1019, %sign3A_1031 : i32
    %sign3A_1033 = arith.extui %sign3A_1032 : i1 to i32
    %sign3A_1034 = arith.subi %sign3A_1030, %sign3A_1033 : i32
    %ne3A_1035 = arith.cmpi ne, %sign3A_1027, %sign3A_1034 : i32
    %rem3A_1036 = arith.remsi %add3A_1018, %jit3A_1019 : i32
    %ne3A_1037 = arith.constant 0 : i32
    %ne3A_1038 = arith.cmpi ne, %rem3A_1036, %ne3A_1037 : i32
    %and3A_1039 = arith.andi %ne3A_1035, %ne3A_1038 : i1
    %sub3A_1040 = arith.constant 1 : i32
    %sub3A_1041 = arith.subi %div3A_1020, %sub3A_1040 : i32
    %select_n3A_1042 = arith.select %and3A_1039, %sub3A_1041, %div3A_1020 : i32
    %jit3A_1043 = arith.constant 10 : i32
    %eq3A_1044 = arith.constant 0 : i32
    %eq3A_1045 = arith.cmpi eq, %jit3A_1043, %eq3A_1044 : i32
    %jit3A_1046 = arith.constant 1 : i32
    %select_n3A_1047 = arith.select %eq3A_1045, %jit3A_1046, %jit3A_1043 : i32
    %rem3A_1048 = arith.remsi %add3A_1018, %select_n3A_1047 : i32
    %ne3A_1049 = arith.constant 0 : i32
    %ne3A_1050 = arith.cmpi ne, %rem3A_1048, %ne3A_1049 : i32
    %lt3A_1051 = arith.constant 0 : i32
    %lt3A_1052 = arith.cmpi slt, %rem3A_1048, %lt3A_1051 : i32
    %lt3A_1053 = arith.constant 0 : i32
    %lt3A_1054 = arith.cmpi slt, %select_n3A_1047, %lt3A_1053 : i32
    %ne3A_1055 = arith.xori %lt3A_1052, %lt3A_1054 : i1
    %and3A_1056 = arith.andi %ne3A_1055, %ne3A_1050 : i1
    %add3A_1057 = arith.addi %rem3A_1048, %select_n3A_1047 : i32
    %select_n3A_1058 = arith.select %and3A_1056, %add3A_1057, %rem3A_1048 : i32
    %dma_wait3A_1059 = arith.constant 1 : i32
    %dma_wait3A_1060 = arith.constant 0 : i32
    %dma_wait3A_1061 = arith.constant 0 : i32
    %dma_wait3A_1062 = tpu.memref_slice %arg6[%dma_wait3A_1059, %dma_wait3A_1060, %dma_wait3A_1061] : memref<5x100x64xf32, #tpu.memory_space<vmem>> -> memref<1x100x64xf32, #tpu.memory_space<vmem>>
    %dma_wait3A_1063 = tpu.memref_squeeze %dma_wait3A_1062 : memref<1x100x64xf32, #tpu.memory_space<vmem>> -> memref<100x64xf32, #tpu.memory_space<vmem>>
    %dma_wait3A_1064 = arith.constant 50 : i32
    %dma_wait3A_1065 = arith.constant 0 : i32
    %dma_wait3A_1066 = tpu.memref_slice %dma_wait3A_1063[%dma_wait3A_1064, %dma_wait3A_1065] : memref<100x64xf32, #tpu.memory_space<vmem>> -> memref<50x64xf32, #tpu.memory_space<vmem>>
    %dma_wait3A_1067 = arith.constant 0 : i32
    %dma_wait3A_1068 = arith.constant 0 : i32
    %dma_wait3A_1069 = tpu.memref_slice %arg4[%select_n3A_1042, %select_n3A_1058, %dma_wait3A_1067, %dma_wait3A_1068] : memref<1024x10x50x64xf32, #tpu.memory_space<hbm>> -> memref<1x1x50x64xf32, #tpu.memory_space<hbm>>
    %dma_wait3A_1070 = tpu.memref_squeeze %dma_wait3A_1069 : memref<1x1x50x64xf32, #tpu.memory_space<hbm>> -> memref<50x64xf32, #tpu.memory_space<hbm>>
    %dma_wait3A_1071 = arith.constant 0 : i32
    %dma_wait3A_1072 = arith.constant 0 : i32
    %dma_wait3A_1073 = tpu.memref_slice %arg4[%select_n3A_1042, %select_n3A_1058, %dma_wait3A_1071, %dma_wait3A_1072] : memref<1024x10x50x64xf32, #tpu.memory_space<hbm>> -> memref<1x1x50x64xf32, #tpu.memory_space<hbm>>
    %dma_wait3A_1074 = tpu.memref_squeeze %dma_wait3A_1073 : memref<1x1x50x64xf32, #tpu.memory_space<hbm>> -> memref<50x64xf32, #tpu.memory_space<hbm>>
    %dma_wait3A_1075 = arith.constant 0 : i32
    %dma_wait3A_1076 = arith.constant 0 : i32
    %dma_wait3A_1077 = tpu.memref_slice %arg6[%dma_wait3A_1059, %dma_wait3A_1075, %dma_wait3A_1076] : memref<5x100x64xf32, #tpu.memory_space<vmem>> -> memref<1x100x64xf32, #tpu.memory_space<vmem>>
    %dma_wait3A_1078 = tpu.memref_squeeze %dma_wait3A_1077 : memref<1x100x64xf32, #tpu.memory_space<vmem>> -> memref<100x64xf32, #tpu.memory_space<vmem>>
    %dma_wait3A_1079 = arith.constant 50 : i32
    %dma_wait3A_1080 = arith.constant 0 : i32
    %dma_wait3A_1081 = tpu.memref_slice %dma_wait3A_1078[%dma_wait3A_1079, %dma_wait3A_1080] : memref<100x64xf32, #tpu.memory_space<vmem>> -> memref<50x64xf32, #tpu.memory_space<vmem>>
    tpu.wait_dma2 semaphore(%arg13 : memref<!tpu.dma_semaphore, #tpu.memory_space<semaphore_mem>>) src(%dma_wait3A_1081 : memref<50x64xf32, #tpu.memory_space<vmem>>) dst(%dma_wait3A_1074 : memref<50x64xf32, #tpu.memory_space<hbm>>)
    %add3A_1082 = arith.constant 157 : i32
    %add3A_1083 = arith.addi %mul3A_2, %add3A_1082 : i32
    %mul3A_1084 = arith.constant 2 : i32
    %mul3A_1085 = arith.muli %mul3A_1084, %add3A_1083 : i32
    %add3A_1086 = arith.constant 0 : i32
    %add3A_1087 = arith.addi %mul3A_1085, %add3A_1086 : i32
    %jit3A_1088 = arith.constant 10 : i32
    %div3A_1089 = arith.divsi %add3A_1087, %jit3A_1088 : i32
    %sign3A_1090 = arith.constant 0 : i32
    %sign3A_1091 = arith.cmpi sgt, %add3A_1087, %sign3A_1090 : i32
    %sign3A_1092 = arith.extui %sign3A_1091 : i1 to i32
    %sign3A_1093 = arith.constant 0 : i32
    %sign3A_1094 = arith.cmpi slt, %add3A_1087, %sign3A_1093 : i32
    %sign3A_1095 = arith.extui %sign3A_1094 : i1 to i32
    %sign3A_1096 = arith.subi %sign3A_1092, %sign3A_1095 : i32
    %sign3A_1097 = arith.constant 0 : i32
    %sign3A_1098 = arith.cmpi sgt, %jit3A_1088, %sign3A_1097 : i32
    %sign3A_1099 = arith.extui %sign3A_1098 : i1 to i32
    %sign3A_1100 = arith.constant 0 : i32
    %sign3A_1101 = arith.cmpi slt, %jit3A_1088, %sign3A_1100 : i32
    %sign3A_1102 = arith.extui %sign3A_1101 : i1 to i32
    %sign3A_1103 = arith.subi %sign3A_1099, %sign3A_1102 : i32
    %ne3A_1104 = arith.cmpi ne, %sign3A_1096, %sign3A_1103 : i32
    %rem3A_1105 = arith.remsi %add3A_1087, %jit3A_1088 : i32
    %ne3A_1106 = arith.constant 0 : i32
    %ne3A_1107 = arith.cmpi ne, %rem3A_1105, %ne3A_1106 : i32
    %and3A_1108 = arith.andi %ne3A_1104, %ne3A_1107 : i1
    %sub3A_1109 = arith.constant 1 : i32
    %sub3A_1110 = arith.subi %div3A_1089, %sub3A_1109 : i32
    %select_n3A_1111 = arith.select %and3A_1108, %sub3A_1110, %div3A_1089 : i32
    %jit3A_1112 = arith.constant 10 : i32
    %eq3A_1113 = arith.constant 0 : i32
    %eq3A_1114 = arith.cmpi eq, %jit3A_1112, %eq3A_1113 : i32
    %jit3A_1115 = arith.constant 1 : i32
    %select_n3A_1116 = arith.select %eq3A_1114, %jit3A_1115, %jit3A_1112 : i32
    %rem3A_1117 = arith.remsi %add3A_1087, %select_n3A_1116 : i32
    %ne3A_1118 = arith.constant 0 : i32
    %ne3A_1119 = arith.cmpi ne, %rem3A_1117, %ne3A_1118 : i32
    %lt3A_1120 = arith.constant 0 : i32
    %lt3A_1121 = arith.cmpi slt, %rem3A_1117, %lt3A_1120 : i32
    %lt3A_1122 = arith.constant 0 : i32
    %lt3A_1123 = arith.cmpi slt, %select_n3A_1116, %lt3A_1122 : i32
    %ne3A_1124 = arith.xori %lt3A_1121, %lt3A_1123 : i1
    %and3A_1125 = arith.andi %ne3A_1124, %ne3A_1119 : i1
    %add3A_1126 = arith.addi %rem3A_1117, %select_n3A_1116 : i32
    %select_n3A_1127 = arith.select %and3A_1125, %add3A_1126, %rem3A_1117 : i32
    %dma_wait3A_1128 = arith.constant 2 : i32
    %dma_wait3A_1129 = arith.constant 0 : i32
    %dma_wait3A_1130 = arith.constant 0 : i32
    %dma_wait3A_1131 = tpu.memref_slice %arg6[%dma_wait3A_1128, %dma_wait3A_1129, %dma_wait3A_1130] : memref<5x100x64xf32, #tpu.memory_space<vmem>> -> memref<1x100x64xf32, #tpu.memory_space<vmem>>
    %dma_wait3A_1132 = tpu.memref_squeeze %dma_wait3A_1131 : memref<1x100x64xf32, #tpu.memory_space<vmem>> -> memref<100x64xf32, #tpu.memory_space<vmem>>
    %dma_wait3A_1133 = arith.constant 0 : i32
    %dma_wait3A_1134 = arith.constant 0 : i32
    %dma_wait3A_1135 = tpu.memref_slice %dma_wait3A_1132[%dma_wait3A_1133, %dma_wait3A_1134] : memref<100x64xf32, #tpu.memory_space<vmem>> -> memref<50x64xf32, #tpu.memory_space<vmem>>
    %dma_wait3A_1136 = arith.constant 0 : i32
    %dma_wait3A_1137 = arith.constant 0 : i32
    %dma_wait3A_1138 = tpu.memref_slice %arg4[%select_n3A_1111, %select_n3A_1127, %dma_wait3A_1136, %dma_wait3A_1137] : memref<1024x10x50x64xf32, #tpu.memory_space<hbm>> -> memref<1x1x50x64xf32, #tpu.memory_space<hbm>>
    %dma_wait3A_1139 = tpu.memref_squeeze %dma_wait3A_1138 : memref<1x1x50x64xf32, #tpu.memory_space<hbm>> -> memref<50x64xf32, #tpu.memory_space<hbm>>
    %dma_wait3A_1140 = arith.constant 0 : i32
    %dma_wait3A_1141 = arith.constant 0 : i32
    %dma_wait3A_1142 = tpu.memref_slice %arg4[%select_n3A_1111, %select_n3A_1127, %dma_wait3A_1140, %dma_wait3A_1141] : memref<1024x10x50x64xf32, #tpu.memory_space<hbm>> -> memref<1x1x50x64xf32, #tpu.memory_space<hbm>>
    %dma_wait3A_1143 = tpu.memref_squeeze %dma_wait3A_1142 : memref<1x1x50x64xf32, #tpu.memory_space<hbm>> -> memref<50x64xf32, #tpu.memory_space<hbm>>
    %dma_wait3A_1144 = arith.constant 0 : i32
    %dma_wait3A_1145 = arith.constant 0 : i32
    %dma_wait3A_1146 = tpu.memref_slice %arg6[%dma_wait3A_1128, %dma_wait3A_1144, %dma_wait3A_1145] : memref<5x100x64xf32, #tpu.memory_space<vmem>> -> memref<1x100x64xf32, #tpu.memory_space<vmem>>
    %dma_wait3A_1147 = tpu.memref_squeeze %dma_wait3A_1146 : memref<1x100x64xf32, #tpu.memory_space<vmem>> -> memref<100x64xf32, #tpu.memory_space<vmem>>
    %dma_wait3A_1148 = arith.constant 0 : i32
    %dma_wait3A_1149 = arith.constant 0 : i32
    %dma_wait3A_1150 = tpu.memref_slice %dma_wait3A_1147[%dma_wait3A_1148, %dma_wait3A_1149] : memref<100x64xf32, #tpu.memory_space<vmem>> -> memref<50x64xf32, #tpu.memory_space<vmem>>
    tpu.wait_dma2 semaphore(%arg14 : memref<!tpu.dma_semaphore, #tpu.memory_space<semaphore_mem>>) src(%dma_wait3A_1150 : memref<50x64xf32, #tpu.memory_space<vmem>>) dst(%dma_wait3A_1143 : memref<50x64xf32, #tpu.memory_space<hbm>>)
    %add3A_1151 = arith.constant 157 : i32
    %add3A_1152 = arith.addi %mul3A_2, %add3A_1151 : i32
    %mul3A_1153 = arith.constant 2 : i32
    %mul3A_1154 = arith.muli %mul3A_1153, %add3A_1152 : i32
    %add3A_1155 = arith.constant 1 : i32
    %add3A_1156 = arith.addi %mul3A_1154, %add3A_1155 : i32
    %jit3A_1157 = arith.constant 10 : i32
    %div3A_1158 = arith.divsi %add3A_1156, %jit3A_1157 : i32
    %sign3A_1159 = arith.constant 0 : i32
    %sign3A_1160 = arith.cmpi sgt, %add3A_1156, %sign3A_1159 : i32
    %sign3A_1161 = arith.extui %sign3A_1160 : i1 to i32
    %sign3A_1162 = arith.constant 0 : i32
    %sign3A_1163 = arith.cmpi slt, %add3A_1156, %sign3A_1162 : i32
    %sign3A_1164 = arith.extui %sign3A_1163 : i1 to i32
    %sign3A_1165 = arith.subi %sign3A_1161, %sign3A_1164 : i32
    %sign3A_1166 = arith.constant 0 : i32
    %sign3A_1167 = arith.cmpi sgt, %jit3A_1157, %sign3A_1166 : i32
    %sign3A_1168 = arith.extui %sign3A_1167 : i1 to i32
    %sign3A_1169 = arith.constant 0 : i32
    %sign3A_1170 = arith.cmpi slt, %jit3A_1157, %sign3A_1169 : i32
    %sign3A_1171 = arith.extui %sign3A_1170 : i1 to i32
    %sign3A_1172 = arith.subi %sign3A_1168, %sign3A_1171 : i32
    %ne3A_1173 = arith.cmpi ne, %sign3A_1165, %sign3A_1172 : i32
    %rem3A_1174 = arith.remsi %add3A_1156, %jit3A_1157 : i32
    %ne3A_1175 = arith.constant 0 : i32
    %ne3A_1176 = arith.cmpi ne, %rem3A_1174, %ne3A_1175 : i32
    %and3A_1177 = arith.andi %ne3A_1173, %ne3A_1176 : i1
    %sub3A_1178 = arith.constant 1 : i32
    %sub3A_1179 = arith.subi %div3A_1158, %sub3A_1178 : i32
    %select_n3A_1180 = arith.select %and3A_1177, %sub3A_1179, %div3A_1158 : i32
    %jit3A_1181 = arith.constant 10 : i32
    %eq3A_1182 = arith.constant 0 : i32
    %eq3A_1183 = arith.cmpi eq, %jit3A_1181, %eq3A_1182 : i32
    %jit3A_1184 = arith.constant 1 : i32
    %select_n3A_1185 = arith.select %eq3A_1183, %jit3A_1184, %jit3A_1181 : i32
    %rem3A_1186 = arith.remsi %add3A_1156, %select_n3A_1185 : i32
    %ne3A_1187 = arith.constant 0 : i32
    %ne3A_1188 = arith.cmpi ne, %rem3A_1186, %ne3A_1187 : i32
    %lt3A_1189 = arith.constant 0 : i32
    %lt3A_1190 = arith.cmpi slt, %rem3A_1186, %lt3A_1189 : i32
    %lt3A_1191 = arith.constant 0 : i32
    %lt3A_1192 = arith.cmpi slt, %select_n3A_1185, %lt3A_1191 : i32
    %ne3A_1193 = arith.xori %lt3A_1190, %lt3A_1192 : i1
    %and3A_1194 = arith.andi %ne3A_1193, %ne3A_1188 : i1
    %add3A_1195 = arith.addi %rem3A_1186, %select_n3A_1185 : i32
    %select_n3A_1196 = arith.select %and3A_1194, %add3A_1195, %rem3A_1186 : i32
    %dma_wait3A_1197 = arith.constant 2 : i32
    %dma_wait3A_1198 = arith.constant 0 : i32
    %dma_wait3A_1199 = arith.constant 0 : i32
    %dma_wait3A_1200 = tpu.memref_slice %arg6[%dma_wait3A_1197, %dma_wait3A_1198, %dma_wait3A_1199] : memref<5x100x64xf32, #tpu.memory_space<vmem>> -> memref<1x100x64xf32, #tpu.memory_space<vmem>>
    %dma_wait3A_1201 = tpu.memref_squeeze %dma_wait3A_1200 : memref<1x100x64xf32, #tpu.memory_space<vmem>> -> memref<100x64xf32, #tpu.memory_space<vmem>>
    %dma_wait3A_1202 = arith.constant 50 : i32
    %dma_wait3A_1203 = arith.constant 0 : i32
    %dma_wait3A_1204 = tpu.memref_slice %dma_wait3A_1201[%dma_wait3A_1202, %dma_wait3A_1203] : memref<100x64xf32, #tpu.memory_space<vmem>> -> memref<50x64xf32, #tpu.memory_space<vmem>>
    %dma_wait3A_1205 = arith.constant 0 : i32
    %dma_wait3A_1206 = arith.constant 0 : i32
    %dma_wait3A_1207 = tpu.memref_slice %arg4[%select_n3A_1180, %select_n3A_1196, %dma_wait3A_1205, %dma_wait3A_1206] : memref<1024x10x50x64xf32, #tpu.memory_space<hbm>> -> memref<1x1x50x64xf32, #tpu.memory_space<hbm>>
    %dma_wait3A_1208 = tpu.memref_squeeze %dma_wait3A_1207 : memref<1x1x50x64xf32, #tpu.memory_space<hbm>> -> memref<50x64xf32, #tpu.memory_space<hbm>>
    %dma_wait3A_1209 = arith.constant 0 : i32
    %dma_wait3A_1210 = arith.constant 0 : i32
    %dma_wait3A_1211 = tpu.memref_slice %arg4[%select_n3A_1180, %select_n3A_1196, %dma_wait3A_1209, %dma_wait3A_1210] : memref<1024x10x50x64xf32, #tpu.memory_space<hbm>> -> memref<1x1x50x64xf32, #tpu.memory_space<hbm>>
    %dma_wait3A_1212 = tpu.memref_squeeze %dma_wait3A_1211 : memref<1x1x50x64xf32, #tpu.memory_space<hbm>> -> memref<50x64xf32, #tpu.memory_space<hbm>>
    %dma_wait3A_1213 = arith.constant 0 : i32
    %dma_wait3A_1214 = arith.constant 0 : i32
    %dma_wait3A_1215 = tpu.memref_slice %arg6[%dma_wait3A_1197, %dma_wait3A_1213, %dma_wait3A_1214] : memref<5x100x64xf32, #tpu.memory_space<vmem>> -> memref<1x100x64xf32, #tpu.memory_space<vmem>>
    %dma_wait3A_1216 = tpu.memref_squeeze %dma_wait3A_1215 : memref<1x100x64xf32, #tpu.memory_space<vmem>> -> memref<100x64xf32, #tpu.memory_space<vmem>>
    %dma_wait3A_1217 = arith.constant 50 : i32
    %dma_wait3A_1218 = arith.constant 0 : i32
    %dma_wait3A_1219 = tpu.memref_slice %dma_wait3A_1216[%dma_wait3A_1217, %dma_wait3A_1218] : memref<100x64xf32, #tpu.memory_space<vmem>> -> memref<50x64xf32, #tpu.memory_space<vmem>>
    tpu.wait_dma2 semaphore(%arg14 : memref<!tpu.dma_semaphore, #tpu.memory_space<semaphore_mem>>) src(%dma_wait3A_1219 : memref<50x64xf32, #tpu.memory_space<vmem>>) dst(%dma_wait3A_1212 : memref<50x64xf32, #tpu.memory_space<hbm>>)
    %add3A_1220 = arith.constant 158 : i32
    %add3A_1221 = arith.addi %mul3A_2, %add3A_1220 : i32
    %mul3A_1222 = arith.constant 2 : i32
    %mul3A_1223 = arith.muli %mul3A_1222, %add3A_1221 : i32
    %add3A_1224 = arith.constant 0 : i32
    %add3A_1225 = arith.addi %mul3A_1223, %add3A_1224 : i32
    %jit3A_1226 = arith.constant 10 : i32
    %div3A_1227 = arith.divsi %add3A_1225, %jit3A_1226 : i32
    %sign3A_1228 = arith.constant 0 : i32
    %sign3A_1229 = arith.cmpi sgt, %add3A_1225, %sign3A_1228 : i32
    %sign3A_1230 = arith.extui %sign3A_1229 : i1 to i32
    %sign3A_1231 = arith.constant 0 : i32
    %sign3A_1232 = arith.cmpi slt, %add3A_1225, %sign3A_1231 : i32
    %sign3A_1233 = arith.extui %sign3A_1232 : i1 to i32
    %sign3A_1234 = arith.subi %sign3A_1230, %sign3A_1233 : i32
    %sign3A_1235 = arith.constant 0 : i32
    %sign3A_1236 = arith.cmpi sgt, %jit3A_1226, %sign3A_1235 : i32
    %sign3A_1237 = arith.extui %sign3A_1236 : i1 to i32
    %sign3A_1238 = arith.constant 0 : i32
    %sign3A_1239 = arith.cmpi slt, %jit3A_1226, %sign3A_1238 : i32
    %sign3A_1240 = arith.extui %sign3A_1239 : i1 to i32
    %sign3A_1241 = arith.subi %sign3A_1237, %sign3A_1240 : i32
    %ne3A_1242 = arith.cmpi ne, %sign3A_1234, %sign3A_1241 : i32
    %rem3A_1243 = arith.remsi %add3A_1225, %jit3A_1226 : i32
    %ne3A_1244 = arith.constant 0 : i32
    %ne3A_1245 = arith.cmpi ne, %rem3A_1243, %ne3A_1244 : i32
    %and3A_1246 = arith.andi %ne3A_1242, %ne3A_1245 : i1
    %sub3A_1247 = arith.constant 1 : i32
    %sub3A_1248 = arith.subi %div3A_1227, %sub3A_1247 : i32
    %select_n3A_1249 = arith.select %and3A_1246, %sub3A_1248, %div3A_1227 : i32
    %jit3A_1250 = arith.constant 10 : i32
    %eq3A_1251 = arith.constant 0 : i32
    %eq3A_1252 = arith.cmpi eq, %jit3A_1250, %eq3A_1251 : i32
    %jit3A_1253 = arith.constant 1 : i32
    %select_n3A_1254 = arith.select %eq3A_1252, %jit3A_1253, %jit3A_1250 : i32
    %rem3A_1255 = arith.remsi %add3A_1225, %select_n3A_1254 : i32
    %ne3A_1256 = arith.constant 0 : i32
    %ne3A_1257 = arith.cmpi ne, %rem3A_1255, %ne3A_1256 : i32
    %lt3A_1258 = arith.constant 0 : i32
    %lt3A_1259 = arith.cmpi slt, %rem3A_1255, %lt3A_1258 : i32
    %lt3A_1260 = arith.constant 0 : i32
    %lt3A_1261 = arith.cmpi slt, %select_n3A_1254, %lt3A_1260 : i32
    %ne3A_1262 = arith.xori %lt3A_1259, %lt3A_1261 : i1
    %and3A_1263 = arith.andi %ne3A_1262, %ne3A_1257 : i1
    %add3A_1264 = arith.addi %rem3A_1255, %select_n3A_1254 : i32
    %select_n3A_1265 = arith.select %and3A_1263, %add3A_1264, %rem3A_1255 : i32
    %dma_wait3A_1266 = arith.constant 3 : i32
    %dma_wait3A_1267 = arith.constant 0 : i32
    %dma_wait3A_1268 = arith.constant 0 : i32
    %dma_wait3A_1269 = tpu.memref_slice %arg6[%dma_wait3A_1266, %dma_wait3A_1267, %dma_wait3A_1268] : memref<5x100x64xf32, #tpu.memory_space<vmem>> -> memref<1x100x64xf32, #tpu.memory_space<vmem>>
    %dma_wait3A_1270 = tpu.memref_squeeze %dma_wait3A_1269 : memref<1x100x64xf32, #tpu.memory_space<vmem>> -> memref<100x64xf32, #tpu.memory_space<vmem>>
    %dma_wait3A_1271 = arith.constant 0 : i32
    %dma_wait3A_1272 = arith.constant 0 : i32
    %dma_wait3A_1273 = tpu.memref_slice %dma_wait3A_1270[%dma_wait3A_1271, %dma_wait3A_1272] : memref<100x64xf32, #tpu.memory_space<vmem>> -> memref<50x64xf32, #tpu.memory_space<vmem>>
    %dma_wait3A_1274 = arith.constant 0 : i32
    %dma_wait3A_1275 = arith.constant 0 : i32
    %dma_wait3A_1276 = tpu.memref_slice %arg4[%select_n3A_1249, %select_n3A_1265, %dma_wait3A_1274, %dma_wait3A_1275] : memref<1024x10x50x64xf32, #tpu.memory_space<hbm>> -> memref<1x1x50x64xf32, #tpu.memory_space<hbm>>
    %dma_wait3A_1277 = tpu.memref_squeeze %dma_wait3A_1276 : memref<1x1x50x64xf32, #tpu.memory_space<hbm>> -> memref<50x64xf32, #tpu.memory_space<hbm>>
    %dma_wait3A_1278 = arith.constant 0 : i32
    %dma_wait3A_1279 = arith.constant 0 : i32
    %dma_wait3A_1280 = tpu.memref_slice %arg4[%select_n3A_1249, %select_n3A_1265, %dma_wait3A_1278, %dma_wait3A_1279] : memref<1024x10x50x64xf32, #tpu.memory_space<hbm>> -> memref<1x1x50x64xf32, #tpu.memory_space<hbm>>
    %dma_wait3A_1281 = tpu.memref_squeeze %dma_wait3A_1280 : memref<1x1x50x64xf32, #tpu.memory_space<hbm>> -> memref<50x64xf32, #tpu.memory_space<hbm>>
    %dma_wait3A_1282 = arith.constant 0 : i32
    %dma_wait3A_1283 = arith.constant 0 : i32
    %dma_wait3A_1284 = tpu.memref_slice %arg6[%dma_wait3A_1266, %dma_wait3A_1282, %dma_wait3A_1283] : memref<5x100x64xf32, #tpu.memory_space<vmem>> -> memref<1x100x64xf32, #tpu.memory_space<vmem>>
    %dma_wait3A_1285 = tpu.memref_squeeze %dma_wait3A_1284 : memref<1x100x64xf32, #tpu.memory_space<vmem>> -> memref<100x64xf32, #tpu.memory_space<vmem>>
    %dma_wait3A_1286 = arith.constant 0 : i32
    %dma_wait3A_1287 = arith.constant 0 : i32
    %dma_wait3A_1288 = tpu.memref_slice %dma_wait3A_1285[%dma_wait3A_1286, %dma_wait3A_1287] : memref<100x64xf32, #tpu.memory_space<vmem>> -> memref<50x64xf32, #tpu.memory_space<vmem>>
    tpu.wait_dma2 semaphore(%arg15 : memref<!tpu.dma_semaphore, #tpu.memory_space<semaphore_mem>>) src(%dma_wait3A_1288 : memref<50x64xf32, #tpu.memory_space<vmem>>) dst(%dma_wait3A_1281 : memref<50x64xf32, #tpu.memory_space<hbm>>)
    %add3A_1289 = arith.constant 158 : i32
    %add3A_1290 = arith.addi %mul3A_2, %add3A_1289 : i32
    %mul3A_1291 = arith.constant 2 : i32
    %mul3A_1292 = arith.muli %mul3A_1291, %add3A_1290 : i32
    %add3A_1293 = arith.constant 1 : i32
    %add3A_1294 = arith.addi %mul3A_1292, %add3A_1293 : i32
    %jit3A_1295 = arith.constant 10 : i32
    %div3A_1296 = arith.divsi %add3A_1294, %jit3A_1295 : i32
    %sign3A_1297 = arith.constant 0 : i32
    %sign3A_1298 = arith.cmpi sgt, %add3A_1294, %sign3A_1297 : i32
    %sign3A_1299 = arith.extui %sign3A_1298 : i1 to i32
    %sign3A_1300 = arith.constant 0 : i32
    %sign3A_1301 = arith.cmpi slt, %add3A_1294, %sign3A_1300 : i32
    %sign3A_1302 = arith.extui %sign3A_1301 : i1 to i32
    %sign3A_1303 = arith.subi %sign3A_1299, %sign3A_1302 : i32
    %sign3A_1304 = arith.constant 0 : i32
    %sign3A_1305 = arith.cmpi sgt, %jit3A_1295, %sign3A_1304 : i32
    %sign3A_1306 = arith.extui %sign3A_1305 : i1 to i32
    %sign3A_1307 = arith.constant 0 : i32
    %sign3A_1308 = arith.cmpi slt, %jit3A_1295, %sign3A_1307 : i32
    %sign3A_1309 = arith.extui %sign3A_1308 : i1 to i32
    %sign3A_1310 = arith.subi %sign3A_1306, %sign3A_1309 : i32
    %ne3A_1311 = arith.cmpi ne, %sign3A_1303, %sign3A_1310 : i32
    %rem3A_1312 = arith.remsi %add3A_1294, %jit3A_1295 : i32
    %ne3A_1313 = arith.constant 0 : i32
    %ne3A_1314 = arith.cmpi ne, %rem3A_1312, %ne3A_1313 : i32
    %and3A_1315 = arith.andi %ne3A_1311, %ne3A_1314 : i1
    %sub3A_1316 = arith.constant 1 : i32
    %sub3A_1317 = arith.subi %div3A_1296, %sub3A_1316 : i32
    %select_n3A_1318 = arith.select %and3A_1315, %sub3A_1317, %div3A_1296 : i32
    %jit3A_1319 = arith.constant 10 : i32
    %eq3A_1320 = arith.constant 0 : i32
    %eq3A_1321 = arith.cmpi eq, %jit3A_1319, %eq3A_1320 : i32
    %jit3A_1322 = arith.constant 1 : i32
    %select_n3A_1323 = arith.select %eq3A_1321, %jit3A_1322, %jit3A_1319 : i32
    %rem3A_1324 = arith.remsi %add3A_1294, %select_n3A_1323 : i32
    %ne3A_1325 = arith.constant 0 : i32
    %ne3A_1326 = arith.cmpi ne, %rem3A_1324, %ne3A_1325 : i32
    %lt3A_1327 = arith.constant 0 : i32
    %lt3A_1328 = arith.cmpi slt, %rem3A_1324, %lt3A_1327 : i32
    %lt3A_1329 = arith.constant 0 : i32
    %lt3A_1330 = arith.cmpi slt, %select_n3A_1323, %lt3A_1329 : i32
    %ne3A_1331 = arith.xori %lt3A_1328, %lt3A_1330 : i1
    %and3A_1332 = arith.andi %ne3A_1331, %ne3A_1326 : i1
    %add3A_1333 = arith.addi %rem3A_1324, %select_n3A_1323 : i32
    %select_n3A_1334 = arith.select %and3A_1332, %add3A_1333, %rem3A_1324 : i32
    %dma_wait3A_1335 = arith.constant 3 : i32
    %dma_wait3A_1336 = arith.constant 0 : i32
    %dma_wait3A_1337 = arith.constant 0 : i32
    %dma_wait3A_1338 = tpu.memref_slice %arg6[%dma_wait3A_1335, %dma_wait3A_1336, %dma_wait3A_1337] : memref<5x100x64xf32, #tpu.memory_space<vmem>> -> memref<1x100x64xf32, #tpu.memory_space<vmem>>
    %dma_wait3A_1339 = tpu.memref_squeeze %dma_wait3A_1338 : memref<1x100x64xf32, #tpu.memory_space<vmem>> -> memref<100x64xf32, #tpu.memory_space<vmem>>
    %dma_wait3A_1340 = arith.constant 50 : i32
    %dma_wait3A_1341 = arith.constant 0 : i32
    %dma_wait3A_1342 = tpu.memref_slice %dma_wait3A_1339[%dma_wait3A_1340, %dma_wait3A_1341] : memref<100x64xf32, #tpu.memory_space<vmem>> -> memref<50x64xf32, #tpu.memory_space<vmem>>
    %dma_wait3A_1343 = arith.constant 0 : i32
    %dma_wait3A_1344 = arith.constant 0 : i32
    %dma_wait3A_1345 = tpu.memref_slice %arg4[%select_n3A_1318, %select_n3A_1334, %dma_wait3A_1343, %dma_wait3A_1344] : memref<1024x10x50x64xf32, #tpu.memory_space<hbm>> -> memref<1x1x50x64xf32, #tpu.memory_space<hbm>>
    %dma_wait3A_1346 = tpu.memref_squeeze %dma_wait3A_1345 : memref<1x1x50x64xf32, #tpu.memory_space<hbm>> -> memref<50x64xf32, #tpu.memory_space<hbm>>
    %dma_wait3A_1347 = arith.constant 0 : i32
    %dma_wait3A_1348 = arith.constant 0 : i32
    %dma_wait3A_1349 = tpu.memref_slice %arg4[%select_n3A_1318, %select_n3A_1334, %dma_wait3A_1347, %dma_wait3A_1348] : memref<1024x10x50x64xf32, #tpu.memory_space<hbm>> -> memref<1x1x50x64xf32, #tpu.memory_space<hbm>>
    %dma_wait3A_1350 = tpu.memref_squeeze %dma_wait3A_1349 : memref<1x1x50x64xf32, #tpu.memory_space<hbm>> -> memref<50x64xf32, #tpu.memory_space<hbm>>
    %dma_wait3A_1351 = arith.constant 0 : i32
    %dma_wait3A_1352 = arith.constant 0 : i32
    %dma_wait3A_1353 = tpu.memref_slice %arg6[%dma_wait3A_1335, %dma_wait3A_1351, %dma_wait3A_1352] : memref<5x100x64xf32, #tpu.memory_space<vmem>> -> memref<1x100x64xf32, #tpu.memory_space<vmem>>
    %dma_wait3A_1354 = tpu.memref_squeeze %dma_wait3A_1353 : memref<1x100x64xf32, #tpu.memory_space<vmem>> -> memref<100x64xf32, #tpu.memory_space<vmem>>
    %dma_wait3A_1355 = arith.constant 50 : i32
    %dma_wait3A_1356 = arith.constant 0 : i32
    %dma_wait3A_1357 = tpu.memref_slice %dma_wait3A_1354[%dma_wait3A_1355, %dma_wait3A_1356] : memref<100x64xf32, #tpu.memory_space<vmem>> -> memref<50x64xf32, #tpu.memory_space<vmem>>
    tpu.wait_dma2 semaphore(%arg15 : memref<!tpu.dma_semaphore, #tpu.memory_space<semaphore_mem>>) src(%dma_wait3A_1357 : memref<50x64xf32, #tpu.memory_space<vmem>>) dst(%dma_wait3A_1350 : memref<50x64xf32, #tpu.memory_space<hbm>>)
    %add3A_1358 = arith.constant 159 : i32
    %add3A_1359 = arith.addi %mul3A_2, %add3A_1358 : i32
    %mul3A_1360 = arith.constant 2 : i32
    %mul3A_1361 = arith.muli %mul3A_1360, %add3A_1359 : i32
    %add3A_1362 = arith.constant 0 : i32
    %add3A_1363 = arith.addi %mul3A_1361, %add3A_1362 : i32
    %jit3A_1364 = arith.constant 10 : i32
    %div3A_1365 = arith.divsi %add3A_1363, %jit3A_1364 : i32
    %sign3A_1366 = arith.constant 0 : i32
    %sign3A_1367 = arith.cmpi sgt, %add3A_1363, %sign3A_1366 : i32
    %sign3A_1368 = arith.extui %sign3A_1367 : i1 to i32
    %sign3A_1369 = arith.constant 0 : i32
    %sign3A_1370 = arith.cmpi slt, %add3A_1363, %sign3A_1369 : i32
    %sign3A_1371 = arith.extui %sign3A_1370 : i1 to i32
    %sign3A_1372 = arith.subi %sign3A_1368, %sign3A_1371 : i32
    %sign3A_1373 = arith.constant 0 : i32
    %sign3A_1374 = arith.cmpi sgt, %jit3A_1364, %sign3A_1373 : i32
    %sign3A_1375 = arith.extui %sign3A_1374 : i1 to i32
    %sign3A_1376 = arith.constant 0 : i32
    %sign3A_1377 = arith.cmpi slt, %jit3A_1364, %sign3A_1376 : i32
    %sign3A_1378 = arith.extui %sign3A_1377 : i1 to i32
    %sign3A_1379 = arith.subi %sign3A_1375, %sign3A_1378 : i32
    %ne3A_1380 = arith.cmpi ne, %sign3A_1372, %sign3A_1379 : i32
    %rem3A_1381 = arith.remsi %add3A_1363, %jit3A_1364 : i32
    %ne3A_1382 = arith.constant 0 : i32
    %ne3A_1383 = arith.cmpi ne, %rem3A_1381, %ne3A_1382 : i32
    %and3A_1384 = arith.andi %ne3A_1380, %ne3A_1383 : i1
    %sub3A_1385 = arith.constant 1 : i32
    %sub3A_1386 = arith.subi %div3A_1365, %sub3A_1385 : i32
    %select_n3A_1387 = arith.select %and3A_1384, %sub3A_1386, %div3A_1365 : i32
    %jit3A_1388 = arith.constant 10 : i32
    %eq3A_1389 = arith.constant 0 : i32
    %eq3A_1390 = arith.cmpi eq, %jit3A_1388, %eq3A_1389 : i32
    %jit3A_1391 = arith.constant 1 : i32
    %select_n3A_1392 = arith.select %eq3A_1390, %jit3A_1391, %jit3A_1388 : i32
    %rem3A_1393 = arith.remsi %add3A_1363, %select_n3A_1392 : i32
    %ne3A_1394 = arith.constant 0 : i32
    %ne3A_1395 = arith.cmpi ne, %rem3A_1393, %ne3A_1394 : i32
    %lt3A_1396 = arith.constant 0 : i32
    %lt3A_1397 = arith.cmpi slt, %rem3A_1393, %lt3A_1396 : i32
    %lt3A_1398 = arith.constant 0 : i32
    %lt3A_1399 = arith.cmpi slt, %select_n3A_1392, %lt3A_1398 : i32
    %ne3A_1400 = arith.xori %lt3A_1397, %lt3A_1399 : i1
    %and3A_1401 = arith.andi %ne3A_1400, %ne3A_1395 : i1
    %add3A_1402 = arith.addi %rem3A_1393, %select_n3A_1392 : i32
    %select_n3A_1403 = arith.select %and3A_1401, %add3A_1402, %rem3A_1393 : i32
    %dma_wait3A_1404 = arith.constant 4 : i32
    %dma_wait3A_1405 = arith.constant 0 : i32
    %dma_wait3A_1406 = arith.constant 0 : i32
    %dma_wait3A_1407 = tpu.memref_slice %arg6[%dma_wait3A_1404, %dma_wait3A_1405, %dma_wait3A_1406] : memref<5x100x64xf32, #tpu.memory_space<vmem>> -> memref<1x100x64xf32, #tpu.memory_space<vmem>>
    %dma_wait3A_1408 = tpu.memref_squeeze %dma_wait3A_1407 : memref<1x100x64xf32, #tpu.memory_space<vmem>> -> memref<100x64xf32, #tpu.memory_space<vmem>>
    %dma_wait3A_1409 = arith.constant 0 : i32
    %dma_wait3A_1410 = arith.constant 0 : i32
    %dma_wait3A_1411 = tpu.memref_slice %dma_wait3A_1408[%dma_wait3A_1409, %dma_wait3A_1410] : memref<100x64xf32, #tpu.memory_space<vmem>> -> memref<50x64xf32, #tpu.memory_space<vmem>>
    %dma_wait3A_1412 = arith.constant 0 : i32
    %dma_wait3A_1413 = arith.constant 0 : i32
    %dma_wait3A_1414 = tpu.memref_slice %arg4[%select_n3A_1387, %select_n3A_1403, %dma_wait3A_1412, %dma_wait3A_1413] : memref<1024x10x50x64xf32, #tpu.memory_space<hbm>> -> memref<1x1x50x64xf32, #tpu.memory_space<hbm>>
    %dma_wait3A_1415 = tpu.memref_squeeze %dma_wait3A_1414 : memref<1x1x50x64xf32, #tpu.memory_space<hbm>> -> memref<50x64xf32, #tpu.memory_space<hbm>>
    %dma_wait3A_1416 = arith.constant 0 : i32
    %dma_wait3A_1417 = arith.constant 0 : i32
    %dma_wait3A_1418 = tpu.memref_slice %arg4[%select_n3A_1387, %select_n3A_1403, %dma_wait3A_1416, %dma_wait3A_1417] : memref<1024x10x50x64xf32, #tpu.memory_space<hbm>> -> memref<1x1x50x64xf32, #tpu.memory_space<hbm>>
    %dma_wait3A_1419 = tpu.memref_squeeze %dma_wait3A_1418 : memref<1x1x50x64xf32, #tpu.memory_space<hbm>> -> memref<50x64xf32, #tpu.memory_space<hbm>>
    %dma_wait3A_1420 = arith.constant 0 : i32
    %dma_wait3A_1421 = arith.constant 0 : i32
    %dma_wait3A_1422 = tpu.memref_slice %arg6[%dma_wait3A_1404, %dma_wait3A_1420, %dma_wait3A_1421] : memref<5x100x64xf32, #tpu.memory_space<vmem>> -> memref<1x100x64xf32, #tpu.memory_space<vmem>>
    %dma_wait3A_1423 = tpu.memref_squeeze %dma_wait3A_1422 : memref<1x100x64xf32, #tpu.memory_space<vmem>> -> memref<100x64xf32, #tpu.memory_space<vmem>>
    %dma_wait3A_1424 = arith.constant 0 : i32
    %dma_wait3A_1425 = arith.constant 0 : i32
    %dma_wait3A_1426 = tpu.memref_slice %dma_wait3A_1423[%dma_wait3A_1424, %dma_wait3A_1425] : memref<100x64xf32, #tpu.memory_space<vmem>> -> memref<50x64xf32, #tpu.memory_space<vmem>>
    tpu.wait_dma2 semaphore(%arg16 : memref<!tpu.dma_semaphore, #tpu.memory_space<semaphore_mem>>) src(%dma_wait3A_1426 : memref<50x64xf32, #tpu.memory_space<vmem>>) dst(%dma_wait3A_1419 : memref<50x64xf32, #tpu.memory_space<hbm>>)
    %add3A_1427 = arith.constant 159 : i32
    %add3A_1428 = arith.addi %mul3A_2, %add3A_1427 : i32
    %mul3A_1429 = arith.constant 2 : i32
    %mul3A_1430 = arith.muli %mul3A_1429, %add3A_1428 : i32
    %add3A_1431 = arith.constant 1 : i32
    %add3A_1432 = arith.addi %mul3A_1430, %add3A_1431 : i32
    %jit3A_1433 = arith.constant 10 : i32
    %div3A_1434 = arith.divsi %add3A_1432, %jit3A_1433 : i32
    %sign3A_1435 = arith.constant 0 : i32
    %sign3A_1436 = arith.cmpi sgt, %add3A_1432, %sign3A_1435 : i32
    %sign3A_1437 = arith.extui %sign3A_1436 : i1 to i32
    %sign3A_1438 = arith.constant 0 : i32
    %sign3A_1439 = arith.cmpi slt, %add3A_1432, %sign3A_1438 : i32
    %sign3A_1440 = arith.extui %sign3A_1439 : i1 to i32
    %sign3A_1441 = arith.subi %sign3A_1437, %sign3A_1440 : i32
    %sign3A_1442 = arith.constant 0 : i32
    %sign3A_1443 = arith.cmpi sgt, %jit3A_1433, %sign3A_1442 : i32
    %sign3A_1444 = arith.extui %sign3A_1443 : i1 to i32
    %sign3A_1445 = arith.constant 0 : i32
    %sign3A_1446 = arith.cmpi slt, %jit3A_1433, %sign3A_1445 : i32
    %sign3A_1447 = arith.extui %sign3A_1446 : i1 to i32
    %sign3A_1448 = arith.subi %sign3A_1444, %sign3A_1447 : i32
    %ne3A_1449 = arith.cmpi ne, %sign3A_1441, %sign3A_1448 : i32
    %rem3A_1450 = arith.remsi %add3A_1432, %jit3A_1433 : i32
    %ne3A_1451 = arith.constant 0 : i32
    %ne3A_1452 = arith.cmpi ne, %rem3A_1450, %ne3A_1451 : i32
    %and3A_1453 = arith.andi %ne3A_1449, %ne3A_1452 : i1
    %sub3A_1454 = arith.constant 1 : i32
    %sub3A_1455 = arith.subi %div3A_1434, %sub3A_1454 : i32
    %select_n3A_1456 = arith.select %and3A_1453, %sub3A_1455, %div3A_1434 : i32
    %jit3A_1457 = arith.constant 10 : i32
    %eq3A_1458 = arith.constant 0 : i32
    %eq3A_1459 = arith.cmpi eq, %jit3A_1457, %eq3A_1458 : i32
    %jit3A_1460 = arith.constant 1 : i32
    %select_n3A_1461 = arith.select %eq3A_1459, %jit3A_1460, %jit3A_1457 : i32
    %rem3A_1462 = arith.remsi %add3A_1432, %select_n3A_1461 : i32
    %ne3A_1463 = arith.constant 0 : i32
    %ne3A_1464 = arith.cmpi ne, %rem3A_1462, %ne3A_1463 : i32
    %lt3A_1465 = arith.constant 0 : i32
    %lt3A_1466 = arith.cmpi slt, %rem3A_1462, %lt3A_1465 : i32
    %lt3A_1467 = arith.constant 0 : i32
    %lt3A_1468 = arith.cmpi slt, %select_n3A_1461, %lt3A_1467 : i32
    %ne3A_1469 = arith.xori %lt3A_1466, %lt3A_1468 : i1
    %and3A_1470 = arith.andi %ne3A_1469, %ne3A_1464 : i1
    %add3A_1471 = arith.addi %rem3A_1462, %select_n3A_1461 : i32
    %select_n3A_1472 = arith.select %and3A_1470, %add3A_1471, %rem3A_1462 : i32
    %dma_wait3A_1473 = arith.constant 4 : i32
    %dma_wait3A_1474 = arith.constant 0 : i32
    %dma_wait3A_1475 = arith.constant 0 : i32
    %dma_wait3A_1476 = tpu.memref_slice %arg6[%dma_wait3A_1473, %dma_wait3A_1474, %dma_wait3A_1475] : memref<5x100x64xf32, #tpu.memory_space<vmem>> -> memref<1x100x64xf32, #tpu.memory_space<vmem>>
    %dma_wait3A_1477 = tpu.memref_squeeze %dma_wait3A_1476 : memref<1x100x64xf32, #tpu.memory_space<vmem>> -> memref<100x64xf32, #tpu.memory_space<vmem>>
    %dma_wait3A_1478 = arith.constant 50 : i32
    %dma_wait3A_1479 = arith.constant 0 : i32
    %dma_wait3A_1480 = tpu.memref_slice %dma_wait3A_1477[%dma_wait3A_1478, %dma_wait3A_1479] : memref<100x64xf32, #tpu.memory_space<vmem>> -> memref<50x64xf32, #tpu.memory_space<vmem>>
    %dma_wait3A_1481 = arith.constant 0 : i32
    %dma_wait3A_1482 = arith.constant 0 : i32
    %dma_wait3A_1483 = tpu.memref_slice %arg4[%select_n3A_1456, %select_n3A_1472, %dma_wait3A_1481, %dma_wait3A_1482] : memref<1024x10x50x64xf32, #tpu.memory_space<hbm>> -> memref<1x1x50x64xf32, #tpu.memory_space<hbm>>
    %dma_wait3A_1484 = tpu.memref_squeeze %dma_wait3A_1483 : memref<1x1x50x64xf32, #tpu.memory_space<hbm>> -> memref<50x64xf32, #tpu.memory_space<hbm>>
    %dma_wait3A_1485 = arith.constant 0 : i32
    %dma_wait3A_1486 = arith.constant 0 : i32
    %dma_wait3A_1487 = tpu.memref_slice %arg4[%select_n3A_1456, %select_n3A_1472, %dma_wait3A_1485, %dma_wait3A_1486] : memref<1024x10x50x64xf32, #tpu.memory_space<hbm>> -> memref<1x1x50x64xf32, #tpu.memory_space<hbm>>
    %dma_wait3A_1488 = tpu.memref_squeeze %dma_wait3A_1487 : memref<1x1x50x64xf32, #tpu.memory_space<hbm>> -> memref<50x64xf32, #tpu.memory_space<hbm>>
    %dma_wait3A_1489 = arith.constant 0 : i32
    %dma_wait3A_1490 = arith.constant 0 : i32
    %dma_wait3A_1491 = tpu.memref_slice %arg6[%dma_wait3A_1473, %dma_wait3A_1489, %dma_wait3A_1490] : memref<5x100x64xf32, #tpu.memory_space<vmem>> -> memref<1x100x64xf32, #tpu.memory_space<vmem>>
    %dma_wait3A_1492 = tpu.memref_squeeze %dma_wait3A_1491 : memref<1x100x64xf32, #tpu.memory_space<vmem>> -> memref<100x64xf32, #tpu.memory_space<vmem>>
    %dma_wait3A_1493 = arith.constant 50 : i32
    %dma_wait3A_1494 = arith.constant 0 : i32
    %dma_wait3A_1495 = tpu.memref_slice %dma_wait3A_1492[%dma_wait3A_1493, %dma_wait3A_1494] : memref<100x64xf32, #tpu.memory_space<vmem>> -> memref<50x64xf32, #tpu.memory_space<vmem>>
    tpu.wait_dma2 semaphore(%arg16 : memref<!tpu.dma_semaphore, #tpu.memory_space<semaphore_mem>>) src(%dma_wait3A_1495 : memref<50x64xf32, #tpu.memory_space<vmem>>) dst(%dma_wait3A_1488 : memref<50x64xf32, #tpu.memory_space<hbm>>)
    return
  }
}

</mosaic_0001>

<sc_bundles>
// kernel: kernel.3.cloned.1.call-start
scs
__scs_entry_jumppad:
0x0: {  	(pc) =	sbr.rel $0x88, $3  }
0x1: {  	(tag) =	ssettag $0x0;
	lr =	simm.s32 $0x1  }
0x2: {  	[smem:$0x3F9F] =	sst lr;
	_ =	strace $0xD0000000  }
0x3: {  	_ = 	snop  }
0x4: {  	_ = 	snop  }
0x5: {  	_ = 	snop  }
0x6: {  	_ = 	snop  }
0x7: {  	_ = 	snop  }
__scs_overlays_trampoline_lowered:
0x8: {  	[smem:$0x3FAE] =	sst s0  }
0x9: {  	[smem:$0x3FAF] =	sst s1  }
0xa: {  	[smem:$0x3FB0] =	sst s2  }
0xb: {  	[smem:$0x3FB1] =	sst s3  }
0xc: {  	[smem:$0x3FB2] =	sst s4  }
0xd: {  	[smem:$0x3FB3] =	sst s5  }
0xe: {  	[smem:$0x3FB4] =	sst s6  }
0xf: {  	[smem:$0x3FB5] =	sst s7  }
0x10: {  	[smem:$0x3FB6] =	sst s8  }
0x11: {  	[smem:$0x3FB7] =	sst s9;
	s0 =	simm.s32 @!p0 $0x0  }
0x12: {  	s1 =	sld [smem:$0x3F9D];
	s0 =	simm.s32 @p0 $0x1  }
0x13: {  	[smem:$0x3FB8] =	sst s0;
	s0 =	simm.s32 @!p1 $0x0  }
0x14: {  	s2 =	sld [smem:$0x3F9C];
	s0 =	simm.s32 @p1 $0x1  }
0x15: {  	[smem:$0x3FB9] =	sst s0;
	s0 =	simm.s32 @!p2 $0x0  }
0x16: {  	s3 =	sld [smem:$0x3FDB];
	s0 =	simm.s32 @p2 $0x1  }
0x17: {  	s4 =	simm.s32 $0x1BF5;
	[smem:$0x3FBB] =	sst s0  }
0x18: {  	s0 =	sld [smem:$0x3F9E];
	_ =	swait.ge [sflag:s4], $0x0  }
0x19: {  	s7 =	sld [smem:$0x3F9F]  }
0x1a: {  	s8 =	sadd.s32 $0xFFFFE003, lr  }
0x1b: {  	s9 =	sadd.s32 $0xFFFFFEF7, lr;
	s5 =	simm.s32 $0xFFFFFFFF;
	p2 =	slt.u32 s8, $0xFFFFF086  }
0x1c: {  	p1 =	slt.u32 s9, $0xF7A;
	s5 =	simm.s32 @!p2 $0x0  }
0x1d: {  	s5 =	simm.s32 @p1 $0x1;
	p0 =	seq.s32 s7, s2  }
0x1e: {  	s7 =	smul.u32 @!p0 $0xF7A, s2;
	p2 =	seq.s32 @!p0 s5, $0x0  }
0x1f: {  	s9 =	smul.u32 $0xF7A, s1;
	s8 =	simm.s32 @!p0 $0x1BF5;
	p2 =	por !p2, p0  }
0x20: {  	[sflag:s8] =	ssyncset.s32 @!p0 $0xFFFFF086;
	s6 =	sadd.s32 @!p0 s3, s7;
	s7 =	simm.s32 @!p0 $0x108  }
0x21: {  	s3 =	sadd.s32 s3, s9;
	s6 =	sadd.s32 @!p0 $0x88, s6;
	s7 =	simm.s32 @p2 $0x1082  }
0x22: {  	[simem:s7], [sflag:s8] =	dma.local @!p0 [hbm:s6], $0xF7A  }
0x23: {  	s9 =	sor.u32 $0xD0000000, s2;
	s6 =	simm.s32 $0x108;
	_ =	swait.ge @!p0 [sflag:s8], $0x0  }
0x24: {  	s3 =	sadd.s32 $0x88, s3;
	s6 =	simm.s32 @!p1 $0x1082;
	[sflag:s4] =	ssyncset.s32 $0xFFFFF086  }
0x25: {  	[simem:s6], [sflag:s4] =	dma.local [hbm:s3], $0xF7A  }
0x26: {  	[smem:$0x3F9F] =	sst s1;
	(tag) =	ssettag s2;
	_ =	strace s9  }
0x27: {  	s1 =	sld [smem:$0x3FAF]  }
0x28: {  	s2 =	sld [smem:$0x3FB0]  }
0x29: {  	s4 =	sld [smem:$0x3FB2]  }
0x2a: {  	p0 =	seq.s32 s5, $0x0;
	s5 =	sld [smem:$0x3FB3]  }
0x2b: {  	s6 =	sld [smem:$0x3FB4]  }
0x2c: {  	s7 =	sld [smem:$0x3FB5]  }
0x2d: {  	s3 =	simm.s32 $0x108;
	s8 =	sld [smem:$0x3FB6]  }
0x2e: {  	s3 =	simm.s32 @!p0 $0x1082;
	s9 =	sld [smem:$0x3FB7]  }
0x2f: {  	lr =	sadd.s32 s0, s3;
	s0 =	sld [smem:$0x3FAE]  }
0x30: {  	s3 =	sld [smem:$0x3FB1]  }
0x31: {  	[smem:$0x3FBA] =	sst s10  }
0x32: {  	s10 =	sld [smem:$0x3FB8];
	_ =	sdelay $0x3  }
0x33: {  	p0 =	seq.s32 s10, $0x1;
	s10 =	sld [smem:$0x3FBA];
	_ =	sdelay $0x3  }
0x34: {  	[smem:$0x3FBA] =	sst s10  }
0x35: {  	s10 =	sld [smem:$0x3FB9];
	_ =	sdelay $0x3  }
0x36: {  	p1 =	seq.s32 s10, $0x1;
	s10 =	sld [smem:$0x3FBA];
	_ =	sdelay $0x3  }
0x37: {  	[smem:$0x3FBA] =	sst s10  }
0x38: {  	s10 =	sld [smem:$0x3FBB]  }
0x39: {  	_ = 	snop;
	(pc) =	sbr.ind lr, $3  }
0x3a: {  	_ = 	snop  }
0x3b: {  	_ = 	snop  }
0x3c: {  	p2 =	seq.s32 s10, $0x1;
	s10 =	sld [smem:$0x3FBA]  }
0x3d: {  	_ =	shalt  }
0x3e: {  	_ =	shalt  }
0x3f: {  	_ =	shalt  }
0x40: {  	_ =	shalt  }
0x41: {  	_ =	shalt  }
0x42: {  	_ =	shalt  }
0x43: {  	_ =	shalt  }
0x44: {  	_ =	shalt  }
0x45: {  	_ =	shalt  }
0x46: {  	_ =	shalt  }
0x47: {  	_ =	shalt  }
0x48: {  	_ =	shalt  }
0x49: {  	_ =	shalt  }
0x4a: {  	_ =	shalt  }
0x4b: {  	_ =	shalt  }
0x4c: {  	_ =	shalt  }
0x4d: {  	_ =	shalt  }
0x4e: {  	_ =	shalt  }
0x4f: {  	_ =	shalt  }
0x50: {  	_ =	shalt  }
0x51: {  	_ =	shalt  }
0x52: {  	_ =	shalt  }
0x53: {  	_ =	shalt  }
0x54: {  	_ =	shalt  }
0x55: {  	_ =	shalt  }
0x56: {  	_ =	shalt  }
0x57: {  	_ =	shalt  }
0x58: {  	_ =	shalt  }
0x59: {  	_ =	shalt  }
0x5a: {  	_ =	shalt  }
0x5b: {  	_ =	shalt  }
0x5c: {  	_ =	shalt  }
0x5d: {  	_ =	shalt  }
0x5e: {  	_ =	shalt  }
0x5f: {  	_ =	shalt  }
0x60: {  	_ =	shalt  }
0x61: {  	_ =	shalt  }
0x62: {  	_ =	shalt  }
0x63: {  	_ =	shalt  }
0x64: {  	_ =	shalt  }
0x65: {  	_ =	shalt  }
0x66: {  	_ =	shalt  }
0x67: {  	_ =	shalt  }
0x68: {  	_ =	shalt  }
0x69: {  	_ =	shalt  }
0x6a: {  	_ =	shalt  }
0x6b: {  	_ =	shalt  }
0x6c: {  	_ =	shalt  }
0x6d: {  	_ =	shalt  }
0x6e: {  	_ =	shalt  }
0x6f: {  	_ =	shalt  }
0x70: {  	_ =	shalt  }
0x71: {  	_ =	shalt  }
0x72: {  	_ =	shalt  }
0x73: {  	_ =	shalt  }
0x74: {  	_ =	shalt  }
0x75: {  	_ =	shalt  }
0x76: {  	_ =	shalt  }
0x77: {  	_ =	shalt  }
0x78: {  	_ =	shalt  }
0x79: {  	_ =	shalt  }
0x7a: {  	_ =	shalt  }
0x7b: {  	_ =	shalt  }
0x7c: {  	_ =	shalt  }
0x7d: {  	_ =	shalt  }
0x7e: {  	_ =	shalt  }
0x7f: {  	_ =	shalt  }
0x80: {  	_ =	shalt  }
0x81: {  	_ =	shalt  }
0x82: {  	_ =	shalt  }
0x83: {  	_ =	shalt  }
0x84: {  	_ =	shalt  }
0x85: {  	_ =	shalt  }
0x86: {  	_ =	shalt  }
0x87: {  	_ =	shalt  }
.Lfunc_end0:
.L_simem_size_0:
called_computation.1_lowered:
.L_overlay_start_0:
0x88: {  	s2 =	sld [smem:$0x3FD9]  }
0x89: {  	s3 =	sld [smem:$0x3FFE];
	_ =	sdelay $0x1  }
0x8a: {  	s1 =	srdreg.scid  }
0x8b: {  	s0 =	sand.u32 $0x1, s1  }
0x8c: {  	s17 =	sshll.u32 s0, $0xA;
	s2 =	sadd.s32 s3, s2  }
0x8d: {  	s2 =	sadd.s32 s2, s17  }
0x8e: {  	[smem:$0x3FC6] =	sst s2  }
0x8f: {  	_ = 	snop  }
0x90: {  	s2 =	sld [smem:$0x3FD0];
	(tm) =	ssettm $0x1  }
0x91: {  	s18 =	sld [smem:$0x3FFB];
	_ =	sdelay $0x3  }
0x92: {  	_ =	strace s18  }
0x93: {  	s3 =	sld [smem:$0x3FFC];
	_ =	sdelay $0x3  }
0x94: {  	_ =	strace s3  }
0x95: {  	s3 =	sld [smem:$0x3FFD];
	_ =	sdelay $0x3  }
0x96: {  	_ =	strace s3  }
0x97: {  	_ =	strace $0x8FFFFFFF  }
0x98: {  	s19 =	sld [smem:$0x3FDB];
	_ =	sdelay $0x1  }
0x99: {  	s4 =	simm.s32 $_scs_section_size  }
0x9a: {  	s5 =	simm.s32 $_size__tile_overlayer_lowered;
	s6 =	simm.s32 $_tile_overlayer_lowered  }
0x9b: {  	s22 =	simm.s32 $0x1BFF;
	s21 =	sshll.u32 s6, $0x1;
	s3 =	sadd.s32 s4, s19  }
0x9c: {  	s7 =	simm.s32 $0x0;
	s20 =	sshll.u32 s5, $0x1;
	s5 =	sadd.s32 s21, s3  }
0x9d: {  	[timem:s7], [sflag:s22] =	dma.local [hbm:s5], s20  }
0x9e: {  	_ =	swait.ge [sflag:s22], s20  }
0x9f: {  	s4 =	ssub.s32 $0x0, s20;
	[sflag:s22] =	ssyncset.done $0x0  }
0xa0: {  	[sflag:s22] =	ssyncadd.s32 s4;
	_ =	sdelay $0x1  }
0xa1: {  	s23 =	simm.s32 $0x1B8B  }
0xa2: {  	_ =	swait.ge [sflag:s23], $0x1  }
0xa3: {  	[sflag:s23] =	ssyncset.done $0x0  }
0xa4: {  	s25 =	simm.s32 $0x1B8E;
	s24 =	sld [smem:$0x3FFE];
	[sflag:s23] =	ssyncadd.s32 $0xFFFFFFFF  }
0xa5: {  	s26 =	simm.s32 $execute0_lowered;
	[smem:$0x3FD2] =	sst s25  }
0xa6: {  	s5 =	sshll.u32 s26, $0x1;
	_ =	strace $0x80000046;
	[dreg:$0x1] =	wrdreg $0xFFFFFFFF  }
0xa7: {  	s28 =	simm.s32 $_size_execute0_lowered;
	s3 =	sadd.s32 s3, s5;
	[dreg:$0x0] =	wrdreg $0x0  }
0xa8: {  	s5 =	sshll.u32 s28, $0x1;
	[dreg:$0x2] =	wrdreg s3  }
0xa9: {  	[dreg:$0x3] =	wrdreg s5  }
0xaa: {  	[dreg:$0x4] =	wrdreg $0xC0  }
0xab: {  	_ =	task [dreg:s7], $0x5FFFF  }
0xac: {  	[dreg:$0x1] =	wrdreg $0xFFFFFFFF  }
0xad: {  	[dreg:$0x0] =	wrdreg $0x60  }
0xae: {  	[dreg:$0x2] =	wrdreg s24  }
0xaf: {  	[dreg:$0x3] =	wrdreg s2  }
0xb0: {  	[dreg:$0x4] =	wrdreg $0x9  }
0xb1: {  	_ =	task.clear_ibuf [dreg:s7], $0x5FFFF;
	_ =	strace $0x90000046  }
0xb2: {  	s29 =	simm.s32 $0x9;
	_ =	strace $0x80000048  }
0xb3: {  	_ =	swait.ge [sflag:s29], $0x1  }
0xb4: {  	[sflag:s29] =	ssyncadd.s32 $0xFFFFFFFF  }
0xb5: {  	_ =	strace $0x90000048  }
0xb6: {  	_ =	sfence  }
0xb7: {  	s30 =	sld [smem:$0x0];
	_ =	sdelay $0x2  }
0xb8: {  	s31 =	sshll.u32 s1, $0xD;
	s1 =	sshrl.u32 s1, $0x2  }
0xb9: {  	s3 =	sand.u32 $0x4000, s31;
	s1 =	sadd.s32 s1, s30  }
0xba: {  	s0 =	sor.u32 s3, s0;
	s1 =	sshll.u32 s1, $0x11  }
0xbb: {  	s0 =	sor.u32 s1, s0  }
0xbc: {  	s0 =	sadd.s32 $0x8F2B, s0  }
0xbd: {  	[sflag:s0] =	ssyncadd.remote.s32 $0x1  }
0xbe: {  	_ =	sfence.sel $0xFFFF  }
0xbf: {  	[dreg:$0x0] =	wrdreg $0xFFFFFFFF;
	(pc) =	sbr.abs _section_cstart, $3  }
0xc0: {  	[dreg:$0x1] =	wrdreg $0xFFFFFFFF  }
0xc1: {  	_ =	task.clear_ibuf [dreg:s7], $0x2FFFF;
	_ =	strace $0x9FFFFFFF  }
0xc2: {  	(tm) =	ssettm $0x7FFFFFFF  }
0xc3: {  	_ =	shalt  }
tec
execute0_lowered:
.L_overlay_start_1:
0x0: {  	(tag) =	ssettag $0x1  }
0x1: {  	s0 =	srdreg.scid;
	s26 =	stileid.u32  }
0x2: {  	s0 =	sand.u32 $0x1, s0;
	s1 =	sshll.u32 s26, $0x1  }
0x3: {  	s1 =	sor.u32 s0, s1  }
0x4: {  	s3 =	smul.u32 $0x8000C0, s1;
	_ =	sdelay $0x1  }
0x5: {  	s2 =	smul.u32 $0x820, s1;
	s4 =	sadd.s32 $0x7C00BA, s3  }
0x6: {  	s6 =	smul.u32 $0x140, s1;
	s9 =	sshrl.u32 s4, $0x12  }
0x7: {  	s5 =	sadd.s32 $0x7C6721, s3;
	s4 =	smul.u32 $0xA, s9  }
0x8: {  	s10 =	sshrl.u32 s5, $0x12;
	s7 =	smul.u32 $0x7D00, s9  }
0x9: {  	s14 =	sadd.s32 $0x7D33EF, s3;
	s5 =	smul.u32 $0xA, s10  }
0xa: {  	s15 =	sshrl.u32 s14, $0x12;
	s14 =	sadd.s32 $0x7E00BD, s3;
	s9 =	smul.u32 $0x7D00, s10  }
0xb: {  	s1 =	smul.u32 $0x7D00, s15;
	s19 =	sshrl.u32 s14, $0x12  }
0xc: {  	s17 =	sadd.s32 $0x7D9A56, s3;
	s14 =	smul.u32 $0xA, s19  }
0xd: {  	s18 =	sshrl.u32 s17, $0x12;
	s11 =	ssub.s32 s6, s5;
	s5 =	smul.u32 $0xA, s15  }
0xe: {  	s4 =	ssub.s32 s6, s4;
	s15 =	smul.u32 $0x7D00, s18  }
0xf: {  	s12 =	sadd.s32 $0x7CCD88, s3;
	s8 =	smul.u32 $0xC80, s4  }
0x10: {  	s13 =	sshrl.u32 s12, $0x12;
	s10 =	smul.u32 $0xC80, s11  }
0x11: {  	s21 =	sadd.s32 $0x7E6724, s3;
	s4 =	smul.u32 $0xA, s13  }
0x12: {  	s22 =	sshrl.u32 s21, $0x12;
	s11 =	smul.u32 $0x7D00, s13  }
0x13: {  	s20 =	ssub.s32 s6, s14;
	s14 =	smul.u32 $0xA, s22  }
0x14: {  	s16 =	ssub.s32 s6, s5;
	s5 =	smul.u32 $0xA, s18  }
0x15: {  	s17 =	smul.u32 $0xC80, s20  }
0x16: {  	s4 =	ssub.s32 s6, s4;
	s13 =	smul.u32 $0xC80, s16  }
0x17: {  	s12 =	smul.u32 $0xC80, s4  }
0x18: {  	s18 =	sadd.s32 $0x7ECD8B, s3;
	s4 =	smul.u32 $0x7D00, s19  }
0x19: {  	s23 =	sshrl.u32 s18, $0x12;
	s19 =	smul.u32 $0x7D00, s22  }
0x1a: {  	s3 =	sadd.s32 $0x7F33F2, s3;
	s14 =	ssub.s32 s6, s14;
	s18 =	smul.u32 $0xA, s23  }
0x1b: {  	s3 =	sshrl.u32 s3, $0x12;
	s14 =	smul.u32 $0xC80, s14  }
0x1c: {  	s21 =	sadd.s32 $0x13F, s6;
	s20 =	smul.u32 $0xA, s3  }
0x1d: {  	s8 =	sadd.s32 $0xF2300, s8;
	s5 =	ssub.s32 s6, s5;
	s22 =	smul.u32 $0x6667, s21  }
0x1e: {  	s31 =	sand.u32 $0xFF00, s8;
	s8 =	sadd.s32 $0xF2F80, s10;
	s10 =	smul.u32 $0x140, s26  }
0x1f: {  	s16 =	smul.u32 $0xC80, s5  }
0x20: {  	s25 =	ssub.s32 $0x2, s0;
	s5 =	smul.u32 $0x7D00, s23  }
0x21: {  	s28 =	sshrl.u32 s25, $0x1;
	s23 =	smul.u32 $0x7D00, s3  }
0x22: {  	s3 =	ssub.s32 s25, s28;
	s25 =	smul.u32 $0xA0, s0  }
0x23: {  	s7 =	sadd.s32 s31, s7;
	s31 =	smul.u32 $0x140, s0;
	s18 =	ssub.s32 s6, s18  }
0x24: {  	s24 =	ssub.s32 s6, s20;
	s18 =	smul.u32 $0xC80, s18  }
0x25: {  	s22 =	sshrl.u32 s22, $0x12;
	s20 =	smul.u32 $0xC80, s24  }
0x26: {  	s13 =	sadd.s32 $0xF4880, s13;
	s6 =	sand.u32 $0xFF80, s8;
	s24 =	smul.u32 $0x7D00, s22  }
0x27: {  	s12 =	sadd.s32 $0xF3C00, s12;
	s13 =	sand.u32 $0xFF80, s13;
	s22 =	smul.u32 $0xA, s22  }
0x28: {  	s8 =	sadd.s32 s6, s9;
	s9 =	sand.u32 $0xFF00, s12;
	s12 =	smul.u32 $0x280, s26  }
0x29: {  	s14 =	sadd.s32 $0xF6E00, s14;
	s6 =	smul.u32 $0x1F4000, s26;
	s16 =	sadd.s32 $0xF5500, s16  }
0x2a: {  	s14 =	sand.u32 $0xFF00, s14;
	s28 =	ssub.s32 s21, s22;
	s22 =	sadd.s32 s25, s10  }
0x2b: {  	s10 =	sadd.s32 s31, s12;
	s21 =	smul.u32 $0xC80, s28;
	s25 =	sor.u32 $0x4, s22  }
0x2c: {  	s12 =	sor.u32 $0x9, s10;
	s28 =	sand.u32 $0xFF00, s16;
	s26 =	smulhi.u32 $0x33333334, s25  }
0x2d: {  	s31 =	smulhi.u32 $0x1999999A, s12;
	s12 =	sadd.s32 s28, s15;
	s28 =	sor.u32 $0x3, s22  }
0x2e: {  	s9 =	sadd.s32 s9, s11;
	s11 =	sadd.s32 s13, s1;
	s16 =	smulhi.u32 $0x33333334, s28  }
0x2f: {  	s14 =	sadd.s32 s14, s19;
	s25 =	sadd.s32 $0xF6180, s17;
	s1 =	smul.u32 $0x7D00, s26  }
0x30: {  	s13 =	sand.u32 $0xFF80, s25;
	s25 =	sor.u32 $0x2, s22;
	s15 =	smul.u32 $0x7D00, s31  }
0x31: {  	s19 =	sadd.s32 $0xF7A80, s18;
	s28 =	sor.u32 $0x5, s10;
	s18 =	smulhi.u32 $0x33333334, s25  }
0x32: {  	s26 =	sadd.s32 $0xF8700, s20;
	s20 =	smulhi.u32 $0x1999999A, s28  }
0x33: {  	s30 =	simm.s32 $0x64;
	s31 =	sor.u32 $0x7, s10;
	s28 =	smulhi.u32 $0x33333334, s22  }
0x34: {  	s29 =	simm.s32 $0x6;
	s3 =	smax.u32 s3, $0x1;
	s17 =	smulhi.u32 $0x1999999A, s31  }
0x35: {  	s11 =	sshrl.u32 s11, $0x3;
	s13 =	sadd.s32 s13, s4;
	s4 =	smul.u32 $0x7D00, s16  }
0x36: {  	s21 =	sand.u32 $0xFF80, s21;
	s25 =	sor.u32 $0x3, s10;
	s31 =	smul.u32 $0x7D00, s18  }
0x37: {  	s16 =	sand.u32 $0xFF80, s19;
	s19 =	sand.u32 $0xFF00, s26;
	s20 =	smul.u32 $0x7D00, s20  }
0x38: {  	s16 =	sadd.s32 s16, s5;
	s19 =	sadd.s32 s19, s23;
	s5 =	smul.u32 $0x7D00, s28  }
0x39: {  	s23 =	sor.u32 $0x1, s22;
	s18 =	sadd.s32 s21, s24;
	s17 =	smul.u32 $0x7D00, s17  }
0x3a: {  	s24 =	rddreg [dreg:$0x0];
	s1 =	sadd.s32 s1, s6;
	s21 =	smulhi.u32 $0x33333334, s23  }
0x3b: {  	s28 =	sshrl.u32 s8, $0x3;
	s23 =	smulhi.u32 $0x1999999A, s25;
	s15 =	ssub.s32 s1, s15  }
0x3c: {  	s4 =	sadd.s32 s4, s6;
	s1 =	rddreg [dreg:$0x1];
	s2 =	sadd.s32 s2, s24  }
0x3d: {  	s8 =	sshrl.u32 s16, $0x3;
	s26 =	sadd.s32 s31, s6;
	s31 =	sor.u32 $0x1, s10  }
0x3e: {  	s25 =	sadd.s32 s5, s6;
	s2 =	sadd.s32 $0xA00, s2;
	s21 =	smul.u32 $0x7D00, s21  }
0x3f: {  	s17 =	ssub.s32 s4, s17;
	s23 =	smul.u32 $0x7D00, s23;
	s20 =	ssub.s32 s26, s20  }
0x40: {  	s22 =	smulhi.u32 $0x1999999A, s31;
	s4 =	simm.s32 $0x0;
	s26 =	sshrl.u32 s7, $0x3  }
0x41: {  	s31 =	sshrl.u32 s9, $0x3;
	s7 =	sadd.s32 s1, s28;
	[smem:$0x7FF] =	sst s4  }
0x42: {  	s28 =	sshrl.u32 s14, $0x3;
	_ =	strace $0x80000047;
	[dreg:$0x4] =	wrdreg s5  }
0x43: {  	s14 =	smul.u32 $0xFA000, s0;
	s9 =	sadd.s32 s1, s31;
	[dreg:$0x5] =	wrdreg s2  }
0x44: {  	s21 =	sadd.s32 s21, s6;
	s5 =	sadd.s32 $0xF42E00, s24;
	[dreg:$0x7] =	wrdreg s7  }
0x45: {  	s2 =	sadd.s32 s1, s26;
	[dreg:$0x8] =	wrdreg s9;
	s24 =	smulhi.u32 $0x1999999A, s10  }
0x46: {  	s26 =	sshrl.u32 s13, $0x3;
	s9 =	sadd.s32 s1, s8;
	[dreg:$0x10] =	wrdreg s3  }
0x47: {  	s10 =	sshrl.u32 s19, $0x3;
	s13 =	sshrl.u32 s18, $0x3;
	[dreg:$0x6] =	wrdreg s2  }
0x48: {  	s18 =	sadd.s32 $0x7080, s15;
	s3 =	simm.s32 $0x7;
	[dreg:$0xd] =	wrdreg s9  }
0x49: {  	s21 =	ssub.s32 s21, s23;
	s2 =	sadd.s32 s1, s11;
	[dreg:$0x11] =	wrdreg s18  }
0x4a: {  	s23 =	smul.u32 $0x7D00, s22;
	s0 =	sadd.s32 s1, s10;
	[dreg:$0x9] =	wrdreg s2  }
0x4b: {  	s2 =	sadd.s32 s1, s26;
	s31 =	smul.u32 $0x7D00, s24;
	[dreg:$0xe] =	wrdreg s0  }
0x4c: {  	s26 =	sadd.s32 $0x3E80, s20;
	s20 =	simm.s32 $0x8;
	s22 =	ssub.s32 s25, s23  }
0x4d: {  	s23 =	sshrl.u32 s12, $0x3;
	[dreg:$0xb] =	wrdreg s2;
	s2 =	sadd.s32 s1, s28  }
0x4e: {  	s12 =	sadd.s32 s14, s6;
	[dreg:$0x15] =	wrdreg s26;
	s28 =	sadd.s32 $0x2580, s21  }
0x4f: {  	s21 =	simm.s32 $0x9;
	s25 =	sadd.s32 s1, s23;
	[dreg:$0xc] =	wrdreg s2  }
0x50: {  	s11 =	ssub.s32 s6, s31;
	s16 =	sadd.s32 $0x6400, s12;
	[dreg:$0x17] =	wrdreg s28  }
0x51: {  	s6 =	sadd.s32 s1, s13;
	s19 =	sadd.s32 $0x4B00, s12;
	[dreg:$0xa] =	wrdreg s25  }
0x52: {  	s23 =	sadd.s32 $0x5780, s17;
	s24 =	sadd.s32 $0x3200, s12;
	[dreg:$0xf] =	wrdreg s6  }
0x53: {  	s0 =	sor.u32 $0x1900, s12;
	s2 =	sadd.s32 s11, s14;
	[dreg:$0x13] =	wrdreg s23  }
0x54: {  	s31 =	sadd.s32 $0xC80, s22;
	[dreg:$0x3] =	wrdreg s2;
	s2 =	sshrl.u32 s16, $0x3  }
0x55: {  	s0 =	sshrl.u32 s0, $0x3;
	[dreg:$0x19] =	wrdreg s31;
	s2 =	sadd.s32 s2, s1  }
0x56: {  	s0 =	sadd.s32 s0, s1;
	[dreg:$0x12] =	wrdreg s2;
	s2 =	sshrl.u32 s19, $0x3  }
0x57: {  	s25 =	sshrl.u32 s24, $0x3;
	[dreg:$0x18] =	wrdreg s0;
	s2 =	sadd.s32 s2, s1  }
0x58: {  	s17 =	simm.s32 $0x5;
	[dreg:$0x14] =	wrdreg s2;
	s2 =	sadd.s32 s25, s1  }
0x59: {  	s19 =	simm.s32 $0xA;
	[dreg:$0x16] =	wrdreg s2;
	s2 =	simm.s32 $0x0  }
.LBB2_1:
0x5a: {  	[dreg:$0x1a] =	wrdreg s2  }
0x5b: {  	s0 =	rddreg [dreg:$0x5];
	s25 =	simm.s32 $0xB  }
0x5c: {  	[tilespmem:s4], [sflag:$0xB] =	stream.linear.gather [hbm4b:s0+s4], $0x4100, $0x38;
	[tilespmem:$0xBE00] =	vst v63  }
0x5d: {  	_ =	swait.ge [sflag:s25], $0x4100  }
0x5e: {  	[sflag:s25] =	ssyncset.done $0x0  }
0x5f: {  	s7 =	simm.s32 $0x4100;
	[sflag:s25] =	ssyncadd.s32 $0xFFFFBF00  }
0x60: {  	[tilespmem:s7], [sflag:$0x1] =	stream.indirect.gather [hbm4b:s5+s30], $0x40, s4, s30, $0xb8;
	[tilespmem:$0xBE00] =	vst v63  }
0x61: {  	s26 =	simm.s32 $0x68;
	s8 =	simm.s32 $0x5A00  }
0x62: {  	[tilespmem:s8], [sflag:$0x2] =	stream.indirect.gather [hbm4b:s5+s30], $0x40, s26, s30, $0xb8;
	[tilespmem:$0xBE00] =	vst v63  }
0x63: {  	s2 =	simm.s32 $0xD0;
	s10 =	simm.s32 $0x7300  }
0x64: {  	[tilespmem:s10], [sflag:$0x3] =	stream.indirect.gather [hbm4b:s5+s30], $0x40, s2, s30, $0xb8;
	[tilespmem:$0xBE00] =	vst v63  }
0x65: {  	s6 =	simm.s32 $0x138;
	s12 =	simm.s32 $0x8C00  }
0x66: {  	[tilespmem:s12], [sflag:$0x4] =	stream.indirect.gather [hbm4b:s5+s30], $0x40, s6, s30, $0xb8;
	[tilespmem:$0xBE00] =	vst v63  }
0x67: {  	s9 =	simm.s32 $0x1A0;
	s15 =	simm.s32 $0xA500;
	s6 =	simm.s32 $0x1  }
0x68: {  	[tilespmem:s15], [sflag:$0x5] =	stream.indirect.gather [hbm4b:s5+s30], $0x40, s9, s30, $0xb8;
	[tilespmem:$0xBE00] =	vst v63  }
0x69: {  	_ =	swait.ge [sflag:s6], $0x1900  }
0x6a: {  	s11 =	rddreg [dreg:$0x3]  }
0x6b: {  	s2 =	rddreg [dreg:$0x4]  }
0x6c: {  	s28 =	rddreg [dreg:$0x19];
	s0 =	sadd.s32 s2, s11  }
0x6d: {  	[sflag:s6] =	ssyncset.done $0x0;
	s9 =	sadd.s32 s28, s14;
	s0 =	sshrl.u32 s0, $0x3  }
0x6e: {  	[sflag:s6] =	ssyncadd.s32 $0xFFFFE700;
	s9 =	sshrl.u32 s9, $0x3;
	s0 =	sadd.s32 s1, s0  }
0x6f: {  	[hbm4b:s0+s4] =	stream.linear.scatter [tilespmem:s7], [sflag:$0x6], $0xC80, $0x38;
	[tilespmem:$0xBE00] =	vst v63  }
0x70: {  	s16 =	simm.s32 $0x4D80;
	s18 =	simm.s32 $0x2;
	s13 =	sadd.s32 s1, s9  }
0x71: {  	[hbm4b:s13+s4] =	stream.linear.scatter [tilespmem:s16], [sflag:$0x6], $0xC80, $0x38;
	[tilespmem:$0xBE00] =	vst v63  }
0x72: {  	_ =	swait.ge [sflag:s18], $0x1900  }
0x73: {  	s16 =	rddreg [dreg:$0x17]  }
0x74: {  	[sflag:s18] =	ssyncset.done $0x0;
	s22 =	sadd.s32 s16, s14  }
0x75: {  	[sflag:s18] =	ssyncadd.s32 $0xFFFFE700;
	s0 =	sshrl.u32 s22, $0x3;
	s22 =	rddreg [dreg:$0x18]  }
0x76: {  	[hbm4b:s22+s4] =	stream.linear.scatter [tilespmem:s8], [sflag:$0x7], $0xC80, $0x38;
	[tilespmem:$0xBE00] =	vst v63  }
0x77: {  	s23 =	simm.s32 $0x6680;
	s24 =	simm.s32 $0x3;
	s0 =	sadd.s32 s1, s0  }
0x78: {  	[hbm4b:s0+s4] =	stream.linear.scatter [tilespmem:s23], [sflag:$0x7], $0xC80, $0x38;
	[tilespmem:$0xBE00] =	vst v63  }
0x79: {  	_ =	swait.ge [sflag:s24], $0x1900  }
0x7a: {  	s13 =	rddreg [dreg:$0x15]  }
0x7b: {  	[sflag:s24] =	ssyncset.done $0x0;
	s25 =	sadd.s32 s13, s14  }
0x7c: {  	s9 =	rddreg [dreg:$0x16];
	[sflag:s24] =	ssyncadd.s32 $0xFFFFE700;
	s0 =	sshrl.u32 s25, $0x3  }
0x7d: {  	[hbm4b:s9+s4] =	stream.linear.scatter [tilespmem:s10], [sflag:$0x8], $0xC80, $0x38;
	[tilespmem:$0xBE00] =	vst v63  }
0x7e: {  	s26 =	simm.s32 $0x7F80;
	s11 =	simm.s32 $0x4;
	s0 =	sadd.s32 s1, s0  }
0x7f: {  	[hbm4b:s0+s4] =	stream.linear.scatter [tilespmem:s26], [sflag:$0x8], $0xC80, $0x38;
	[tilespmem:$0xBE00] =	vst v63  }
0x80: {  	_ =	swait.ge [sflag:s11], $0x1900  }
0x81: {  	s18 =	rddreg [dreg:$0x13]  }
0x82: {  	[sflag:s11] =	ssyncset.done $0x0;
	s23 =	sadd.s32 s18, s14  }
0x83: {  	[sflag:s11] =	ssyncadd.s32 $0xFFFFE700;
	s11 =	rddreg [dreg:$0x14];
	s0 =	sshrl.u32 s23, $0x3  }
0x84: {  	[hbm4b:s11+s4] =	stream.linear.scatter [tilespmem:s12], [sflag:$0x9], $0xC80, $0x38;
	[tilespmem:$0xBE00] =	vst v63  }
0x85: {  	s24 =	simm.s32 $0x9880;
	s0 =	sadd.s32 s1, s0  }
0x86: {  	[hbm4b:s0+s4] =	stream.linear.scatter [tilespmem:s24], [sflag:$0x9], $0xC80, $0x38;
	[tilespmem:$0xBE00] =	vst v63  }
0x87: {  	_ =	swait.ge [sflag:s17], $0x1900  }
0x88: {  	s31 =	rddreg [dreg:$0x11]  }
0x89: {  	[sflag:s17] =	ssyncset.done $0x0;
	s25 =	sadd.s32 s31, s14  }
0x8a: {  	s6 =	rddreg [dreg:$0x12];
	[sflag:s17] =	ssyncadd.s32 $0xFFFFE700;
	s0 =	sshrl.u32 s25, $0x3  }
0x8b: {  	[hbm4b:s6+s4] =	stream.linear.scatter [tilespmem:s15], [sflag:$0xA], $0xC80, $0x38;
	[tilespmem:$0xBE00] =	vst v63  }
0x8c: {  	s26 =	simm.s32 $0xB180;
	s0 =	sadd.s32 s1, s0  }
0x8d: {  	[hbm4b:s0+s4] =	stream.linear.scatter [tilespmem:s26], [sflag:$0xA], $0xC80, $0x38;
	[tilespmem:$0xBE00] =	vst v63  }
0x8e: {  	_ =	swait.ge [sflag:s29], $0xC80  }
0x8f: {  	[sflag:s29] =	ssyncset.done $0x0  }
0x90: {  	[sflag:s29] =	ssyncadd.s32 $0xFFFFF380  }
0x91: {  	_ =	swait.ge [sflag:s29], $0xC80  }
0x92: {  	[sflag:s29] =	ssyncset.done $0x0  }
0x93: {  	s23 =	simm.s32 $0x208;
	[sflag:s29] =	ssyncadd.s32 $0xFFFFF380  }
0x94: {  	[tilespmem:s7], [sflag:$0x1] =	stream.indirect.gather [hbm4b:s5+s30], $0x40, s23, s30, $0xb8;
	[tilespmem:$0xBE00] =	vst v63  }
0x95: {  	_ =	swait.ge [sflag:s3], $0xC80  }
0x96: {  	[sflag:s3] =	ssyncset.done $0x0  }
0x97: {  	[sflag:s3] =	ssyncadd.s32 $0xFFFFF380  }
0x98: {  	_ =	swait.ge [sflag:s3], $0xC80  }
0x99: {  	[sflag:s3] =	ssyncset.done $0x0  }
0x9a: {  	s24 =	simm.s32 $0x270;
	[sflag:s3] =	ssyncadd.s32 $0xFFFFF380  }
0x9b: {  	[tilespmem:s8], [sflag:$0x2] =	stream.indirect.gather [hbm4b:s5+s30], $0x40, s24, s30, $0xb8;
	[tilespmem:$0xBE00] =	vst v63  }
0x9c: {  	_ =	swait.ge [sflag:s20], $0xC80  }
0x9d: {  	[sflag:s20] =	ssyncset.done $0x0  }
0x9e: {  	[sflag:s20] =	ssyncadd.s32 $0xFFFFF380  }
0x9f: {  	_ =	swait.ge [sflag:s20], $0xC80  }
0xa0: {  	[sflag:s20] =	ssyncset.done $0x0  }
0xa1: {  	s25 =	simm.s32 $0x2D8;
	[sflag:s20] =	ssyncadd.s32 $0xFFFFF380  }
0xa2: {  	[tilespmem:s10], [sflag:$0x3] =	stream.indirect.gather [hbm4b:s5+s30], $0x40, s25, s30, $0xb8;
	[tilespmem:$0xBE00] =	vst v63  }
0xa3: {  	_ =	swait.ge [sflag:s21], $0xC80  }
0xa4: {  	[sflag:s21] =	ssyncset.done $0x0  }
0xa5: {  	[sflag:s21] =	ssyncadd.s32 $0xFFFFF380  }
0xa6: {  	_ =	swait.ge [sflag:s21], $0xC80  }
0xa7: {  	s28 =	sadd.s32 $0x7D00, s28;
	[sflag:s21] =	ssyncset.done $0x0  }
0xa8: {  	s13 =	sadd.s32 $0x7D00, s13;
	s26 =	simm.s32 $0x340;
	[sflag:s21] =	ssyncadd.s32 $0xFFFFF380  }
0xa9: {  	[tilespmem:s12], [sflag:$0x4] =	stream.indirect.gather [hbm4b:s5+s30], $0x40, s26, s30, $0xb8;
	[tilespmem:$0xBE00] =	vst v63  }
0xaa: {  	s18 =	sadd.s32 $0x7D00, s18;
	s11 =	sadd.s32 $0xFA0, s11;
	_ =	swait.ge [sflag:s19], $0xC80  }
0xab: {  	s0 =	simm.s32 $0x3A8;
	s23 =	simm.s32 $0x3A8;
	[sflag:s19] =	ssyncset.done $0x0  }
0xac: {  	s24 =	simm.s32 $0xA;
	s25 =	sadd.s32 $0x7D00, s2;
	[sflag:s19] =	ssyncadd.s32 $0xFFFFF380  }
0xad: {  	s26 =	sadd.s32 $0xFA0, s22;
	s22 =	sadd.s32 $0xFA0, s9;
	_ =	swait.ge [sflag:s19], $0xC80  }
0xae: {  	s9 =	sadd.s32 $0x7D00, s16;
	s16 =	sadd.s32 $0xFA0, s6;
	[sflag:s19] =	ssyncset.done $0x0  }
.LBB2_2:
0xaf: {  	[sflag:s19] =	ssyncadd.s32 $0xFFFFF380;
	s15 =	simm.s32 $0xA500;
	s6 =	simm.s32 $0x1  }
0xb0: {  	[tilespmem:s15], [sflag:$0x5] =	stream.indirect.gather [hbm4b:s5+s30], $0x40, s0, s30, $0xb8;
	[tilespmem:$0xBE00] =	vst v63  }
0xb1: {  	_ =	swait.ge [sflag:s6], $0x1900  }
0xb2: {  	s2 =	rddreg [dreg:$0x3]  }
0xb3: {  	s8 =	sadd.s32 s28, s14;
	s2 =	sadd.s32 s25, s2  }
0xb4: {  	s7 =	simm.s32 $0x4100;
	[sflag:s6] =	ssyncset.done $0x0;
	s2 =	sshrl.u32 s2, $0x3  }
0xb5: {  	[sflag:s6] =	ssyncadd.s32 $0xFFFFE700;
	s6 =	sshrl.u32 s8, $0x3;
	s2 =	sadd.s32 s1, s2  }
0xb6: {  	[hbm4b:s2+s4] =	stream.linear.scatter [tilespmem:s7], [sflag:$0x6], $0xC80, $0x38;
	[tilespmem:$0xBE00] =	vst v63  }
0xb7: {  	s12 =	simm.s32 $0x4D80;
	s8 =	simm.s32 $0x2;
	s10 =	sadd.s32 s1, s6  }
0xb8: {  	[hbm4b:s10+s4] =	stream.linear.scatter [tilespmem:s12], [sflag:$0x6], $0xC80, $0x38;
	[tilespmem:$0xBE00] =	vst v63  }
0xb9: {  	_ =	swait.ge [sflag:s8], $0x1900  }
0xba: {  	s10 =	sadd.s32 s9, s14;
	[sflag:s8] =	ssyncset.done $0x0  }
0xbb: {  	s2 =	sshrl.u32 s10, $0x3;
	[sflag:s8] =	ssyncadd.s32 $0xFFFFE700;
	s8 =	simm.s32 $0x5A00  }
0xbc: {  	[hbm4b:s26+s4] =	stream.linear.scatter [tilespmem:s8], [sflag:$0x7], $0xC80, $0x38;
	[tilespmem:$0xBE00] =	vst v63  }
0xbd: {  	s12 =	simm.s32 $0x6680;
	s2 =	sadd.s32 s1, s2  }
0xbe: {  	[hbm4b:s2+s4] =	stream.linear.scatter [tilespmem:s12], [sflag:$0x7], $0xC80, $0x38;
	[tilespmem:$0xBE00] =	vst v63  }
0xbf: {  	s2 =	simm.s32 $0x3  }
0xc0: {  	_ =	swait.ge [sflag:s2], $0x1900  }
0xc1: {  	s10 =	sadd.s32 s13, s14;
	[sflag:s2] =	ssyncset.done $0x0  }
0xc2: {  	[sflag:s2] =	ssyncadd.s32 $0xFFFFE700;
	s2 =	sshrl.u32 s10, $0x3;
	s10 =	simm.s32 $0x7300  }
0xc3: {  	[hbm4b:s22+s4] =	stream.linear.scatter [tilespmem:s10], [sflag:$0x8], $0xC80, $0x38;
	[tilespmem:$0xBE00] =	vst v63  }
0xc4: {  	s12 =	simm.s32 $0x7F80;
	s2 =	sadd.s32 s1, s2  }
0xc5: {  	[hbm4b:s2+s4] =	stream.linear.scatter [tilespmem:s12], [sflag:$0x8], $0xC80, $0x38;
	[tilespmem:$0xBE00] =	vst v63  }
0xc6: {  	s2 =	simm.s32 $0x4  }
0xc7: {  	_ =	swait.ge [sflag:s2], $0x1900  }
0xc8: {  	s12 =	sadd.s32 s18, s14;
	[sflag:s2] =	ssyncset.done $0x0  }
0xc9: {  	[sflag:s2] =	ssyncadd.s32 $0xFFFFE700;
	s2 =	sshrl.u32 s12, $0x3;
	s12 =	simm.s32 $0x8C00  }
0xca: {  	[hbm4b:s11+s4] =	stream.linear.scatter [tilespmem:s12], [sflag:$0x9], $0xC80, $0x38;
	[tilespmem:$0xBE00] =	vst v63  }
0xcb: {  	s6 =	simm.s32 $0x9880;
	s2 =	sadd.s32 s1, s2  }
0xcc: {  	[hbm4b:s2+s4] =	stream.linear.scatter [tilespmem:s6], [sflag:$0x9], $0xC80, $0x38;
	[tilespmem:$0xBE00] =	vst v63  }
0xcd: {  	s31 =	sadd.s32 $0x7D00, s31;
	_ =	swait.ge [sflag:s17], $0x1900  }
0xce: {  	s6 =	sadd.s32 s31, s14;
	[sflag:s17] =	ssyncset.done $0x0  }
0xcf: {  	s2 =	sshrl.u32 s6, $0x3;
	[sflag:s17] =	ssyncadd.s32 $0xFFFFE700  }
0xd0: {  	[hbm4b:s16+s4] =	stream.linear.scatter [tilespmem:s15], [sflag:$0xA], $0xC80, $0x38;
	[tilespmem:$0xBE00] =	vst v63  }
0xd1: {  	s2 =	sadd.s32 s1, s2;
	s15 =	simm.s32 $0xB180  }
0xd2: {  	[hbm4b:s2+s4] =	stream.linear.scatter [tilespmem:s15], [sflag:$0xA], $0xC80, $0x38;
	[tilespmem:$0xBE00] =	vst v63  }
0xd3: {  	_ =	swait.ge [sflag:s29], $0xC80  }
0xd4: {  	[sflag:s29] =	ssyncset.done $0x0  }
0xd5: {  	[sflag:s29] =	ssyncadd.s32 $0xFFFFF380  }
0xd6: {  	_ =	swait.ge [sflag:s29], $0xC80  }
0xd7: {  	s23 =	sadd.s32 $0x208, s23;
	[sflag:s29] =	ssyncset.done $0x0  }
0xd8: {  	s15 =	sadd.s32 $0xFFFFFE60, s23;
	[sflag:s29] =	ssyncadd.s32 $0xFFFFF380  }
0xd9: {  	[tilespmem:s7], [sflag:$0x1] =	stream.indirect.gather [hbm4b:s5+s30], $0x40, s15, s30, $0xb8;
	[tilespmem:$0xBE00] =	vst v63  }
0xda: {  	_ =	swait.ge [sflag:s3], $0xC80  }
0xdb: {  	[sflag:s3] =	ssyncset.done $0x0  }
0xdc: {  	[sflag:s3] =	ssyncadd.s32 $0xFFFFF380  }
0xdd: {  	_ =	swait.ge [sflag:s3], $0xC80  }
0xde: {  	[sflag:s3] =	ssyncset.done $0x0  }
0xdf: {  	s15 =	sadd.s32 $0xFFFFFEC8, s23;
	[sflag:s3] =	ssyncadd.s32 $0xFFFFF380  }
0xe0: {  	[tilespmem:s8], [sflag:$0x2] =	stream.indirect.gather [hbm4b:s5+s30], $0x40, s15, s30, $0xb8;
	[tilespmem:$0xBE00] =	vst v63  }
0xe1: {  	_ =	swait.ge [sflag:s20], $0xC80  }
0xe2: {  	[sflag:s20] =	ssyncset.done $0x0  }
0xe3: {  	[sflag:s20] =	ssyncadd.s32 $0xFFFFF380  }
0xe4: {  	_ =	swait.ge [sflag:s20], $0xC80  }
0xe5: {  	[sflag:s20] =	ssyncset.done $0x0  }
0xe6: {  	s15 =	sadd.s32 $0xFFFFFF30, s23;
	[sflag:s20] =	ssyncadd.s32 $0xFFFFF380  }
0xe7: {  	[tilespmem:s10], [sflag:$0x3] =	stream.indirect.gather [hbm4b:s5+s30], $0x40, s15, s30, $0xb8;
	[tilespmem:$0xBE00] =	vst v63  }
0xe8: {  	_ =	swait.ge [sflag:s21], $0xC80  }
0xe9: {  	[sflag:s21] =	ssyncset.done $0x0  }
0xea: {  	p0 =	sne.s32 s24, $0x12C;
	s24 =	sadd.s32 $0xA, s24;
	[sflag:s21] =	ssyncadd.s32 $0xFFFFF380  }
0xeb: {  	s28 =	sadd.s32 $0x7D00, s28;
	s0 =	smov.u32 s23;
	_ =	swait.ge [sflag:s21], $0xC80  }
0xec: {  	s25 =	sadd.s32 $0x7D00, s25;
	s9 =	sadd.s32 $0x7D00, s9;
	[sflag:s21] =	ssyncset.done $0x0  }
0xed: {  	s13 =	sadd.s32 $0x7D00, s13;
	s15 =	sadd.s32 $0xFFFFFF98, s23;
	[sflag:s21] =	ssyncadd.s32 $0xFFFFF380  }
0xee: {  	[tilespmem:s12], [sflag:$0x4] =	stream.indirect.gather [hbm4b:s5+s30], $0x40, s15, s30, $0xb8;
	[tilespmem:$0xBE00] =	vst v63  }
.Ltmp0:
0xef: {  	s26 =	sadd.s32 $0xFA0, s26;
	_ =	swait.ge [sflag:s19], $0xC80;
	(pc) =	sbr.rel @p0 .LBB2_2-.Ltmp0, $4  }
0xf0: {  	s22 =	sadd.s32 $0xFA0, s22;
	s18 =	sadd.s32 $0x7D00, s18;
	[sflag:s19] =	ssyncset.done $0x0  }
0xf1: {  	s11 =	sadd.s32 $0xFA0, s11;
	s6 =	simm.s32 $0x4100;
	[sflag:s19] =	ssyncadd.s32 $0xFFFFF380  }
0xf2: {  	s16 =	sadd.s32 $0xFA0, s16;
	s7 =	simm.s32 $0x5A00;
	_ =	swait.ge [sflag:s19], $0xC80  }
0xf3: {  	s8 =	simm.s32 $0x7300;
	s10 =	simm.s32 $0x8C00;
	[sflag:s19] =	ssyncset.done $0x0  }
0xf4: {  	[sflag:s19] =	ssyncadd.s32 $0xFFFFF380;
	s2 =	simm.s32 $0xA500;
	s24 =	simm.s32 $0x1  }
0xf5: {  	[tilespmem:s2], [sflag:$0x5] =	stream.indirect.gather [hbm4b:s5+s30], $0x40, s0, s30, $0xb8;
	[tilespmem:$0xBE00] =	vst v63  }
0xf6: {  	_ =	swait.ge [sflag:s24], $0x1900  }
0xf7: {  	[sflag:s24] =	ssyncset.done $0x0  }
0xf8: {  	s25 =	rddreg [dreg:$0x6];
	[sflag:s24] =	ssyncadd.s32 $0xFFFFE700  }
0xf9: {  	[hbm4b:s25+s4] =	stream.linear.scatter [tilespmem:s6], [sflag:$0x6], $0xC80, $0x38;
	[tilespmem:$0xBE00] =	vst v63  }
0xfa: {  	s28 =	simm.s32 $0x4D80;
	s31 =	simm.s32 $0x2;
	s26 =	rddreg [dreg:$0x7]  }
0xfb: {  	[hbm4b:s26+s4] =	stream.linear.scatter [tilespmem:s28], [sflag:$0x6], $0xC80, $0x38;
	[tilespmem:$0xBE00] =	vst v63  }
0xfc: {  	_ =	swait.ge [sflag:s31], $0x1900  }
0xfd: {  	[sflag:s31] =	ssyncset.done $0x0  }
0xfe: {  	s6 =	rddreg [dreg:$0x8];
	[sflag:s31] =	ssyncadd.s32 $0xFFFFE700  }
0xff: {  	[hbm4b:s6+s4] =	stream.linear.scatter [tilespmem:s7], [sflag:$0x7], $0xC80, $0x38;
	[tilespmem:$0xBE00] =	vst v63  }
0x100: {  	s9 =	simm.s32 $0x6680;
	s11 =	simm.s32 $0x3;
	s7 =	rddreg [dreg:$0x9]  }
0x101: {  	[hbm4b:s7+s4] =	stream.linear.scatter [tilespmem:s9], [sflag:$0x7], $0xC80, $0x38;
	[tilespmem:$0xBE00] =	vst v63  }
0x102: {  	_ =	swait.ge [sflag:s11], $0x1900  }
0x103: {  	[sflag:s11] =	ssyncset.done $0x0  }
0x104: {  	s12 =	rddreg [dreg:$0xa];
	[sflag:s11] =	ssyncadd.s32 $0xFFFFE700  }
0x105: {  	[hbm4b:s12+s4] =	stream.linear.scatter [tilespmem:s8], [sflag:$0x8], $0xC80, $0x38;
	[tilespmem:$0xBE00] =	vst v63  }
0x106: {  	s15 =	simm.s32 $0x7F80;
	s16 =	simm.s32 $0x4;
	s13 =	rddreg [dreg:$0xb]  }
0x107: {  	[hbm4b:s13+s4] =	stream.linear.scatter [tilespmem:s15], [sflag:$0x8], $0xC80, $0x38;
	[tilespmem:$0xBE00] =	vst v63  }
0x108: {  	_ =	swait.ge [sflag:s16], $0x1900  }
0x109: {  	[sflag:s16] =	ssyncset.done $0x0  }
0x10a: {  	s18 =	rddreg [dreg:$0xc];
	[sflag:s16] =	ssyncadd.s32 $0xFFFFE700  }
0x10b: {  	[hbm4b:s18+s4] =	stream.linear.scatter [tilespmem:s10], [sflag:$0x9], $0xC80, $0x38;
	[tilespmem:$0xBE00] =	vst v63  }
0x10c: {  	s23 =	simm.s32 $0x9880;
	s22 =	rddreg [dreg:$0xd]  }
0x10d: {  	[hbm4b:s22+s4] =	stream.linear.scatter [tilespmem:s23], [sflag:$0x9], $0xC80, $0x38;
	[tilespmem:$0xBE00] =	vst v63  }
0x10e: {  	_ =	swait.ge [sflag:s17], $0x1900  }
0x10f: {  	[sflag:s17] =	ssyncset.done $0x0  }
0x110: {  	s24 =	rddreg [dreg:$0xe];
	[sflag:s17] =	ssyncadd.s32 $0xFFFFE700  }
0x111: {  	[hbm4b:s24+s4] =	stream.linear.scatter [tilespmem:s2], [sflag:$0xA], $0xC80, $0x38;
	[tilespmem:$0xBE00] =	vst v63  }
0x112: {  	s26 =	simm.s32 $0xB180;
	s25 =	rddreg [dreg:$0xf]  }
0x113: {  	[hbm4b:s25+s4] =	stream.linear.scatter [tilespmem:s26], [sflag:$0xA], $0xC80, $0x38;
	[tilespmem:$0xBE00] =	vst v63  }
0x114: {  	_ =	swait.ge [sflag:s29], $0xC80  }
0x115: {  	[sflag:s29] =	ssyncset.done $0x0  }
0x116: {  	[sflag:s29] =	ssyncadd.s32 $0xFFFFF380  }
0x117: {  	_ =	swait.ge [sflag:s29], $0xC80  }
0x118: {  	[sflag:s29] =	ssyncset.done $0x0  }
0x119: {  	[sflag:s29] =	ssyncadd.s32 $0xFFFFF380  }
0x11a: {  	_ =	swait.ge [sflag:s3], $0xC80  }
0x11b: {  	[sflag:s3] =	ssyncset.done $0x0  }
0x11c: {  	[sflag:s3] =	ssyncadd.s32 $0xFFFFF380  }
0x11d: {  	_ =	swait.ge [sflag:s3], $0xC80  }
0x11e: {  	[sflag:s3] =	ssyncset.done $0x0  }
0x11f: {  	[sflag:s3] =	ssyncadd.s32 $0xFFFFF380  }
0x120: {  	_ =	swait.ge [sflag:s20], $0xC80  }
0x121: {  	[sflag:s20] =	ssyncset.done $0x0  }
0x122: {  	[sflag:s20] =	ssyncadd.s32 $0xFFFFF380  }
0x123: {  	_ =	swait.ge [sflag:s20], $0xC80  }
0x124: {  	[sflag:s20] =	ssyncset.done $0x0  }
0x125: {  	[sflag:s20] =	ssyncadd.s32 $0xFFFFF380  }
0x126: {  	_ =	swait.ge [sflag:s21], $0xC80  }
0x127: {  	[sflag:s21] =	ssyncset.done $0x0  }
0x128: {  	[sflag:s21] =	ssyncadd.s32 $0xFFFFF380  }
0x129: {  	_ =	swait.ge [sflag:s21], $0xC80  }
0x12a: {  	[sflag:s21] =	ssyncset.done $0x0  }
0x12b: {  	[sflag:s21] =	ssyncadd.s32 $0xFFFFF380  }
0x12c: {  	_ =	swait.ge [sflag:s19], $0xC80  }
0x12d: {  	[sflag:s19] =	ssyncset.done $0x0  }
0x12e: {  	[sflag:s19] =	ssyncadd.s32 $0xFFFFF380  }
0x12f: {  	_ =	swait.ge [sflag:s19], $0xC80  }
0x130: {  	s28 =	rddreg [dreg:$0x1a]  }
0x131: {  	s31 =	rddreg [dreg:$0x10];
	s2 =	sadd.s32 $0x1, s28  }
0x132: {  	p0 =	sne.s32 s2, s31  }
.Ltmp1:
0x133: {  	_ = 	snop;
	(pc) =	sbr.rel @p0 .LBB2_1-.Ltmp1, $3  }
0x134: {  	_ =	sdelay $0x1  }
0x135: {  	[sflag:s19] =	ssyncset.done $0x0  }
0x136: {  	[sflag:s19] =	ssyncadd.s32 $0xFFFFF380  }
0x137: {  	_ =	sfence.sel $0x180000  }
0x138: {  	[bflag:$0x0] =	sbarrier.arrive $0xFFFF  }
0x139: {  	_ =	strace $0x90000047  }
0x13a: {  	s0 =	stileid.u32;
	[bflag:$0x2] =	sbarrier.arrive $0xFFFF  }
0x13b: {  	p0 =	sne.s32 s0, $0x0;
	s0 =	rddreg [dreg:$0x2]  }
0x13c: {  	s0 =	sadd.s32 @!p0 $0x100000, s0  }
0x13d: {  	[sflag:s0] =	ssyncadd.tile.s32 @!p0 $0x1;
	_ =	shalt  }
.Lfunc_end2:
_tile_overlayer_lowered:
.L_overlay_start_2:
0x13e: {  	(tag) =	ssettag $0x2  }
0x13f: {  	s0 =	rddreg [dreg:$0x0];
	s2 =	stileid.u32  }
0x140: {  	s1 =	rddreg [dreg:$0x1];
	p0 =	sne.s32 s2, $0x0  }
0x141: {  	s3 =	rddreg [dreg:$0x2];
	[bflag:$0x3] =	sbarrier.arrive $0xFFFF;
	s2 =	simm.s32 @!p0 $0x1C0B  }
0x142: {  	[timem:s3], [sflag:s2] =	dma.local @!p0 [hbm:s0], s1  }
0x143: {  	s0 =	simm.s32 @!p0 $0xB  }
0x144: {  	_ =	swait.ge @!p0 [sflag:s0], s1  }
0x145: {  	s1 =	ssub.s32 @!p0 $0x0, s1;
	[sflag:s0] =	ssyncset.done @!p0 $0x0  }
0x146: {  	[sflag:s0] =	ssyncadd.s32 @!p0 s1  }
0x147: {  	[bflag:$0x3] =	sbarrier.arrive $0xFFFF  }
0x148: {  	_ =	shalt  }

// kernel: sparse-core-data-format-call.cloned.1.call-start
scs
called_computation_lowered:
.L_overlay_start_0:
0x0: {  	s2 =	sld [smem:$0x3FD9]  }
0x1: {  	s3 =	sld [smem:$0x3FFE];
	_ =	sdelay $0x1  }
0x2: {  	s1 =	srdreg.scid  }
0x3: {  	s0 =	sand.u32 $0x1, s1  }
0x4: {  	s18 =	sshll.u32 s0, $0xA;
	s2 =	sadd.s32 s3, s2  }
0x5: {  	s2 =	sadd.s32 s2, s18  }
0x6: {  	[smem:$0x3FC6] =	sst s2  }
0x7: {  	_ = 	snop  }
0x8: {  	s2 =	sld [smem:$0x3FD0];
	(tm) =	ssettm $0x1  }
0x9: {  	s19 =	sld [smem:$0x3FFB];
	_ =	sdelay $0x3  }
0xa: {  	_ =	strace s19  }
0xb: {  	s3 =	sld [smem:$0x3FFC];
	_ =	sdelay $0x3  }
0xc: {  	_ =	strace s3  }
0xd: {  	s3 =	sld [smem:$0x3FFD];
	_ =	sdelay $0x3  }
0xe: {  	_ =	strace s3  }
0xf: {  	_ =	strace $0x8FFFFFFF  }
0x10: {  	s20 =	sld [smem:$0x3FDB];
	_ =	sdelay $0x1  }
0x11: {  	s4 =	simm.s32 $_scs_section_size  }
0x12: {  	s5 =	simm.s32 $_size__tile_overlayer_lowered;
	s6 =	simm.s32 $_tile_overlayer_lowered  }
0x13: {  	s23 =	simm.s32 $0x1BFF;
	s22 =	sshll.u32 s6, $0x1;
	s3 =	sadd.s32 s4, s20  }
0x14: {  	s7 =	simm.s32 $0x0;
	s21 =	sshll.u32 s5, $0x1;
	s5 =	sadd.s32 s22, s3  }
0x15: {  	[timem:s7], [sflag:s23] =	dma.local [hbm:s5], s21  }
0x16: {  	_ =	swait.ge [sflag:s23], s21  }
0x17: {  	s4 =	ssub.s32 $0x0, s21;
	[sflag:s23] =	ssyncset.done $0x0  }
0x18: {  	[sflag:s23] =	ssyncadd.s32 s4;
	_ =	sdelay $0x1  }
0x19: {  	s24 =	simm.s32 $0x1B8B  }
0x1a: {  	_ =	swait.ge [sflag:s24], $0x1  }
0x1b: {  	[sflag:s24] =	ssyncset.done $0x0  }
0x1c: {  	s26 =	simm.s32 $0x1B8E;
	s25 =	sld [smem:$0x3FFE];
	[sflag:s24] =	ssyncadd.s32 $0xFFFFFFFF  }
0x1d: {  	s27 =	simm.s32 $execute0_lowered;
	[smem:$0x3FD2] =	sst s26  }
0x1e: {  	s5 =	sshll.u32 s27, $0x1;
	_ =	strace $0x80000049;
	[dreg:$0x1] =	wrdreg $0xFFFFFFFF  }
0x1f: {  	s28 =	simm.s32 $_size_execute0_lowered;
	s3 =	sadd.s32 s3, s5;
	[dreg:$0x0] =	wrdreg $0x0  }
0x20: {  	s5 =	sshll.u32 s28, $0x1;
	[dreg:$0x2] =	wrdreg s3  }
0x21: {  	[dreg:$0x3] =	wrdreg s5  }
0x22: {  	[dreg:$0x4] =	wrdreg $0xC0  }
0x23: {  	_ =	task [dreg:s7], $0x5FFFF  }
0x24: {  	[dreg:$0x1] =	wrdreg $0xFFFFFFFF  }
0x25: {  	[dreg:$0x0] =	wrdreg $0x60  }
0x26: {  	[dreg:$0x2] =	wrdreg s25  }
0x27: {  	[dreg:$0x3] =	wrdreg s2  }
0x28: {  	[dreg:$0x4] =	wrdreg $0x9  }
0x29: {  	_ =	task.clear_ibuf [dreg:s7], $0x5FFFF;
	_ =	strace $0x90000049  }
0x2a: {  	s29 =	simm.s32 $0x9;
	_ =	strace $0x8000004B  }
0x2b: {  	_ =	swait.ge [sflag:s29], $0x1  }
0x2c: {  	[sflag:s29] =	ssyncadd.s32 $0xFFFFFFFF  }
0x2d: {  	_ =	strace $0x9000004B  }
0x2e: {  	_ =	sfence  }
0x2f: {  	s30 =	sld [smem:$0x0];
	_ =	sdelay $0x2  }
0x30: {  	s31 =	sshll.u32 s1, $0xD;
	s1 =	sshrl.u32 s1, $0x2  }
0x31: {  	s3 =	sand.u32 $0x4000, s31;
	s1 =	sadd.s32 s1, s30  }
0x32: {  	s0 =	sor.u32 s3, s0;
	s1 =	sshll.u32 s1, $0x11  }
0x33: {  	s0 =	sor.u32 s1, s0  }
0x34: {  	s0 =	sadd.s32 $0x8F2B, s0  }
0x35: {  	[sflag:s0] =	ssyncadd.remote.s32 $0x1  }
0x36: {  	_ =	sfence.sel $0xFFFF  }
0x37: {  	[dreg:$0x0] =	wrdreg $0xFFFFFFFF;
	(pc) =	sbr.abs _section_cstart, $3  }
0x38: {  	[dreg:$0x1] =	wrdreg $0xFFFFFFFF  }
0x39: {  	_ =	task.clear_ibuf [dreg:s7], $0x2FFFF;
	_ =	strace $0x9FFFFFFF  }
0x3a: {  	(tm) =	ssettm $0x7FFFFFFF  }
0x3b: {  	_ =	shalt  }
tec
execute0_lowered:
.L_overlay_start_1:
0x0: {  	(tag) =	ssettag $0x1  }
0x1: {  	s0 =	stileid.u32  }
0x2: {  	s1 =	srdreg.scid;
	s2 =	sshll.u32 s0, $0x7  }
0x3: {  	s7 =	rddreg [dreg:$0x0];
	s3 =	sshll.u32 s1, $0x4;
	s1 =	sand.u32 $0x380, s2  }
0x4: {  	s8 =	simm.s32 $0x2;
	s30 =	sand.u32 $0x10, s3;
	s31 =	ssub.s32 $0x400, s1  }
0x5: {  	s14 =	simm.s32 $0x0;
	s2 =	sor.u32 s0, s30;
	s4 =	sand.u32 $0x380, s31  }
0x6: {  	s2 =	sshrl.u32 s2, $0x3;
	p0 =	sne.s32 s4, $0x0;
	s4 =	simm.s32 $0x1  }
0x7: {  	s3 =	sshrl.u32 s31, $0xA;
	s5 =	ssub.s32 $0x35, s2;
	s4 =	simm.s32 @!p0 $0x0  }
0x8: {  	s9 =	simm.s32 $0x2000;
	s5 =	sshrl.u32 s5, $0x2;
	s3 =	sadd.s32 s4, s3  }
0x9: {  	s16 =	simm.s32 $0x0;
	s15 =	simm.s32 $0x0;
	s6 =	smul.u32 s5, s3  }
.Ltmp0:
0xa: {  	s11 =	simm.s32 $0x0;
	s4 =	rddreg [dreg:$0x1];
	(pc) =	sbr.rel .LBB1_1-.Ltmp0, $4  }
0xb: {  	s13 =	simm.s32 $0x0;
	s7 =	sadd.s32 $0xA00, s7;
	s3 =	rddreg [dreg:$0x2]  }
0xc: {  	_ =	strace $0x8000004A;
	s5 =	simm.s32 $0x1;
	s6 =	smul.u32 $0xA, s6  }
0xd: {  	s12 =	smov.u32 s1;
	s10 =	smov.u32 s2;
	[sflag:s5] =	ssyncpa.u1 $0x0  }
0xe: {  	p0 =	por $0x0, $0x0;
	[sflag:s8] =	ssyncpa.u1 $0x0;
	s8 =	sor.u32 $0x1, s6  }
.LBB1_4:
0xf: {  	s19 =	sand.u32 $0x1F80, s15;
	s16 =	smul.u32 $0x64000, s16  }
0x10: {  	s20 =	sshrl.u32 s15, $0x3;
	s19 =	sadd.s32 s4, s19  }
0x11: {  	[tilespmem:s18+$0x810 ss:$0x81] =	vst.msk $0xffff, v2;
	s31 =	sand.u32 $0x7, s15;
	s20 =	sand.u32 $0xF, s20;
	s16 =	sadd.s32 s16, s19  }
0x12: {  	[tilespmem:s18+$0x1020 ss:$0x81] =	vst.msk $0xffff, v0;
	s14 =	sshll.u32 s14, $0xD;
	s15 =	sshll.u32 s31, $0x12;
	s16 =	sadd.s32 s20, s16  }
0x13: {  	[tilespmem:s18+$0x0 ss:$0x81] =	vst.msk $0xffff, v1;
	s15 =	sor.u32 $0x400, s15;
	s14 =	sadd.s32 s14, s16  }
0x14: {  	[hbm4b:s14+s15] =	stream.strided.scatter [tilespmem:s17], [sflag:$0x2], $0x2000, s9, s15, $0x20;
	[tilespmem:$0x8080] =	vst v63  }
.LBB1_5:
0x15: {  	s17 =	sadd.s32 $0x4, s10  }
0x16: {  	s14 =	simm.s32 $0x1;
	p2 =	sgt.s32 s17, $0x31  }
0x17: {  	s14 =	simm.s32 @!p2 $0x0  }
0x18: {  	s18 =	sadd.s32 s14, s11  }
0x19: {  	s20 =	smov.u32 s12;
	s14 =	sadd.s32 $0x400, s12;
	p3 =	sgt.s32 s18, $0x9  }
0x1a: {  	s20 =	smov.u32 @p3 s14  }
0x1b: {  	p1 =	slt.u32 s13, $0x2;
	s17 =	smov.u32 @p2 s2;
	p2 =	sgt.s32 s20, $0x3FF  }
0x1c: {  	s19 =	simm.s32 @!p1 $0x2;
	s20 =	smov.u32 @p2 s1;
	p2 =	sne.s32 s13, s8  }
.Ltmp1:
0x1d: {  	_ =	swait.ge @!p1 [sflag:s19], $0x2000;
	(pc) =	sbr.rel @!p2 .LBB1_6-.Ltmp1, $4  }
0x1e: {  	s16 =	smov.u32 s11;
	[sflag:s19] =	ssyncset.done @!p1 $0x0  }
0x1f: {  	s15 =	smov.u32 s12;
	p0 =	por !p0, !p0;
	[sflag:s19] =	ssyncadd.s32 @!p1 $0xFFFFE000  }
0x20: {  	s18 =	simm.s32 @p3 $0x0;
	s14 =	smov.u32 s10;
	s10 =	smov.u32 s17  }
0x21: {  	s11 =	smov.u32 s18;
	s13 =	sadd.s32 $0x1, s13;
	s12 =	smov.u32 s20  }
.LBB1_1:
0x22: {  	p1 =	sge.u32 s13, s6  }
0x23: {  	s17 =	sand.u32 @!p1 $0x1FFFFFF, s10;
	s19 =	smul.u32 @!p1 $0x2300, s12  }
0x24: {  	s18 =	smulhi.u32 @!p1 $0x4924925, s17  }
0x25: {  	s21 =	smul.u32 @!p1 $0x380, s11  }
0x26: {  	s18 =	smul.u32 @!p1 $0x38, s18  }
0x27: {  	s31 =	sadd.s32 $0xFFFFFFFF, s13;
	s19 =	sadd.s32 @!p1 s7, s19  }
0x28: {  	s20 =	sxor.u32 @!p1 $0xFFFFFFFF, s13;
	s19 =	sadd.s32 @!p1 s21, s19;
	s17 =	ssub.s32 @!p1 s17, s18  }
0x29: {  	s18 =	sshll.u32 @!p1 s20, $0xD;
	s20 =	simm.s32 @!p1 $0x11800;
	s17 =	sshll.u32 @!p1 s17, $0x4  }
0x2a: {  	s18 =	sand.u32 @!p1 $0x2000, s18;
	s17 =	sadd.s32 @!p1 s17, s19;
	s19 =	simm.s32 @!p1 $0x40  }
0x2b: {  	[tilespmem:s18], [sflag:$0x1] =	stream.strided.gather @!p1 [hbm4b:s17+s19], $0x2000, s20, s19, $0x38;
	[tilespmem:$0x8080] =	vst v63  }
0x2c: {  	p1 =	sge.u32 s31, s6  }
.Ltmp2:
0x2d: {  	_ = 	snop;
	(pc) =	sbr.rel @p1 .LBB1_5-.Ltmp2, $1  }
0x2e: {  	_ =	sdelay $0x3  }
0x2f: {  	s17 =	simm.s32 $0x1  }
0x30: {  	_ =	swait.ge [sflag:s5], $0x2000;
	s17 =	simm.s32 @!p0 $0x0  }
0x31: {  	[sflag:s5] =	ssyncset.done $0x0;
	s18 =	sshll.u32 s17, $0xD  }
0x32: {  	[sflag:s5] =	ssyncadd.s32 $0xFFFFE000;
	s21 =	sor.u32 $0x20, s18  }
0x33: {  	s17 =	smul.u32 $0x8100, s17;
	v3 =	vld [tilespmem:s21+$0x10]  }
0x34: {  	s30 =	sand.u32 $0x1, s13;
	v2 =	vld [tilespmem:s21+$0xFFFFFFF0]  }
0x35: {  	s18 =	smul.u32 $0x8100, s30;
	s17 =	sshrl.u32 s17, $0x2;
	v0 =	vld [tilespmem:s21+$0x0]  }
0x36: {  	v1 =	vld [tilespmem:s21+$0xFFFFFFE0];
	s19 =	sor.u32 $0x4000, s17  }
0x37: {  	s31 =	sshrl.u32 s18, $0x2;
	s18 =	sadd.s32 $0x0, s19  }
0x38: {  	s20 =	simm.s32 $0x4;
	s21 =	sadd.s32 $0x40, s21;
	s17 =	sor.u32 $0x4000, s31;
	[tilespmem:s18+$0x1830 ss:$0x81] =	vst.msk $0xffff, v3  }
.LBB1_3:
0x39: {  	v3 =	vld [tilespmem:s21+$0x10];
	p1 =	sne.s32 s20, $0x1FC;
	[tilespmem:s18+$0x810 ss:$0x81] =	vst.msk $0xffff, v2;
	s22 =	smov.u32 s20;
	s20 =	sadd.s32 $0x4, s20  }
.Ltmp3:
0x3a: {  	v2 =	vld [tilespmem:s21+$0xFFFFFFF0];
	[tilespmem:s18+$0x1020 ss:$0x81] =	vst.msk $0xffff, v0;
	(pc) =	sbr.rel @p1 .LBB1_3-.Ltmp3, $4  }
0x3b: {  	v0 =	vld [tilespmem:s21+$0x0];
	[tilespmem:s18+$0x0 ss:$0x81] =	vst.msk $0xffff, v1  }
0x3c: {  	s18 =	sshra.s32 s22, $0x2;
	v1 =	vld [tilespmem:s21+$0xFFFFFFE0]  }
0x3d: {  	s18 =	sadd.s32 s18, s19  }
0x3e: {  	s21 =	sadd.s32 $0x40, s21;
	[tilespmem:s18+$0x1830 ss:$0x81] =	vst.msk $0xffff, v3  }
.Ltmp4:
0x3f: {  	_ = 	snop;
	(pc) =	sbr.rel .LBB1_4-.Ltmp4, $1  }
0x40: {  	_ =	sdelay $0x3  }
.LBB1_6:
0x41: {  	_ =	sfence.sel $0x180000  }
0x42: {  	s1 =	simm.s32 $0x1;
	[bflag:$0x0] =	sbarrier.arrive $0xFFFF  }
0x43: {  	s31 =	simm.s32 $0x2;
	[sflag:s1] =	ssyncpa.u1 $0x1  }
0x44: {  	[sflag:s31] =	ssyncpa.u1 $0x1  }
0x45: {  	p0 =	sne.s32 s0, $0x0;
	_ =	strace $0x9000004A  }
0x46: {  	s0 =	sadd.s32 @!p0 $0x100000, s3;
	[bflag:$0x2] =	sbarrier.arrive $0xFFFF  }
0x47: {  	[sflag:s0] =	ssyncadd.tile.s32 @!p0 $0x1;
	_ =	shalt  }
.Lfunc_end1:
_tile_overlayer_lowered:
.L_overlay_start_2:
0x48: {  	(tag) =	ssettag $0x2  }
0x49: {  	s0 =	rddreg [dreg:$0x0];
	s2 =	stileid.u32  }
0x4a: {  	s1 =	rddreg [dreg:$0x1];
	p0 =	sne.s32 s2, $0x0  }
0x4b: {  	s3 =	rddreg [dreg:$0x2];
	[bflag:$0x3] =	sbarrier.arrive $0xFFFF;
	s2 =	simm.s32 @!p0 $0x1C01  }
0x4c: {  	[timem:s3], [sflag:s2] =	dma.local @!p0 [hbm:s0], s1  }
0x4d: {  	s0 =	simm.s32 @!p0 $0x1  }
0x4e: {  	_ =	swait.ge @!p0 [sflag:s0], s1  }
0x4f: {  	s1 =	ssub.s32 @!p0 $0x0, s1;
	[sflag:s0] =	ssyncset.done @!p0 $0x0  }
0x50: {  	[sflag:s0] =	ssyncadd.s32 @!p0 s1  }
0x51: {  	[bflag:$0x3] =	sbarrier.arrive $0xFFFF  }
0x52: {  	_ =	shalt  }

</sc_bundles>
